<compile_context>
chip_gen: v7x
topology: tpu7x:2x2x1
jax: 0.10.2.dev20260603
libtpu: 0.0.44.dev20260713+nightly
codegen_flags: <defaults>
</compile_context>

<pallas_src>
import functools

import jax
import jax.numpy as jnp
from jax import lax
from jax.experimental import pallas as pl
from jax.experimental.pallas import tpu as pltpu
from jax.experimental.pallas import tpu_sc as plsc

_B = 4
_N = 4096
_SCQ = 64
_NT = _N - _SCQ
_BN = _NT // 2

_L = 16
_SB = 2

_NQ0 = _SCQ // 4
_NQ1 = _N // 4


def _cd_body(x1_ref, x2m_ref, d1_ref, d2_ref):
    nb = pl.program_id(1)
    x1 = x1_ref[0]
    x2m = x2m_ref[0]
    x1s = jnp.sum(x1 * x1, axis=1, keepdims=True)
    x2s = 0.25 * jnp.sum(x2m * x2m, axis=0, keepdims=True)
    inner2 = jax.lax.dot_general(
        x1, x2m, dimension_numbers=(((1,), (0,)), ((), ())),
        preferred_element_type=jnp.float32)
    d1_ref[0] = jnp.min(inner2 + x2s, axis=1, keepdims=True) + x1s
    part = jnp.min(inner2 + x1s, axis=0, keepdims=True) + x2s

    @pl.when(nb == 0)
    def _():
        d2_ref[0] = part

    @pl.when(nb > 0)
    def _():
        d2_ref[0] = jnp.minimum(d2_ref[0], part)


def _tc_part(xyz1_head, x2m):
    grid = (_B, _NT // _BN)
    M = _N
    d1, d2 = pl.pallas_call(
        _cd_body,
        grid=grid,
        in_specs=[
            pl.BlockSpec((1, _BN, 3), lambda b, i: (b, i, 0)),
            pl.BlockSpec((1, 3, M), lambda b, i: (b, 0, 0)),
        ],
        out_specs=[
            pl.BlockSpec((1, _BN, 1), lambda b, i: (b, i, 0)),
            pl.BlockSpec((1, 1, M), lambda b, i: (b, 0, 0)),
        ],
        out_shape=[
            jax.ShapeDtypeStruct((_B, _NT, 1), jnp.float32),
            jax.ShapeDtypeStruct((_B, 1, M), jnp.float32),
        ],
        compiler_params=pltpu.CompilerParams(
            dimension_semantics=("parallel", "arbitrary")),
    )(xyz1_head, x2m)
    return d1.reshape(_B, _NT), d2.reshape(_B, M)


def _bf16r(v):
    y = v * jnp.float32(65537.0)
    return y - (y - v)


def _sc_chamfer_body(x1x, x1y, x1z, x2x, x2y, x2z, d1t, d2p,
                     qx, qy, qz, qs, rx, ry, rz, rs, ov):
    nc = 2
    wid = lax.axis_index("s") * nc + lax.axis_index("c")
    b = wid % _B
    dr = (wid // _B) % 2
    c = wid // (_B * 2)

    qo0 = b * _N + _NT + c * _NQ0
    qo1 = b * _N + c * _NQ1
    ro = b * _N

    @pl.when(dr == 0)
    def _():
        pltpu.sync_copy(x1x.at[pl.ds(qo0, _NQ0)], qx.at[pl.ds(0, _NQ0)])
        pltpu.sync_copy(x1y.at[pl.ds(qo0, _NQ0)], qy.at[pl.ds(0, _NQ0)])
        pltpu.sync_copy(x1z.at[pl.ds(qo0, _NQ0)], qz.at[pl.ds(0, _NQ0)])
        pltpu.sync_copy(x2x.at[pl.ds(ro, _N)], rx)
        pltpu.sync_copy(x2y.at[pl.ds(ro, _N)], ry)
        pltpu.sync_copy(x2z.at[pl.ds(ro, _N)], rz)

    @pl.when(dr == 1)
    def _():
        pltpu.sync_copy(x2x.at[pl.ds(qo1, _NQ1)], qx)
        pltpu.sync_copy(x2y.at[pl.ds(qo1, _NQ1)], qy)
        pltpu.sync_copy(x2z.at[pl.ds(qo1, _NQ1)], qz)
        pltpu.sync_copy(x1x.at[pl.ds(ro + _NT, _SCQ)], rx.at[pl.ds(0, _SCQ)])
        pltpu.sync_copy(x1y.at[pl.ds(ro + _NT, _SCQ)], ry.at[pl.ds(0, _SCQ)])
        pltpu.sync_copy(x1z.at[pl.ds(ro + _NT, _SCQ)], rz.at[pl.ds(0, _SCQ)])

    def _rnorm(i, _):
        s = pl.ds(i * _L, _L)
        vx, vy, vz = rx[s], ry[s], rz[s]
        rs[s] = vx * vx + vy * vy + vz * vz
        rx[s] = _bf16r(vx)
        ry[s] = _bf16r(vy)
        rz[s] = _bf16r(vz)
        return 0

    lax.fori_loop(0, _N // _L, _rnorm, 0)

    def _qnorm(i, _):
        s = pl.ds(i * _L, _L)
        vx, vy, vz = qx[s], qy[s], qz[s]
        qs[s] = vx * vx + vy * vy + vz * vz
        qx[s] = -2.0 * _bf16r(vx)
        qy[s] = -2.0 * _bf16r(vy)
        qz[s] = -2.0 * _bf16r(vz)
        return 0

    lax.fori_loop(0, _NQ1 // _L, _qnorm, 0)

    inf16 = jnp.full((_L,), jnp.inf, jnp.float32)

    def _compute(n_sb, n_jc, nsb):
        def _superblock(sb, _):
            base = sb * (nsb * _L)
            mqx = [qx[pl.ds(base + t * _L, _L)] for t in range(nsb)]
            mqy = [qy[pl.ds(base + t * _L, _L)] for t in range(nsb)]
            mqz = [qz[pl.ds(base + t * _L, _L)] for t in range(nsb)]
            nqs = [qs[pl.ds(base + t * _L, _L)] for t in range(nsb)]

            def _jstep(jc, accs):
                s = pl.ds(jc * _L, _L)
                rx16, ry16, rz16, rs16 = rx[s], ry[s], rz[s], rs[s]
                spl = [(rx16[jj], ry16[jj], rz16[jj], rs16[jj])
                       for jj in range(_L)]
                accs = list(accs)
                for t in range(nsb):
                    ds = []
                    for jj in range(_L):
                        rxj, ryj, rzj, rsj = spl[jj]
                        ds.append((nqs[t] + rsj) + mqx[t] * rxj
                                  + mqy[t] * ryj + mqz[t] * rzj)
                    while len(ds) > 1:
                        ds = [jnp.minimum(ds[i], ds[i + 1])
                              for i in range(0, len(ds), 2)]
                    accs[t] = jnp.minimum(accs[t], ds[0])
                return tuple(accs)

            accs = lax.fori_loop(0, n_jc, _jstep, (inf16,) * nsb)
            for t in range(nsb):
                ov[pl.ds(base + t * _L, _L)] = accs[t]
            return 0

        lax.fori_loop(0, n_sb, _superblock, 0)

    @pl.when(dr == 0)
    def _():
        _compute(_NQ0 // _L, _N // _L, 1)
        pltpu.sync_copy(ov.at[pl.ds(0, _NQ0)],
                        d1t.at[pl.ds(b * _SCQ + c * _NQ0, _NQ0)])

    @pl.when(dr == 1)
    def _():
        _compute(_NQ1 // (_SB * _L), _SCQ // _L, _SB)
        pltpu.sync_copy(ov, d2p.at[pl.ds(qo1, _NQ1)])


def _sc_part(x1x, x1y, x1z, x2x, x2y, x2z):
    f32 = jnp.float32
    mesh = plsc.VectorSubcoreMesh(core_axis_name="c", subcore_axis_name="s")
    k = functools.partial(
        pl.kernel,
        mesh=mesh,
        out_type=[
            jax.ShapeDtypeStruct((_B * _SCQ,), f32),
            jax.ShapeDtypeStruct((_B * _N,), f32),
        ],
        scratch_types=[
            pltpu.VMEM((_NQ1,), f32),
            pltpu.VMEM((_NQ1,), f32),
            pltpu.VMEM((_NQ1,), f32),
            pltpu.VMEM((_NQ1,), f32),
            pltpu.VMEM((_N,), f32),
            pltpu.VMEM((_N,), f32),
            pltpu.VMEM((_N,), f32),
            pltpu.VMEM((_N,), f32),
            pltpu.VMEM((_NQ1,), f32),
        ],
    )(_sc_chamfer_body)
    return k(x1x, x1y, x1z, x2x, x2y, x2z)


@jax.jit
def kernel(xyz1, xyz2):
    B, N, _ = xyz1.shape
    M = xyz2.shape[1]
    x1x, x1y, x1z = [xyz1[:, :, k].reshape(-1) for k in range(3)]
    x2x, x2y, x2z = [xyz2[:, :, k].reshape(-1) for k in range(3)]
    d1tail, d2sc = _sc_part(x1x, x1y, x1z, x2x, x2y, x2z)
    x2m = jnp.transpose(-2.0 * xyz2, (0, 2, 1))
    d1head, d2tc = _tc_part(xyz1[:, :_NT, :], x2m)
    d1 = jnp.concatenate([d1head, d1tail.reshape(B, _SCQ)], axis=1)
    d2 = jnp.minimum(d2tc, d2sc.reshape(B, M))
    return d1, d2

# --- scband reference (transcript-rebuilt; emitter-appended) ---
"""Pipeline reference for scband-chamfer-distance-91079076479382 (READ-ONLY COPY).

The authoritative reference and input builder live on the scoring server;
editing this copy changes nothing except your own understanding.
"""

import jax, jax.numpy as jnp
import numpy as np


def setup_inputs(seed: int = 0) -> dict:
    key = jax.random.key(seed)
    k1, k2 = jax.random.split(key)
    xyz1 = jax.random.normal(k1, (4, 4096, 3), dtype=jnp.float32)
    xyz2 = jax.random.normal(k2, (4, 4096, 3), dtype=jnp.float32)
    return {"xyz1": xyz1, "xyz2": xyz2}


def reference(xyz1, xyz2):
    # Chamfer distance: for each point in xyz1, squared distance to the
    # nearest point in xyz2, and vice versa (matches cd.forward_cuda semantics).
    # Pairwise squared euclidean distances via ||x||^2 + ||y||^2 - 2 x.y
    x1s = jnp.sum(xyz1 * xyz1, axis=-1)  # [B, n]
    x2s = jnp.sum(xyz2 * xyz2, axis=-1)  # [B, m]
    inner = jnp.einsum('bnd,bmd->bnm', xyz1, xyz2)  # [B, n, m]
    d = x1s[:, :, None] + x2s[:, None, :] - 2.0 * inner  # [B, n, m]
    dist1 = jnp.min(d, axis=2)  # [B, n] nearest in xyz2 for each xyz1 point
    dist2 = jnp.min(d, axis=1)  # [B, m] nearest in xyz1 for each xyz2 point
    return (dist1, dist2)

if __name__ == "__main__":
    import jax
    _d = setup_inputs()
    print(jax.jit(kernel)(*tuple(_d.values())))

</pallas_src>

<mosaic_0001>
#map = affine_map<(d0, d1) -> (0)>
module attributes {stable_mosaic.version = 14 : i64} {
  func.func @_sc_chamfer_body(%arg0: i32, %arg1: i32, %arg2: memref<16384xf32, #tpu.memory_space<hbm>>, %arg3: memref<16384xf32, #tpu.memory_space<hbm>>, %arg4: memref<16384xf32, #tpu.memory_space<hbm>>, %arg5: memref<16384xf32, #tpu.memory_space<hbm>>, %arg6: memref<16384xf32, #tpu.memory_space<hbm>>, %arg7: memref<16384xf32, #tpu.memory_space<hbm>>, %arg8: memref<256xf32, #tpu.memory_space<hbm>>, %arg9: memref<16384xf32, #tpu.memory_space<hbm>>, %arg10: memref<1024xf32, #tpu.memory_space<vmem>>, %arg11: memref<1024xf32, #tpu.memory_space<vmem>>, %arg12: memref<1024xf32, #tpu.memory_space<vmem>>, %arg13: memref<1024xf32, #tpu.memory_space<vmem>>, %arg14: memref<4096xf32, #tpu.memory_space<vmem>>, %arg15: memref<4096xf32, #tpu.memory_space<vmem>>, %arg16: memref<4096xf32, #tpu.memory_space<vmem>>, %arg17: memref<4096xf32, #tpu.memory_space<vmem>>, %arg18: memref<1024xf32, #tpu.memory_space<vmem>>) attributes {dimension_semantics = [#tpu.dimension_semantics<core_parallel>, #tpu.dimension_semantics<subcore_parallel>], iteration_bounds = array<i64: 2, 16>, scalar_prefetch = 0 : i64, scratch_operands = 9 : i64, tpu.core_type = #tpu.core_type<sc_vector_subcore>, window_params = [{transform_indices = #map}, {transform_indices = #map}, {transform_indices = #map}, {transform_indices = #map}, {transform_indices = #map}, {transform_indices = #map}, {transform_indices = #map}, {transform_indices = #map}]} {
    %mul3A = arith.constant 2 : i32
    %mul3A_0 = arith.muli %arg1, %mul3A : i32
    %add3A = arith.addi %mul3A_0, %arg0 : i32
    %jit3A = arith.constant 4 : i32
    %eq3A = arith.constant 0 : i32
    %eq3A_1 = arith.cmpi eq, %jit3A, %eq3A : i32
    %jit3A_2 = arith.constant 1 : i32
    %select_n3A = arith.select %eq3A_1, %jit3A_2, %jit3A : i32
    %rem3A = arith.remsi %add3A, %select_n3A : i32
    %ne3A = arith.constant 0 : i32
    %ne3A_3 = arith.cmpi ne, %rem3A, %ne3A : i32
    %lt3A = arith.constant 0 : i32
    %lt3A_4 = arith.cmpi slt, %rem3A, %lt3A : i32
    %lt3A_5 = arith.constant 0 : i32
    %lt3A_6 = arith.cmpi slt, %select_n3A, %lt3A_5 : i32
    %ne3A_7 = arith.xori %lt3A_4, %lt3A_6 : i1
    %and3A = arith.andi %ne3A_7, %ne3A_3 : i1
    %add3A_8 = arith.addi %rem3A, %select_n3A : i32
    %select_n3A_9 = arith.select %and3A, %add3A_8, %rem3A : i32
    %jit3A_10 = arith.constant 4 : i32
    %div3A = arith.divsi %add3A, %jit3A_10 : i32
    %sign3A = arith.constant 0 : i32
    %sign3A_11 = arith.cmpi sgt, %add3A, %sign3A : i32
    %sign3A_12 = arith.extui %sign3A_11 : i1 to i32
    %sign3A_13 = arith.constant 0 : i32
    %sign3A_14 = arith.cmpi slt, %add3A, %sign3A_13 : i32
    %sign3A_15 = arith.extui %sign3A_14 : i1 to i32
    %sign3A_16 = arith.subi %sign3A_12, %sign3A_15 : i32
    %sign3A_17 = arith.constant 0 : i32
    %sign3A_18 = arith.cmpi sgt, %jit3A_10, %sign3A_17 : i32
    %sign3A_19 = arith.extui %sign3A_18 : i1 to i32
    %sign3A_20 = arith.constant 0 : i32
    %sign3A_21 = arith.cmpi slt, %jit3A_10, %sign3A_20 : i32
    %sign3A_22 = arith.extui %sign3A_21 : i1 to i32
    %sign3A_23 = arith.subi %sign3A_19, %sign3A_22 : i32
    %ne3A_24 = arith.cmpi ne, %sign3A_16, %sign3A_23 : i32
    %rem3A_25 = arith.remsi %add3A, %jit3A_10 : i32
    %ne3A_26 = arith.constant 0 : i32
    %ne3A_27 = arith.cmpi ne, %rem3A_25, %ne3A_26 : i32
    %and3A_28 = arith.andi %ne3A_24, %ne3A_27 : i1
    %sub3A = arith.constant 1 : i32
    %sub3A_29 = arith.subi %div3A, %sub3A : i32
    %select_n3A_30 = arith.select %and3A_28, %sub3A_29, %div3A : i32
    %jit3A_31 = arith.constant 2 : i32
    %eq3A_32 = arith.constant 0 : i32
    %eq3A_33 = arith.cmpi eq, %jit3A_31, %eq3A_32 : i32
    %jit3A_34 = arith.constant 1 : i32
    %select_n3A_35 = arith.select %eq3A_33, %jit3A_34, %jit3A_31 : i32
    %rem3A_36 = arith.remsi %select_n3A_30, %select_n3A_35 : i32
    %ne3A_37 = arith.constant 0 : i32
    %ne3A_38 = arith.cmpi ne, %rem3A_36, %ne3A_37 : i32
    %lt3A_39 = arith.constant 0 : i32
    %lt3A_40 = arith.cmpi slt, %rem3A_36, %lt3A_39 : i32
    %lt3A_41 = arith.constant 0 : i32
    %lt3A_42 = arith.cmpi slt, %select_n3A_35, %lt3A_41 : i32
    %ne3A_43 = arith.xori %lt3A_40, %lt3A_42 : i1
    %and3A_44 = arith.andi %ne3A_43, %ne3A_38 : i1
    %add3A_45 = arith.addi %rem3A_36, %select_n3A_35 : i32
    %select_n3A_46 = arith.select %and3A_44, %add3A_45, %rem3A_36 : i32
    %jit3A_47 = arith.constant 8 : i32
    %div3A_48 = arith.divsi %add3A, %jit3A_47 : i32
    %sign3A_49 = arith.constant 0 : i32
    %sign3A_50 = arith.cmpi sgt, %add3A, %sign3A_49 : i32
    %sign3A_51 = arith.extui %sign3A_50 : i1 to i32
    %sign3A_52 = arith.constant 0 : i32
    %sign3A_53 = arith.cmpi slt, %add3A, %sign3A_52 : i32
    %sign3A_54 = arith.extui %sign3A_53 : i1 to i32
    %sign3A_55 = arith.subi %sign3A_51, %sign3A_54 : i32
    %sign3A_56 = arith.constant 0 : i32
    %sign3A_57 = arith.cmpi sgt, %jit3A_47, %sign3A_56 : i32
    %sign3A_58 = arith.extui %sign3A_57 : i1 to i32
    %sign3A_59 = arith.constant 0 : i32
    %sign3A_60 = arith.cmpi slt, %jit3A_47, %sign3A_59 : i32
    %sign3A_61 = arith.extui %sign3A_60 : i1 to i32
    %sign3A_62 = arith.subi %sign3A_58, %sign3A_61 : i32
    %ne3A_63 = arith.cmpi ne, %sign3A_55, %sign3A_62 : i32
    %rem3A_64 = arith.remsi %add3A, %jit3A_47 : i32
    %ne3A_65 = arith.constant 0 : i32
    %ne3A_66 = arith.cmpi ne, %rem3A_64, %ne3A_65 : i32
    %and3A_67 = arith.andi %ne3A_63, %ne3A_66 : i1
    %sub3A_68 = arith.constant 1 : i32
    %sub3A_69 = arith.subi %div3A_48, %sub3A_68 : i32
    %select_n3A_70 = arith.select %and3A_67, %sub3A_69, %div3A_48 : i32
    %mul3A_71 = arith.constant 4096 : i32
    %mul3A_72 = arith.muli %select_n3A_9, %mul3A_71 : i32
    %add3A_73 = arith.constant 4032 : i32
    %add3A_74 = arith.addi %mul3A_72, %add3A_73 : i32
    %mul3A_75 = arith.constant 16 : i32
    %mul3A_76 = arith.muli %select_n3A_70, %mul3A_75 : i32
    %add3A_77 = arith.addi %add3A_74, %mul3A_76 : i32
    %mul3A_78 = arith.constant 4096 : i32
    %mul3A_79 = arith.muli %select_n3A_9, %mul3A_78 : i32
    %mul3A_80 = arith.constant 1024 : i32
    %mul3A_81 = arith.muli %select_n3A_70, %mul3A_80 : i32
    %add3A_82 = arith.addi %mul3A_79, %mul3A_81 : i32
    %mul3A_83 = arith.constant 4096 : i32
    %mul3A_84 = arith.muli %select_n3A_9, %mul3A_83 : i32
    %eq3A_85 = arith.constant 0 : i32
    %eq3A_86 = arith.cmpi eq, %select_n3A_46, %eq3A_85 : i32
    %convert_element_type3A = arith.extui %eq3A_86 : i1 to i32
    %cond3A = arith.constant 0 : i32
    %cond3A_87 = arith.cmpi ne, %convert_element_type3A, %cond3A : i32
    scf.if %cond3A_87 {
      "tpu.region"() ({
        %run_scoped3A = tpu.sem_alloc : memref<!tpu.dma_semaphore, #tpu.memory_space<semaphore_mem>>
        %dma_start3A = arith.constant 0 : i32
        %dma_start3A_117 = tpu.memref_slice %arg10[%dma_start3A] : memref<1024xf32, #tpu.memory_space<vmem>> -> memref<16xf32, #tpu.memory_space<vmem>>
        %dma_start3A_118 = tpu.memref_slice %arg2[%add3A_77] : memref<16384xf32, #tpu.memory_space<hbm>> -> memref<16xf32, #tpu.memory_space<hbm>>
        %dma_start3A_119 = arith.constant 0 : i32
        %dma_start3A_120 = tpu.memref_slice %arg10[%dma_start3A_119] : memref<1024xf32, #tpu.memory_space<vmem>> -> memref<16xf32, #tpu.memory_space<vmem>>
        %dma_start3A_121 = tpu.memref_slice %arg2[%add3A_77] : memref<16384xf32, #tpu.memory_space<hbm>> -> memref<16xf32, #tpu.memory_space<hbm>>
        tpu.enqueue_dma source(%dma_start3A_121 : memref<16xf32, #tpu.memory_space<hbm>>) target(%dma_start3A_120 : memref<16xf32, #tpu.memory_space<vmem>>) target_semaphore(%run_scoped3A : memref<!tpu.dma_semaphore, #tpu.memory_space<semaphore_mem>>)
        %dma_wait3A = arith.constant 0 : i32
        %dma_wait3A_122 = tpu.memref_slice %arg10[%dma_wait3A] : memref<1024xf32, #tpu.memory_space<vmem>> -> memref<16xf32, #tpu.memory_space<vmem>>
        %dma_wait3A_123 = tpu.memref_slice %arg2[%add3A_77] : memref<16384xf32, #tpu.memory_space<hbm>> -> memref<16xf32, #tpu.memory_space<hbm>>
        %dma_wait3A_124 = arith.constant 0 : i32
        %dma_wait3A_125 = tpu.memref_slice %arg10[%dma_wait3A_124] : memref<1024xf32, #tpu.memory_space<vmem>> -> memref<16xf32, #tpu.memory_space<vmem>>
        %dma_wait3A_126 = tpu.memref_slice %arg2[%add3A_77] : memref<16384xf32, #tpu.memory_space<hbm>> -> memref<16xf32, #tpu.memory_space<hbm>>
        tpu.wait_dma2 semaphore(%run_scoped3A : memref<!tpu.dma_semaphore, #tpu.memory_space<semaphore_mem>>) src(%dma_wait3A_126 : memref<16xf32, #tpu.memory_space<hbm>>) dst(%dma_wait3A_125 : memref<16xf32, #tpu.memory_space<vmem>>)
        tpu.yield
      }) : () -> ()
      "tpu.region"() ({
        %run_scoped3A = tpu.sem_alloc : memref<!tpu.dma_semaphore, #tpu.memory_space<semaphore_mem>>
        %dma_start3A = arith.constant 0 : i32
        %dma_start3A_117 = tpu.memref_slice %arg11[%dma_start3A] : memref<1024xf32, #tpu.memory_space<vmem>> -> memref<16xf32, #tpu.memory_space<vmem>>
        %dma_start3A_118 = tpu.memref_slice %arg3[%add3A_77] : memref<16384xf32, #tpu.memory_space<hbm>> -> memref<16xf32, #tpu.memory_space<hbm>>
        %dma_start3A_119 = arith.constant 0 : i32
        %dma_start3A_120 = tpu.memref_slice %arg11[%dma_start3A_119] : memref<1024xf32, #tpu.memory_space<vmem>> -> memref<16xf32, #tpu.memory_space<vmem>>
        %dma_start3A_121 = tpu.memref_slice %arg3[%add3A_77] : memref<16384xf32, #tpu.memory_space<hbm>> -> memref<16xf32, #tpu.memory_space<hbm>>
        tpu.enqueue_dma source(%dma_start3A_121 : memref<16xf32, #tpu.memory_space<hbm>>) target(%dma_start3A_120 : memref<16xf32, #tpu.memory_space<vmem>>) target_semaphore(%run_scoped3A : memref<!tpu.dma_semaphore, #tpu.memory_space<semaphore_mem>>)
        %dma_wait3A = arith.constant 0 : i32
        %dma_wait3A_122 = tpu.memref_slice %arg11[%dma_wait3A] : memref<1024xf32, #tpu.memory_space<vmem>> -> memref<16xf32, #tpu.memory_space<vmem>>
        %dma_wait3A_123 = tpu.memref_slice %arg3[%add3A_77] : memref<16384xf32, #tpu.memory_space<hbm>> -> memref<16xf32, #tpu.memory_space<hbm>>
        %dma_wait3A_124 = arith.constant 0 : i32
        %dma_wait3A_125 = tpu.memref_slice %arg11[%dma_wait3A_124] : memref<1024xf32, #tpu.memory_space<vmem>> -> memref<16xf32, #tpu.memory_space<vmem>>
        %dma_wait3A_126 = tpu.memref_slice %arg3[%add3A_77] : memref<16384xf32, #tpu.memory_space<hbm>> -> memref<16xf32, #tpu.memory_space<hbm>>
        tpu.wait_dma2 semaphore(%run_scoped3A : memref<!tpu.dma_semaphore, #tpu.memory_space<semaphore_mem>>) src(%dma_wait3A_126 : memref<16xf32, #tpu.memory_space<hbm>>) dst(%dma_wait3A_125 : memref<16xf32, #tpu.memory_space<vmem>>)
        tpu.yield
      }) : () -> ()
      "tpu.region"() ({
        %run_scoped3A = tpu.sem_alloc : memref<!tpu.dma_semaphore, #tpu.memory_space<semaphore_mem>>
        %dma_start3A = arith.constant 0 : i32
        %dma_start3A_117 = tpu.memref_slice %arg12[%dma_start3A] : memref<1024xf32, #tpu.memory_space<vmem>> -> memref<16xf32, #tpu.memory_space<vmem>>
        %dma_start3A_118 = tpu.memref_slice %arg4[%add3A_77] : memref<16384xf32, #tpu.memory_space<hbm>> -> memref<16xf32, #tpu.memory_space<hbm>>
        %dma_start3A_119 = arith.constant 0 : i32
        %dma_start3A_120 = tpu.memref_slice %arg12[%dma_start3A_119] : memref<1024xf32, #tpu.memory_space<vmem>> -> memref<16xf32, #tpu.memory_space<vmem>>
        %dma_start3A_121 = tpu.memref_slice %arg4[%add3A_77] : memref<16384xf32, #tpu.memory_space<hbm>> -> memref<16xf32, #tpu.memory_space<hbm>>
        tpu.enqueue_dma source(%dma_start3A_121 : memref<16xf32, #tpu.memory_space<hbm>>) target(%dma_start3A_120 : memref<16xf32, #tpu.memory_space<vmem>>) target_semaphore(%run_scoped3A : memref<!tpu.dma_semaphore, #tpu.memory_space<semaphore_mem>>)
        %dma_wait3A = arith.constant 0 : i32
        %dma_wait3A_122 = tpu.memref_slice %arg12[%dma_wait3A] : memref<1024xf32, #tpu.memory_space<vmem>> -> memref<16xf32, #tpu.memory_space<vmem>>
        %dma_wait3A_123 = tpu.memref_slice %arg4[%add3A_77] : memref<16384xf32, #tpu.memory_space<hbm>> -> memref<16xf32, #tpu.memory_space<hbm>>
        %dma_wait3A_124 = arith.constant 0 : i32
        %dma_wait3A_125 = tpu.memref_slice %arg12[%dma_wait3A_124] : memref<1024xf32, #tpu.memory_space<vmem>> -> memref<16xf32, #tpu.memory_space<vmem>>
        %dma_wait3A_126 = tpu.memref_slice %arg4[%add3A_77] : memref<16384xf32, #tpu.memory_space<hbm>> -> memref<16xf32, #tpu.memory_space<hbm>>
        tpu.wait_dma2 semaphore(%run_scoped3A : memref<!tpu.dma_semaphore, #tpu.memory_space<semaphore_mem>>) src(%dma_wait3A_126 : memref<16xf32, #tpu.memory_space<hbm>>) dst(%dma_wait3A_125 : memref<16xf32, #tpu.memory_space<vmem>>)
        tpu.yield
      }) : () -> ()
      "tpu.region"() ({
        %run_scoped3A = tpu.sem_alloc : memref<!tpu.dma_semaphore, #tpu.memory_space<semaphore_mem>>
        %dma_start3A = tpu.memref_slice %arg5[%mul3A_84] : memref<16384xf32, #tpu.memory_space<hbm>> -> memref<4096xf32, #tpu.memory_space<hbm>>
        %dma_start3A_117 = tpu.memref_slice %arg5[%mul3A_84] : memref<16384xf32, #tpu.memory_space<hbm>> -> memref<4096xf32, #tpu.memory_space<hbm>>
        tpu.enqueue_dma source(%dma_start3A_117 : memref<4096xf32, #tpu.memory_space<hbm>>) target(%arg14 : memref<4096xf32, #tpu.memory_space<vmem>>) target_semaphore(%run_scoped3A : memref<!tpu.dma_semaphore, #tpu.memory_space<semaphore_mem>>)
        %dma_wait3A = tpu.memref_slice %arg5[%mul3A_84] : memref<16384xf32, #tpu.memory_space<hbm>> -> memref<4096xf32, #tpu.memory_space<hbm>>
        %dma_wait3A_118 = tpu.memref_slice %arg5[%mul3A_84] : memref<16384xf32, #tpu.memory_space<hbm>> -> memref<4096xf32, #tpu.memory_space<hbm>>
        tpu.wait_dma2 semaphore(%run_scoped3A : memref<!tpu.dma_semaphore, #tpu.memory_space<semaphore_mem>>) src(%dma_wait3A_118 : memref<4096xf32, #tpu.memory_space<hbm>>) dst(%arg14 : memref<4096xf32, #tpu.memory_space<vmem>>)
        tpu.yield
      }) : () -> ()
      "tpu.region"() ({
        %run_scoped3A = tpu.sem_alloc : memref<!tpu.dma_semaphore, #tpu.memory_space<semaphore_mem>>
        %dma_start3A = tpu.memref_slice %arg6[%mul3A_84] : memref<16384xf32, #tpu.memory_space<hbm>> -> memref<4096xf32, #tpu.memory_space<hbm>>
        %dma_start3A_117 = tpu.memref_slice %arg6[%mul3A_84] : memref<16384xf32, #tpu.memory_space<hbm>> -> memref<4096xf32, #tpu.memory_space<hbm>>
        tpu.enqueue_dma source(%dma_start3A_117 : memref<4096xf32, #tpu.memory_space<hbm>>) target(%arg15 : memref<4096xf32, #tpu.memory_space<vmem>>) target_semaphore(%run_scoped3A : memref<!tpu.dma_semaphore, #tpu.memory_space<semaphore_mem>>)
        %dma_wait3A = tpu.memref_slice %arg6[%mul3A_84] : memref<16384xf32, #tpu.memory_space<hbm>> -> memref<4096xf32, #tpu.memory_space<hbm>>
        %dma_wait3A_118 = tpu.memref_slice %arg6[%mul3A_84] : memref<16384xf32, #tpu.memory_space<hbm>> -> memref<4096xf32, #tpu.memory_space<hbm>>
        tpu.wait_dma2 semaphore(%run_scoped3A : memref<!tpu.dma_semaphore, #tpu.memory_space<semaphore_mem>>) src(%dma_wait3A_118 : memref<4096xf32, #tpu.memory_space<hbm>>) dst(%arg15 : memref<4096xf32, #tpu.memory_space<vmem>>)
        tpu.yield
      }) : () -> ()
      "tpu.region"() ({
        %run_scoped3A = tpu.sem_alloc : memref<!tpu.dma_semaphore, #tpu.memory_space<semaphore_mem>>
        %dma_start3A = tpu.memref_slice %arg7[%mul3A_84] : memref<16384xf32, #tpu.memory_space<hbm>> -> memref<4096xf32, #tpu.memory_space<hbm>>
        %dma_start3A_117 = tpu.memref_slice %arg7[%mul3A_84] : memref<16384xf32, #tpu.memory_space<hbm>> -> memref<4096xf32, #tpu.memory_space<hbm>>
        tpu.enqueue_dma source(%dma_start3A_117 : memref<4096xf32, #tpu.memory_space<hbm>>) target(%arg16 : memref<4096xf32, #tpu.memory_space<vmem>>) target_semaphore(%run_scoped3A : memref<!tpu.dma_semaphore, #tpu.memory_space<semaphore_mem>>)
        %dma_wait3A = tpu.memref_slice %arg7[%mul3A_84] : memref<16384xf32, #tpu.memory_space<hbm>> -> memref<4096xf32, #tpu.memory_space<hbm>>
        %dma_wait3A_118 = tpu.memref_slice %arg7[%mul3A_84] : memref<16384xf32, #tpu.memory_space<hbm>> -> memref<4096xf32, #tpu.memory_space<hbm>>
        tpu.wait_dma2 semaphore(%run_scoped3A : memref<!tpu.dma_semaphore, #tpu.memory_space<semaphore_mem>>) src(%dma_wait3A_118 : memref<4096xf32, #tpu.memory_space<hbm>>) dst(%arg16 : memref<4096xf32, #tpu.memory_space<vmem>>)
        tpu.yield
      }) : () -> ()
    } else {
    }
    %eq3A_88 = arith.constant 1 : i32
    %eq3A_89 = arith.cmpi eq, %select_n3A_46, %eq3A_88 : i32
    %convert_element_type3A_90 = arith.extui %eq3A_89 : i1 to i32
    %cond3A_91 = arith.constant 0 : i32
    %cond3A_92 = arith.cmpi ne, %convert_element_type3A_90, %cond3A_91 : i32
    scf.if %cond3A_92 {
      "tpu.region"() ({
        %run_scoped3A = tpu.sem_alloc : memref<!tpu.dma_semaphore, #tpu.memory_space<semaphore_mem>>
        %dma_start3A = tpu.memref_slice %arg5[%add3A_82] : memref<16384xf32, #tpu.memory_space<hbm>> -> memref<1024xf32, #tpu.memory_space<hbm>>
        %dma_start3A_123 = tpu.memref_slice %arg5[%add3A_82] : memref<16384xf32, #tpu.memory_space<hbm>> -> memref<1024xf32, #tpu.memory_space<hbm>>
        tpu.enqueue_dma source(%dma_start3A_123 : memref<1024xf32, #tpu.memory_space<hbm>>) target(%arg10 : memref<1024xf32, #tpu.memory_space<vmem>>) target_semaphore(%run_scoped3A : memref<!tpu.dma_semaphore, #tpu.memory_space<semaphore_mem>>)
        %dma_wait3A = tpu.memref_slice %arg5[%add3A_82] : memref<16384xf32, #tpu.memory_space<hbm>> -> memref<1024xf32, #tpu.memory_space<hbm>>
        %dma_wait3A_124 = tpu.memref_slice %arg5[%add3A_82] : memref<16384xf32, #tpu.memory_space<hbm>> -> memref<1024xf32, #tpu.memory_space<hbm>>
        tpu.wait_dma2 semaphore(%run_scoped3A : memref<!tpu.dma_semaphore, #tpu.memory_space<semaphore_mem>>) src(%dma_wait3A_124 : memref<1024xf32, #tpu.memory_space<hbm>>) dst(%arg10 : memref<1024xf32, #tpu.memory_space<vmem>>)
        tpu.yield
      }) : () -> ()
      "tpu.region"() ({
        %run_scoped3A = tpu.sem_alloc : memref<!tpu.dma_semaphore, #tpu.memory_space<semaphore_mem>>
        %dma_start3A = tpu.memref_slice %arg6[%add3A_82] : memref<16384xf32, #tpu.memory_space<hbm>> -> memref<1024xf32, #tpu.memory_space<hbm>>
        %dma_start3A_123 = tpu.memref_slice %arg6[%add3A_82] : memref<16384xf32, #tpu.memory_space<hbm>> -> memref<1024xf32, #tpu.memory_space<hbm>>
        tpu.enqueue_dma source(%dma_start3A_123 : memref<1024xf32, #tpu.memory_space<hbm>>) target(%arg11 : memref<1024xf32, #tpu.memory_space<vmem>>) target_semaphore(%run_scoped3A : memref<!tpu.dma_semaphore, #tpu.memory_space<semaphore_mem>>)
        %dma_wait3A = tpu.memref_slice %arg6[%add3A_82] : memref<16384xf32, #tpu.memory_space<hbm>> -> memref<1024xf32, #tpu.memory_space<hbm>>
        %dma_wait3A_124 = tpu.memref_slice %arg6[%add3A_82] : memref<16384xf32, #tpu.memory_space<hbm>> -> memref<1024xf32, #tpu.memory_space<hbm>>
        tpu.wait_dma2 semaphore(%run_scoped3A : memref<!tpu.dma_semaphore, #tpu.memory_space<semaphore_mem>>) src(%dma_wait3A_124 : memref<1024xf32, #tpu.memory_space<hbm>>) dst(%arg11 : memref<1024xf32, #tpu.memory_space<vmem>>)
        tpu.yield
      }) : () -> ()
      "tpu.region"() ({
        %run_scoped3A = tpu.sem_alloc : memref<!tpu.dma_semaphore, #tpu.memory_space<semaphore_mem>>
        %dma_start3A = tpu.memref_slice %arg7[%add3A_82] : memref<16384xf32, #tpu.memory_space<hbm>> -> memref<1024xf32, #tpu.memory_space<hbm>>
        %dma_start3A_123 = tpu.memref_slice %arg7[%add3A_82] : memref<16384xf32, #tpu.memory_space<hbm>> -> memref<1024xf32, #tpu.memory_space<hbm>>
        tpu.enqueue_dma source(%dma_start3A_123 : memref<1024xf32, #tpu.memory_space<hbm>>) target(%arg12 : memref<1024xf32, #tpu.memory_space<vmem>>) target_semaphore(%run_scoped3A : memref<!tpu.dma_semaphore, #tpu.memory_space<semaphore_mem>>)
        %dma_wait3A = tpu.memref_slice %arg7[%add3A_82] : memref<16384xf32, #tpu.memory_space<hbm>> -> memref<1024xf32, #tpu.memory_space<hbm>>
        %dma_wait3A_124 = tpu.memref_slice %arg7[%add3A_82] : memref<16384xf32, #tpu.memory_space<hbm>> -> memref<1024xf32, #tpu.memory_space<hbm>>
        tpu.wait_dma2 semaphore(%run_scoped3A : memref<!tpu.dma_semaphore, #tpu.memory_space<semaphore_mem>>) src(%dma_wait3A_124 : memref<1024xf32, #tpu.memory_space<hbm>>) dst(%arg12 : memref<1024xf32, #tpu.memory_space<vmem>>)
        tpu.yield
      }) : () -> ()
      %add3A_117 = arith.constant 4032 : i32
      %add3A_118 = arith.addi %mul3A_84, %add3A_117 : i32
      "tpu.region"() ({
        %run_scoped3A = tpu.sem_alloc : memref<!tpu.dma_semaphore, #tpu.memory_space<semaphore_mem>>
        %dma_start3A = arith.constant 0 : i32
        %dma_start3A_123 = tpu.memref_slice %arg14[%dma_start3A] : memref<4096xf32, #tpu.memory_space<vmem>> -> memref<64xf32, #tpu.memory_space<vmem>>
        %dma_start3A_124 = tpu.memref_slice %arg2[%add3A_118] : memref<16384xf32, #tpu.memory_space<hbm>> -> memref<64xf32, #tpu.memory_space<hbm>>
        %dma_start3A_125 = arith.constant 0 : i32
        %dma_start3A_126 = tpu.memref_slice %arg14[%dma_start3A_125] : memref<4096xf32, #tpu.memory_space<vmem>> -> memref<64xf32, #tpu.memory_space<vmem>>
        %dma_start3A_127 = tpu.memref_slice %arg2[%add3A_118] : memref<16384xf32, #tpu.memory_space<hbm>> -> memref<64xf32, #tpu.memory_space<hbm>>
        tpu.enqueue_dma source(%dma_start3A_127 : memref<64xf32, #tpu.memory_space<hbm>>) target(%dma_start3A_126 : memref<64xf32, #tpu.memory_space<vmem>>) target_semaphore(%run_scoped3A : memref<!tpu.dma_semaphore, #tpu.memory_space<semaphore_mem>>)
        %dma_wait3A = arith.constant 0 : i32
        %dma_wait3A_128 = tpu.memref_slice %arg14[%dma_wait3A] : memref<4096xf32, #tpu.memory_space<vmem>> -> memref<64xf32, #tpu.memory_space<vmem>>
        %dma_wait3A_129 = tpu.memref_slice %arg2[%add3A_118] : memref<16384xf32, #tpu.memory_space<hbm>> -> memref<64xf32, #tpu.memory_space<hbm>>
        %dma_wait3A_130 = arith.constant 0 : i32
        %dma_wait3A_131 = tpu.memref_slice %arg14[%dma_wait3A_130] : memref<4096xf32, #tpu.memory_space<vmem>> -> memref<64xf32, #tpu.memory_space<vmem>>
        %dma_wait3A_132 = tpu.memref_slice %arg2[%add3A_118] : memref<16384xf32, #tpu.memory_space<hbm>> -> memref<64xf32, #tpu.memory_space<hbm>>
        tpu.wait_dma2 semaphore(%run_scoped3A : memref<!tpu.dma_semaphore, #tpu.memory_space<semaphore_mem>>) src(%dma_wait3A_132 : memref<64xf32, #tpu.memory_space<hbm>>) dst(%dma_wait3A_131 : memref<64xf32, #tpu.memory_space<vmem>>)
        tpu.yield
      }) : () -> ()
      %add3A_119 = arith.constant 4032 : i32
      %add3A_120 = arith.addi %mul3A_84, %add3A_119 : i32
      "tpu.region"() ({
        %run_scoped3A = tpu.sem_alloc : memref<!tpu.dma_semaphore, #tpu.memory_space<semaphore_mem>>
        %dma_start3A = arith.constant 0 : i32
        %dma_start3A_123 = tpu.memref_slice %arg15[%dma_start3A] : memref<4096xf32, #tpu.memory_space<vmem>> -> memref<64xf32, #tpu.memory_space<vmem>>
        %dma_start3A_124 = tpu.memref_slice %arg3[%add3A_120] : memref<16384xf32, #tpu.memory_space<hbm>> -> memref<64xf32, #tpu.memory_space<hbm>>
        %dma_start3A_125 = arith.constant 0 : i32
        %dma_start3A_126 = tpu.memref_slice %arg15[%dma_start3A_125] : memref<4096xf32, #tpu.memory_space<vmem>> -> memref<64xf32, #tpu.memory_space<vmem>>
        %dma_start3A_127 = tpu.memref_slice %arg3[%add3A_120] : memref<16384xf32, #tpu.memory_space<hbm>> -> memref<64xf32, #tpu.memory_space<hbm>>
        tpu.enqueue_dma source(%dma_start3A_127 : memref<64xf32, #tpu.memory_space<hbm>>) target(%dma_start3A_126 : memref<64xf32, #tpu.memory_space<vmem>>) target_semaphore(%run_scoped3A : memref<!tpu.dma_semaphore, #tpu.memory_space<semaphore_mem>>)
        %dma_wait3A = arith.constant 0 : i32
        %dma_wait3A_128 = tpu.memref_slice %arg15[%dma_wait3A] : memref<4096xf32, #tpu.memory_space<vmem>> -> memref<64xf32, #tpu.memory_space<vmem>>
        %dma_wait3A_129 = tpu.memref_slice %arg3[%add3A_120] : memref<16384xf32, #tpu.memory_space<hbm>> -> memref<64xf32, #tpu.memory_space<hbm>>
        %dma_wait3A_130 = arith.constant 0 : i32
        %dma_wait3A_131 = tpu.memref_slice %arg15[%dma_wait3A_130] : memref<4096xf32, #tpu.memory_space<vmem>> -> memref<64xf32, #tpu.memory_space<vmem>>
        %dma_wait3A_132 = tpu.memref_slice %arg3[%add3A_120] : memref<16384xf32, #tpu.memory_space<hbm>> -> memref<64xf32, #tpu.memory_space<hbm>>
        tpu.wait_dma2 semaphore(%run_scoped3A : memref<!tpu.dma_semaphore, #tpu.memory_space<semaphore_mem>>) src(%dma_wait3A_132 : memref<64xf32, #tpu.memory_space<hbm>>) dst(%dma_wait3A_131 : memref<64xf32, #tpu.memory_space<vmem>>)
        tpu.yield
      }) : () -> ()
      %add3A_121 = arith.constant 4032 : i32
      %add3A_122 = arith.addi %mul3A_84, %add3A_121 : i32
      "tpu.region"() ({
        %run_scoped3A = tpu.sem_alloc : memref<!tpu.dma_semaphore, #tpu.memory_space<semaphore_mem>>
        %dma_start3A = arith.constant 0 : i32
        %dma_start3A_123 = tpu.memref_slice %arg16[%dma_start3A] : memref<4096xf32, #tpu.memory_space<vmem>> -> memref<64xf32, #tpu.memory_space<vmem>>
        %dma_start3A_124 = tpu.memref_slice %arg4[%add3A_122] : memref<16384xf32, #tpu.memory_space<hbm>> -> memref<64xf32, #tpu.memory_space<hbm>>
        %dma_start3A_125 = arith.constant 0 : i32
        %dma_start3A_126 = tpu.memref_slice %arg16[%dma_start3A_125] : memref<4096xf32, #tpu.memory_space<vmem>> -> memref<64xf32, #tpu.memory_space<vmem>>
        %dma_start3A_127 = tpu.memref_slice %arg4[%add3A_122] : memref<16384xf32, #tpu.memory_space<hbm>> -> memref<64xf32, #tpu.memory_space<hbm>>
        tpu.enqueue_dma source(%dma_start3A_127 : memref<64xf32, #tpu.memory_space<hbm>>) target(%dma_start3A_126 : memref<64xf32, #tpu.memory_space<vmem>>) target_semaphore(%run_scoped3A : memref<!tpu.dma_semaphore, #tpu.memory_space<semaphore_mem>>)
        %dma_wait3A = arith.constant 0 : i32
        %dma_wait3A_128 = tpu.memref_slice %arg16[%dma_wait3A] : memref<4096xf32, #tpu.memory_space<vmem>> -> memref<64xf32, #tpu.memory_space<vmem>>
        %dma_wait3A_129 = tpu.memref_slice %arg4[%add3A_122] : memref<16384xf32, #tpu.memory_space<hbm>> -> memref<64xf32, #tpu.memory_space<hbm>>
        %dma_wait3A_130 = arith.constant 0 : i32
        %dma_wait3A_131 = tpu.memref_slice %arg16[%dma_wait3A_130] : memref<4096xf32, #tpu.memory_space<vmem>> -> memref<64xf32, #tpu.memory_space<vmem>>
        %dma_wait3A_132 = tpu.memref_slice %arg4[%add3A_122] : memref<16384xf32, #tpu.memory_space<hbm>> -> memref<64xf32, #tpu.memory_space<hbm>>
        tpu.wait_dma2 semaphore(%run_scoped3A : memref<!tpu.dma_semaphore, #tpu.memory_space<semaphore_mem>>) src(%dma_wait3A_132 : memref<64xf32, #tpu.memory_space<hbm>>) dst(%dma_wait3A_131 : memref<64xf32, #tpu.memory_space<vmem>>)
        tpu.yield
      }) : () -> ()
    } else {
    }
    %scan3A = arith.constant 0 : i32
    %scan3A_93 = arith.constant 0 : i32
    %scan3A_94 = arith.constant 256 : i32
    %scan3A_95 = arith.addi %scan3A_93, %scan3A_94 : i32
    %scan3A_96 = arith.constant 1 : i32
    %scan3A_97 = scf.for %scan3A_117 = %scan3A_93 to %scan3A_95 step %scan3A_96 iter_args(%scan3A_118 = %scan3A) -> (i32)  : i32 {
      %mul3A_119 = arith.constant 16 : i32
      %mul3A_120 = arith.muli %scan3A_117, %mul3A_119 : i32
      %get3A = arith.index_cast %mul3A_120 : i32 to index
      %get3A_121 = tpu.vector_load %arg14[%get3A] {strides = array<i32>} : memref<4096xf32, #tpu.memory_space<vmem>>, vector<16xf32>,
      %get3A_122 = vector.shape_cast %get3A_121 : vector<16xf32> to vector<16xf32>
      %get3A_123 = arith.index_cast %mul3A_120 : i32 to index
      %get3A_124 = tpu.vector_load %arg15[%get3A_123] {strides = array<i32>} : memref<4096xf32, #tpu.memory_space<vmem>>, vector<16xf32>,
      %get3A_125 = vector.shape_cast %get3A_124 : vector<16xf32> to vector<16xf32>
      %get3A_126 = arith.index_cast %mul3A_120 : i32 to index
      %get3A_127 = tpu.vector_load %arg16[%get3A_126] {strides = array<i32>} : memref<4096xf32, #tpu.memory_space<vmem>>, vector<16xf32>,
      %get3A_128 = vector.shape_cast %get3A_127 : vector<16xf32> to vector<16xf32>
      %mul3A_129 = arith.mulf %get3A_122, %get3A_122 : vector<16xf32>
      %mul3A_130 = arith.mulf %get3A_125, %get3A_125 : vector<16xf32>
      %add3A_131 = arith.addf %mul3A_129, %mul3A_130 : vector<16xf32>
      %mul3A_132 = arith.mulf %get3A_128, %get3A_128 : vector<16xf32>
      %add3A_133 = arith.addf %add3A_131, %mul3A_132 : vector<16xf32>
      %swap3A = arith.index_cast %mul3A_120 : i32 to index
      %swap3A_134 = tpu.vector_load %arg17[%swap3A] {strides = array<i32>} : memref<4096xf32, #tpu.memory_space<vmem>>, vector<16xf32>,
      %swap3A_135 = vector.shape_cast %swap3A_134 : vector<16xf32> to vector<16xf32>
      %swap3A_136 = vector.shape_cast %add3A_133 : vector<16xf32> to vector<16xf32>
      tpu.vector_store %arg17[%swap3A], %swap3A_136 {strides = array<i32>} : memref<4096xf32, #tpu.memory_space<vmem>>, vector<16xf32>,
      %mul3A_137 = arith.constant 6.553700e+04 : f32
      %mul3A_138 = vector.broadcast %mul3A_137 : f32 to vector<16xf32>
      %mul3A_139 = arith.mulf %get3A_122, %mul3A_138 : vector<16xf32>
      %sub3A_140 = arith.subf %mul3A_139, %get3A_122 : vector<16xf32>
      %sub3A_141 = arith.subf %mul3A_139, %sub3A_140 : vector<16xf32>
      %swap3A_142 = arith.index_cast %mul3A_120 : i32 to index
      %swap3A_143 = tpu.vector_load %arg14[%swap3A_142] {strides = array<i32>} : memref<4096xf32, #tpu.memory_space<vmem>>, vector<16xf32>,
      %swap3A_144 = vector.shape_cast %swap3A_143 : vector<16xf32> to vector<16xf32>
      %swap3A_145 = vector.shape_cast %sub3A_141 : vector<16xf32> to vector<16xf32>
      tpu.vector_store %arg14[%swap3A_142], %swap3A_145 {strides = array<i32>} : memref<4096xf32, #tpu.memory_space<vmem>>, vector<16xf32>,
      %mul3A_146 = arith.constant 6.553700e+04 : f32
      %mul3A_147 = vector.broadcast %mul3A_146 : f32 to vector<16xf32>
      %mul3A_148 = arith.mulf %get3A_125, %mul3A_147 : vector<16xf32>
      %sub3A_149 = arith.subf %mul3A_148, %get3A_125 : vector<16xf32>
      %sub3A_150 = arith.subf %mul3A_148, %sub3A_149 : vector<16xf32>
      %swap3A_151 = arith.index_cast %mul3A_120 : i32 to index
      %swap3A_152 = tpu.vector_load %arg15[%swap3A_151] {strides = array<i32>} : memref<4096xf32, #tpu.memory_space<vmem>>, vector<16xf32>,
      %swap3A_153 = vector.shape_cast %swap3A_152 : vector<16xf32> to vector<16xf32>
      %swap3A_154 = vector.shape_cast %sub3A_150 : vector<16xf32> to vector<16xf32>
      tpu.vector_store %arg15[%swap3A_151], %swap3A_154 {strides = array<i32>} : memref<4096xf32, #tpu.memory_space<vmem>>, vector<16xf32>,
      %mul3A_155 = arith.constant 6.553700e+04 : f32
      %mul3A_156 = vector.broadcast %mul3A_155 : f32 to vector<16xf32>
      %mul3A_157 = arith.mulf %get3A_128, %mul3A_156 : vector<16xf32>
      %sub3A_158 = arith.subf %mul3A_157, %get3A_128 : vector<16xf32>
      %sub3A_159 = arith.subf %mul3A_157, %sub3A_158 : vector<16xf32>
      %swap3A_160 = arith.index_cast %mul3A_120 : i32 to index
      %swap3A_161 = tpu.vector_load %arg16[%swap3A_160] {strides = array<i32>} : memref<4096xf32, #tpu.memory_space<vmem>>, vector<16xf32>,
      %swap3A_162 = vector.shape_cast %swap3A_161 : vector<16xf32> to vector<16xf32>
      %swap3A_163 = vector.shape_cast %sub3A_159 : vector<16xf32> to vector<16xf32>
      tpu.vector_store %arg16[%swap3A_160], %swap3A_163 {strides = array<i32>} : memref<4096xf32, #tpu.memory_space<vmem>>, vector<16xf32>,
      %scan3A_164 = arith.constant 0 : i32
      scf.yield %scan3A_164 : i32
    }
    %scan3A_98 = arith.constant 256 : i32
    %scan3A_99 = arith.constant 0 : i32
    %scan3A_100 = arith.constant 0 : i32
    %scan3A_101 = arith.constant 64 : i32
    %scan3A_102 = arith.addi %scan3A_100, %scan3A_101 : i32
    %scan3A_103 = arith.constant 1 : i32
    %scan3A_104 = scf.for %scan3A_117 = %scan3A_100 to %scan3A_102 step %scan3A_103 iter_args(%scan3A_118 = %scan3A_99) -> (i32)  : i32 {
      %mul3A_119 = arith.constant 16 : i32
      %mul3A_120 = arith.muli %scan3A_117, %mul3A_119 : i32
      %get3A = arith.index_cast %mul3A_120 : i32 to index
      %get3A_121 = tpu.vector_load %arg10[%get3A] {strides = array<i32>} : memref<1024xf32, #tpu.memory_space<vmem>>, vector<16xf32>,
      %get3A_122 = vector.shape_cast %get3A_121 : vector<16xf32> to vector<16xf32>
      %get3A_123 = arith.index_cast %mul3A_120 : i32 to index
      %get3A_124 = tpu.vector_load %arg11[%get3A_123] {strides = array<i32>} : memref<1024xf32, #tpu.memory_space<vmem>>, vector<16xf32>,
      %get3A_125 = vector.shape_cast %get3A_124 : vector<16xf32> to vector<16xf32>
      %get3A_126 = arith.index_cast %mul3A_120 : i32 to index
      %get3A_127 = tpu.vector_load %arg12[%get3A_126] {strides = array<i32>} : memref<1024xf32, #tpu.memory_space<vmem>>, vector<16xf32>,
      %get3A_128 = vector.shape_cast %get3A_127 : vector<16xf32> to vector<16xf32>
      %mul3A_129 = arith.mulf %get3A_122, %get3A_122 : vector<16xf32>
      %mul3A_130 = arith.mulf %get3A_125, %get3A_125 : vector<16xf32>
      %add3A_131 = arith.addf %mul3A_129, %mul3A_130 : vector<16xf32>
      %mul3A_132 = arith.mulf %get3A_128, %get3A_128 : vector<16xf32>
      %add3A_133 = arith.addf %add3A_131, %mul3A_132 : vector<16xf32>
      %swap3A = arith.index_cast %mul3A_120 : i32 to index
      %swap3A_134 = tpu.vector_load %arg13[%swap3A] {strides = array<i32>} : memref<1024xf32, #tpu.memory_space<vmem>>, vector<16xf32>,
      %swap3A_135 = vector.shape_cast %swap3A_134 : vector<16xf32> to vector<16xf32>
      %swap3A_136 = vector.shape_cast %add3A_133 : vector<16xf32> to vector<16xf32>
      tpu.vector_store %arg13[%swap3A], %swap3A_136 {strides = array<i32>} : memref<1024xf32, #tpu.memory_space<vmem>>, vector<16xf32>,
      %mul3A_137 = arith.constant 6.553700e+04 : f32
      %mul3A_138 = vector.broadcast %mul3A_137 : f32 to vector<16xf32>
      %mul3A_139 = arith.mulf %get3A_122, %mul3A_138 : vector<16xf32>
      %sub3A_140 = arith.subf %mul3A_139, %get3A_122 : vector<16xf32>
      %sub3A_141 = arith.subf %mul3A_139, %sub3A_140 : vector<16xf32>
      %mul3A_142 = arith.constant -2.000000e+00 : f32
      %mul3A_143 = vector.broadcast %mul3A_142 : f32 to vector<16xf32>
      %mul3A_144 = arith.mulf %mul3A_143, %sub3A_141 : vector<16xf32>
      %swap3A_145 = arith.index_cast %mul3A_120 : i32 to index
      %swap3A_146 = tpu.vector_load %arg10[%swap3A_145] {strides = array<i32>} : memref<1024xf32, #tpu.memory_space<vmem>>, vector<16xf32>,
      %swap3A_147 = vector.shape_cast %swap3A_146 : vector<16xf32> to vector<16xf32>
      %swap3A_148 = vector.shape_cast %mul3A_144 : vector<16xf32> to vector<16xf32>
      tpu.vector_store %arg10[%swap3A_145], %swap3A_148 {strides = array<i32>} : memref<1024xf32, #tpu.memory_space<vmem>>, vector<16xf32>,
      %mul3A_149 = arith.constant 6.553700e+04 : f32
      %mul3A_150 = vector.broadcast %mul3A_149 : f32 to vector<16xf32>
      %mul3A_151 = arith.mulf %get3A_125, %mul3A_150 : vector<16xf32>
      %sub3A_152 = arith.subf %mul3A_151, %get3A_125 : vector<16xf32>
      %sub3A_153 = arith.subf %mul3A_151, %sub3A_152 : vector<16xf32>
      %mul3A_154 = arith.constant -2.000000e+00 : f32
      %mul3A_155 = vector.broadcast %mul3A_154 : f32 to vector<16xf32>
      %mul3A_156 = arith.mulf %mul3A_155, %sub3A_153 : vector<16xf32>
      %swap3A_157 = arith.index_cast %mul3A_120 : i32 to index
      %swap3A_158 = tpu.vector_load %arg11[%swap3A_157] {strides = array<i32>} : memref<1024xf32, #tpu.memory_space<vmem>>, vector<16xf32>,
      %swap3A_159 = vector.shape_cast %swap3A_158 : vector<16xf32> to vector<16xf32>
      %swap3A_160 = vector.shape_cast %mul3A_156 : vector<16xf32> to vector<16xf32>
      tpu.vector_store %arg11[%swap3A_157], %swap3A_160 {strides = array<i32>} : memref<1024xf32, #tpu.memory_space<vmem>>, vector<16xf32>,
      %mul3A_161 = arith.constant 6.553700e+04 : f32
      %mul3A_162 = vector.broadcast %mul3A_161 : f32 to vector<16xf32>
      %mul3A_163 = arith.mulf %get3A_128, %mul3A_162 : vector<16xf32>
      %sub3A_164 = arith.subf %mul3A_163, %get3A_128 : vector<16xf32>
      %sub3A_165 = arith.subf %mul3A_163, %sub3A_164 : vector<16xf32>
      %mul3A_166 = arith.constant -2.000000e+00 : f32
      %mul3A_167 = vector.broadcast %mul3A_166 : f32 to vector<16xf32>
      %mul3A_168 = arith.mulf %mul3A_167, %sub3A_165 : vector<16xf32>
      %swap3A_169 = arith.index_cast %mul3A_120 : i32 to index
      %swap3A_170 = tpu.vector_load %arg12[%swap3A_169] {strides = array<i32>} : memref<1024xf32, #tpu.memory_space<vmem>>, vector<16xf32>,
      %swap3A_171 = vector.shape_cast %swap3A_170 : vector<16xf32> to vector<16xf32>
      %swap3A_172 = vector.shape_cast %mul3A_168 : vector<16xf32> to vector<16xf32>
      tpu.vector_store %arg12[%swap3A_169], %swap3A_172 {strides = array<i32>} : memref<1024xf32, #tpu.memory_space<vmem>>, vector<16xf32>,
      %scan3A_173 = arith.constant 0 : i32
      scf.yield %scan3A_173 : i32
    }
    %scan3A_105 = arith.constant 64 : i32
    %broadcast_in_dim3A = arith.constant 0x7F800000 : f32
    %broadcast_in_dim3A_106 = vector.broadcast %broadcast_in_dim3A : f32 to vector<16xf32>
    %eq3A_107 = arith.constant 0 : i32
    %eq3A_108 = arith.cmpi eq, %select_n3A_46, %eq3A_107 : i32
    %convert_element_type3A_109 = arith.extui %eq3A_108 : i1 to i32
    %cond3A_110 = arith.constant 0 : i32
    %cond3A_111 = arith.cmpi ne, %convert_element_type3A_109, %cond3A_110 : i32
    scf.if %cond3A_111 {
      %scan3A_117 = arith.constant 0 : i32
      %scan3A_118 = arith.constant 0 : i32
      %mul3A_119 = arith.constant 16 : i32
      %mul3A_120 = arith.muli %scan3A_118, %mul3A_119 : i32
      %add3A_121 = arith.constant 0 : i32
      %add3A_122 = arith.addi %mul3A_120, %add3A_121 : i32
      %get3A = arith.index_cast %add3A_122 : i32 to index
      %get3A_123 = tpu.vector_load %arg10[%get3A] {strides = array<i32>} : memref<1024xf32, #tpu.memory_space<vmem>>, vector<16xf32>,
      %get3A_124 = vector.shape_cast %get3A_123 : vector<16xf32> to vector<16xf32>
      %add3A_125 = arith.constant 0 : i32
      %add3A_126 = arith.addi %mul3A_120, %add3A_125 : i32
      %get3A_127 = arith.index_cast %add3A_126 : i32 to index
      %get3A_128 = tpu.vector_load %arg11[%get3A_127] {strides = array<i32>} : memref<1024xf32, #tpu.memory_space<vmem>>, vector<16xf32>,
      %get3A_129 = vector.shape_cast %get3A_128 : vector<16xf32> to vector<16xf32>
      %add3A_130 = arith.constant 0 : i32
      %add3A_131 = arith.addi %mul3A_120, %add3A_130 : i32
      %get3A_132 = arith.index_cast %add3A_131 : i32 to index
      %get3A_133 = tpu.vector_load %arg12[%get3A_132] {strides = array<i32>} : memref<1024xf32, #tpu.memory_space<vmem>>, vector<16xf32>,
      %get3A_134 = vector.shape_cast %get3A_133 : vector<16xf32> to vector<16xf32>
      %add3A_135 = arith.constant 0 : i32
      %add3A_136 = arith.addi %mul3A_120, %add3A_135 : i32
      %get3A_137 = arith.index_cast %add3A_136 : i32 to index
      %get3A_138 = tpu.vector_load %arg13[%get3A_137] {strides = array<i32>} : memref<1024xf32, #tpu.memory_space<vmem>>, vector<16xf32>,
      %get3A_139 = vector.shape_cast %get3A_138 : vector<16xf32> to vector<16xf32>
      %scan3A_140 = arith.constant 0 : i32
      %scan3A_141 = arith.constant 256 : i32
      %scan3A_142 = arith.addi %scan3A_140, %scan3A_141 : i32
      %scan3A_143 = arith.constant 1 : i32
      %scan3A_144 = scf.for %scan3A_158 = %scan3A_140 to %scan3A_142 step %scan3A_143 iter_args(%scan3A_159 = %broadcast_in_dim3A_106) -> (vector<16xf32>)  : i32 {
        %mul3A_160 = arith.constant 16 : i32
        %mul3A_161 = arith.muli %scan3A_158, %mul3A_160 : i32
        %get3A_162 = arith.index_cast %mul3A_161 : i32 to index
        %get3A_163 = tpu.vector_load %arg14[%get3A_162] {strides = array<i32>} : memref<4096xf32, #tpu.memory_space<vmem>>, vector<16xf32>,
        %get3A_164 = vector.shape_cast %get3A_163 : vector<16xf32> to vector<16xf32>
        %get3A_165 = arith.index_cast %mul3A_161 : i32 to index
        %get3A_166 = tpu.vector_load %arg15[%get3A_165] {strides = array<i32>} : memref<4096xf32, #tpu.memory_space<vmem>>, vector<16xf32>,
        %get3A_167 = vector.shape_cast %get3A_166 : vector<16xf32> to vector<16xf32>
        %get3A_168 = arith.index_cast %mul3A_161 : i32 to index
        %get3A_169 = tpu.vector_load %arg16[%get3A_168] {strides = array<i32>} : memref<4096xf32, #tpu.memory_space<vmem>>, vector<16xf32>,
        %get3A_170 = vector.shape_cast %get3A_169 : vector<16xf32> to vector<16xf32>
        %get3A_171 = arith.index_cast %mul3A_161 : i32 to index
        %get3A_172 = tpu.vector_load %arg17[%get3A_171] {strides = array<i32>} : memref<4096xf32, #tpu.memory_space<vmem>>, vector<16xf32>,
        %get3A_173 = vector.shape_cast %get3A_172 : vector<16xf32> to vector<16xf32>
        %slice3A = vector.extract_strided_slice %get3A_164 {offsets = [0], sizes = [1], strides = [1]} : vector<16xf32> to vector<1xf32>
        %squeeze3A = vector.extract %slice3A[0] : f32 from vector<1xf32>
        %slice3A_174 = vector.extract_strided_slice %get3A_167 {offsets = [0], sizes = [1], strides = [1]} : vector<16xf32> to vector<1xf32>
        %squeeze3A_175 = vector.extract %slice3A_174[0] : f32 from vector<1xf32>
        %slice3A_176 = vector.extract_strided_slice %get3A_170 {offsets = [0], sizes = [1], strides = [1]} : vector<16xf32> to vector<1xf32>
        %squeeze3A_177 = vector.extract %slice3A_176[0] : f32 from vector<1xf32>
        %slice3A_178 = vector.extract_strided_slice %get3A_173 {offsets = [0], sizes = [1], strides = [1]} : vector<16xf32> to vector<1xf32>
        %squeeze3A_179 = vector.extract %slice3A_178[0] : f32 from vector<1xf32>
        %slice3A_180 = vector.extract_strided_slice %get3A_164 {offsets = [1], sizes = [1], strides = [1]} : vector<16xf32> to vector<1xf32>
        %squeeze3A_181 = vector.extract %slice3A_180[0] : f32 from vector<1xf32>
        %slice3A_182 = vector.extract_strided_slice %get3A_167 {offsets = [1], sizes = [1], strides = [1]} : vector<16xf32> to vector<1xf32>
        %squeeze3A_183 = vector.extract %slice3A_182[0] : f32 from vector<1xf32>
        %slice3A_184 = vector.extract_strided_slice %get3A_170 {offsets = [1], sizes = [1], strides = [1]} : vector<16xf32> to vector<1xf32>
        %squeeze3A_185 = vector.extract %slice3A_184[0] : f32 from vector<1xf32>
        %slice3A_186 = vector.extract_strided_slice %get3A_173 {offsets = [1], sizes = [1], strides = [1]} : vector<16xf32> to vector<1xf32>
        %squeeze3A_187 = vector.extract %slice3A_186[0] : f32 from vector<1xf32>
        %slice3A_188 = vector.extract_strided_slice %get3A_164 {offsets = [2], sizes = [1], strides = [1]} : vector<16xf32> to vector<1xf32>
        %squeeze3A_189 = vector.extract %slice3A_188[0] : f32 from vector<1xf32>
        %slice3A_190 = vector.extract_strided_slice %get3A_167 {offsets = [2], sizes = [1], strides = [1]} : vector<16xf32> to vector<1xf32>
        %squeeze3A_191 = vector.extract %slice3A_190[0] : f32 from vector<1xf32>
        %slice3A_192 = vector.extract_strided_slice %get3A_170 {offsets = [2], sizes = [1], strides = [1]} : vector<16xf32> to vector<1xf32>
        %squeeze3A_193 = vector.extract %slice3A_192[0] : f32 from vector<1xf32>
        %slice3A_194 = vector.extract_strided_slice %get3A_173 {offsets = [2], sizes = [1], strides = [1]} : vector<16xf32> to vector<1xf32>
        %squeeze3A_195 = vector.extract %slice3A_194[0] : f32 from vector<1xf32>
        %slice3A_196 = vector.extract_strided_slice %get3A_164 {offsets = [3], sizes = [1], strides = [1]} : vector<16xf32> to vector<1xf32>
        %squeeze3A_197 = vector.extract %slice3A_196[0] : f32 from vector<1xf32>
        %slice3A_198 = vector.extract_strided_slice %get3A_167 {offsets = [3], sizes = [1], strides = [1]} : vector<16xf32> to vector<1xf32>
        %squeeze3A_199 = vector.extract %slice3A_198[0] : f32 from vector<1xf32>
        %slice3A_200 = vector.extract_strided_slice %get3A_170 {offsets = [3], sizes = [1], strides = [1]} : vector<16xf32> to vector<1xf32>
        %squeeze3A_201 = vector.extract %slice3A_200[0] : f32 from vector<1xf32>
        %slice3A_202 = vector.extract_strided_slice %get3A_173 {offsets = [3], sizes = [1], strides = [1]} : vector<16xf32> to vector<1xf32>
        %squeeze3A_203 = vector.extract %slice3A_202[0] : f32 from vector<1xf32>
        %slice3A_204 = vector.extract_strided_slice %get3A_164 {offsets = [4], sizes = [1], strides = [1]} : vector<16xf32> to vector<1xf32>
        %squeeze3A_205 = vector.extract %slice3A_204[0] : f32 from vector<1xf32>
        %slice3A_206 = vector.extract_strided_slice %get3A_167 {offsets = [4], sizes = [1], strides = [1]} : vector<16xf32> to vector<1xf32>
        %squeeze3A_207 = vector.extract %slice3A_206[0] : f32 from vector<1xf32>
        %slice3A_208 = vector.extract_strided_slice %get3A_170 {offsets = [4], sizes = [1], strides = [1]} : vector<16xf32> to vector<1xf32>
        %squeeze3A_209 = vector.extract %slice3A_208[0] : f32 from vector<1xf32>
        %slice3A_210 = vector.extract_strided_slice %get3A_173 {offsets = [4], sizes = [1], strides = [1]} : vector<16xf32> to vector<1xf32>
        %squeeze3A_211 = vector.extract %slice3A_210[0] : f32 from vector<1xf32>
        %slice3A_212 = vector.extract_strided_slice %get3A_164 {offsets = [5], sizes = [1], strides = [1]} : vector<16xf32> to vector<1xf32>
        %squeeze3A_213 = vector.extract %slice3A_212[0] : f32 from vector<1xf32>
        %slice3A_214 = vector.extract_strided_slice %get3A_167 {offsets = [5], sizes = [1], strides = [1]} : vector<16xf32> to vector<1xf32>
        %squeeze3A_215 = vector.extract %slice3A_214[0] : f32 from vector<1xf32>
        %slice3A_216 = vector.extract_strided_slice %get3A_170 {offsets = [5], sizes = [1], strides = [1]} : vector<16xf32> to vector<1xf32>
        %squeeze3A_217 = vector.extract %slice3A_216[0] : f32 from vector<1xf32>
        %slice3A_218 = vector.extract_strided_slice %get3A_173 {offsets = [5], sizes = [1], strides = [1]} : vector<16xf32> to vector<1xf32>
        %squeeze3A_219 = vector.extract %slice3A_218[0] : f32 from vector<1xf32>
        %slice3A_220 = vector.extract_strided_slice %get3A_164 {offsets = [6], sizes = [1], strides = [1]} : vector<16xf32> to vector<1xf32>
        %squeeze3A_221 = vector.extract %slice3A_220[0] : f32 from vector<1xf32>
        %slice3A_222 = vector.extract_strided_slice %get3A_167 {offsets = [6], sizes = [1], strides = [1]} : vector<16xf32> to vector<1xf32>
        %squeeze3A_223 = vector.extract %slice3A_222[0] : f32 from vector<1xf32>
        %slice3A_224 = vector.extract_strided_slice %get3A_170 {offsets = [6], sizes = [1], strides = [1]} : vector<16xf32> to vector<1xf32>
        %squeeze3A_225 = vector.extract %slice3A_224[0] : f32 from vector<1xf32>
        %slice3A_226 = vector.extract_strided_slice %get3A_173 {offsets = [6], sizes = [1], strides = [1]} : vector<16xf32> to vector<1xf32>
        %squeeze3A_227 = vector.extract %slice3A_226[0] : f32 from vector<1xf32>
        %slice3A_228 = vector.extract_strided_slice %get3A_164 {offsets = [7], sizes = [1], strides = [1]} : vector<16xf32> to vector<1xf32>
        %squeeze3A_229 = vector.extract %slice3A_228[0] : f32 from vector<1xf32>
        %slice3A_230 = vector.extract_strided_slice %get3A_167 {offsets = [7], sizes = [1], strides = [1]} : vector<16xf32> to vector<1xf32>
        %squeeze3A_231 = vector.extract %slice3A_230[0] : f32 from vector<1xf32>
        %slice3A_232 = vector.extract_strided_slice %get3A_170 {offsets = [7], sizes = [1], strides = [1]} : vector<16xf32> to vector<1xf32>
        %squeeze3A_233 = vector.extract %slice3A_232[0] : f32 from vector<1xf32>
        %slice3A_234 = vector.extract_strided_slice %get3A_173 {offsets = [7], sizes = [1], strides = [1]} : vector<16xf32> to vector<1xf32>
        %squeeze3A_235 = vector.extract %slice3A_234[0] : f32 from vector<1xf32>
        %slice3A_236 = vector.extract_strided_slice %get3A_164 {offsets = [8], sizes = [1], strides = [1]} : vector<16xf32> to vector<1xf32>
        %squeeze3A_237 = vector.extract %slice3A_236[0] : f32 from vector<1xf32>
        %slice3A_238 = vector.extract_strided_slice %get3A_167 {offsets = [8], sizes = [1], strides = [1]} : vector<16xf32> to vector<1xf32>
        %squeeze3A_239 = vector.extract %slice3A_238[0] : f32 from vector<1xf32>
        %slice3A_240 = vector.extract_strided_slice %get3A_170 {offsets = [8], sizes = [1], strides = [1]} : vector<16xf32> to vector<1xf32>
        %squeeze3A_241 = vector.extract %slice3A_240[0] : f32 from vector<1xf32>
        %slice3A_242 = vector.extract_strided_slice %get3A_173 {offsets = [8], sizes = [1], strides = [1]} : vector<16xf32> to vector<1xf32>
        %squeeze3A_243 = vector.extract %slice3A_242[0] : f32 from vector<1xf32>
        %slice3A_244 = vector.extract_strided_slice %get3A_164 {offsets = [9], sizes = [1], strides = [1]} : vector<16xf32> to vector<1xf32>
        %squeeze3A_245 = vector.extract %slice3A_244[0] : f32 from vector<1xf32>
        %slice3A_246 = vector.extract_strided_slice %get3A_167 {offsets = [9], sizes = [1], strides = [1]} : vector<16xf32> to vector<1xf32>
        %squeeze3A_247 = vector.extract %slice3A_246[0] : f32 from vector<1xf32>
        %slice3A_248 = vector.extract_strided_slice %get3A_170 {offsets = [9], sizes = [1], strides = [1]} : vector<16xf32> to vector<1xf32>
        %squeeze3A_249 = vector.extract %slice3A_248[0] : f32 from vector<1xf32>
        %slice3A_250 = vector.extract_strided_slice %get3A_173 {offsets = [9], sizes = [1], strides = [1]} : vector<16xf32> to vector<1xf32>
        %squeeze3A_251 = vector.extract %slice3A_250[0] : f32 from vector<1xf32>
        %slice3A_252 = vector.extract_strided_slice %get3A_164 {offsets = [10], sizes = [1], strides = [1]} : vector<16xf32> to vector<1xf32>
        %squeeze3A_253 = vector.extract %slice3A_252[0] : f32 from vector<1xf32>
        %slice3A_254 = vector.extract_strided_slice %get3A_167 {offsets = [10], sizes = [1], strides = [1]} : vector<16xf32> to vector<1xf32>
        %squeeze3A_255 = vector.extract %slice3A_254[0] : f32 from vector<1xf32>
        %slice3A_256 = vector.extract_strided_slice %get3A_170 {offsets = [10], sizes = [1], strides = [1]} : vector<16xf32> to vector<1xf32>
        %squeeze3A_257 = vector.extract %slice3A_256[0] : f32 from vector<1xf32>
        %slice3A_258 = vector.extract_strided_slice %get3A_173 {offsets = [10], sizes = [1], strides = [1]} : vector<16xf32> to vector<1xf32>
        %squeeze3A_259 = vector.extract %slice3A_258[0] : f32 from vector<1xf32>
        %slice3A_260 = vector.extract_strided_slice %get3A_164 {offsets = [11], sizes = [1], strides = [1]} : vector<16xf32> to vector<1xf32>
        %squeeze3A_261 = vector.extract %slice3A_260[0] : f32 from vector<1xf32>
        %slice3A_262 = vector.extract_strided_slice %get3A_167 {offsets = [11], sizes = [1], strides = [1]} : vector<16xf32> to vector<1xf32>
        %squeeze3A_263 = vector.extract %slice3A_262[0] : f32 from vector<1xf32>
        %slice3A_264 = vector.extract_strided_slice %get3A_170 {offsets = [11], sizes = [1], strides = [1]} : vector<16xf32> to vector<1xf32>
        %squeeze3A_265 = vector.extract %slice3A_264[0] : f32 from vector<1xf32>
        %slice3A_266 = vector.extract_strided_slice %get3A_173 {offsets = [11], sizes = [1], strides = [1]} : vector<16xf32> to vector<1xf32>
        %squeeze3A_267 = vector.extract %slice3A_266[0] : f32 from vector<1xf32>
        %slice3A_268 = vector.extract_strided_slice %get3A_164 {offsets = [12], sizes = [1], strides = [1]} : vector<16xf32> to vector<1xf32>
        %squeeze3A_269 = vector.extract %slice3A_268[0] : f32 from vector<1xf32>
        %slice3A_270 = vector.extract_strided_slice %get3A_167 {offsets = [12], sizes = [1], strides = [1]} : vector<16xf32> to vector<1xf32>
        %squeeze3A_271 = vector.extract %slice3A_270[0] : f32 from vector<1xf32>
        %slice3A_272 = vector.extract_strided_slice %get3A_170 {offsets = [12], sizes = [1], strides = [1]} : vector<16xf32> to vector<1xf32>
        %squeeze3A_273 = vector.extract %slice3A_272[0] : f32 from vector<1xf32>
        %slice3A_274 = vector.extract_strided_slice %get3A_173 {offsets = [12], sizes = [1], strides = [1]} : vector<16xf32> to vector<1xf32>
        %squeeze3A_275 = vector.extract %slice3A_274[0] : f32 from vector<1xf32>
        %slice3A_276 = vector.extract_strided_slice %get3A_164 {offsets = [13], sizes = [1], strides = [1]} : vector<16xf32> to vector<1xf32>
        %squeeze3A_277 = vector.extract %slice3A_276[0] : f32 from vector<1xf32>
        %slice3A_278 = vector.extract_strided_slice %get3A_167 {offsets = [13], sizes = [1], strides = [1]} : vector<16xf32> to vector<1xf32>
        %squeeze3A_279 = vector.extract %slice3A_278[0] : f32 from vector<1xf32>
        %slice3A_280 = vector.extract_strided_slice %get3A_170 {offsets = [13], sizes = [1], strides = [1]} : vector<16xf32> to vector<1xf32>
        %squeeze3A_281 = vector.extract %slice3A_280[0] : f32 from vector<1xf32>
        %slice3A_282 = vector.extract_strided_slice %get3A_173 {offsets = [13], sizes = [1], strides = [1]} : vector<16xf32> to vector<1xf32>
        %squeeze3A_283 = vector.extract %slice3A_282[0] : f32 from vector<1xf32>
        %slice3A_284 = vector.extract_strided_slice %get3A_164 {offsets = [14], sizes = [1], strides = [1]} : vector<16xf32> to vector<1xf32>
        %squeeze3A_285 = vector.extract %slice3A_284[0] : f32 from vector<1xf32>
        %slice3A_286 = vector.extract_strided_slice %get3A_167 {offsets = [14], sizes = [1], strides = [1]} : vector<16xf32> to vector<1xf32>
        %squeeze3A_287 = vector.extract %slice3A_286[0] : f32 from vector<1xf32>
        %slice3A_288 = vector.extract_strided_slice %get3A_170 {offsets = [14], sizes = [1], strides = [1]} : vector<16xf32> to vector<1xf32>
        %squeeze3A_289 = vector.extract %slice3A_288[0] : f32 from vector<1xf32>
        %slice3A_290 = vector.extract_strided_slice %get3A_173 {offsets = [14], sizes = [1], strides = [1]} : vector<16xf32> to vector<1xf32>
        %squeeze3A_291 = vector.extract %slice3A_290[0] : f32 from vector<1xf32>
        %slice3A_292 = vector.extract_strided_slice %get3A_164 {offsets = [15], sizes = [1], strides = [1]} : vector<16xf32> to vector<1xf32>
        %squeeze3A_293 = vector.extract %slice3A_292[0] : f32 from vector<1xf32>
        %slice3A_294 = vector.extract_strided_slice %get3A_167 {offsets = [15], sizes = [1], strides = [1]} : vector<16xf32> to vector<1xf32>
        %squeeze3A_295 = vector.extract %slice3A_294[0] : f32 from vector<1xf32>
        %slice3A_296 = vector.extract_strided_slice %get3A_170 {offsets = [15], sizes = [1], strides = [1]} : vector<16xf32> to vector<1xf32>
        %squeeze3A_297 = vector.extract %slice3A_296[0] : f32 from vector<1xf32>
        %slice3A_298 = vector.extract_strided_slice %get3A_173 {offsets = [15], sizes = [1], strides = [1]} : vector<16xf32> to vector<1xf32>
        %squeeze3A_299 = vector.extract %slice3A_298[0] : f32 from vector<1xf32>
        %add3A_300 = vector.broadcast %squeeze3A_179 : f32 to vector<16xf32>
        %add3A_301 = arith.addf %get3A_139, %add3A_300 : vector<16xf32>
        %mul3A_302 = vector.broadcast %squeeze3A : f32 to vector<16xf32>
        %mul3A_303 = arith.mulf %get3A_124, %mul3A_302 : vector<16xf32>
        %add3A_304 = arith.addf %add3A_301, %mul3A_303 : vector<16xf32>
        %mul3A_305 = vector.broadcast %squeeze3A_175 : f32 to vector<16xf32>
        %mul3A_306 = arith.mulf %get3A_129, %mul3A_305 : vector<16xf32>
        %add3A_307 = arith.addf %add3A_304, %mul3A_306 : vector<16xf32>
        %mul3A_308 = vector.broadcast %squeeze3A_177 : f32 to vector<16xf32>
        %mul3A_309 = arith.mulf %get3A_134, %mul3A_308 : vector<16xf32>
        %add3A_310 = arith.addf %add3A_307, %mul3A_309 : vector<16xf32>
        %add3A_311 = vector.broadcast %squeeze3A_187 : f32 to vector<16xf32>
        %add3A_312 = arith.addf %get3A_139, %add3A_311 : vector<16xf32>
        %mul3A_313 = vector.broadcast %squeeze3A_181 : f32 to vector<16xf32>
        %mul3A_314 = arith.mulf %get3A_124, %mul3A_313 : vector<16xf32>
        %add3A_315 = arith.addf %add3A_312, %mul3A_314 : vector<16xf32>
        %mul3A_316 = vector.broadcast %squeeze3A_183 : f32 to vector<16xf32>
        %mul3A_317 = arith.mulf %get3A_129, %mul3A_316 : vector<16xf32>
        %add3A_318 = arith.addf %add3A_315, %mul3A_317 : vector<16xf32>
        %mul3A_319 = vector.broadcast %squeeze3A_185 : f32 to vector<16xf32>
        %mul3A_320 = arith.mulf %get3A_134, %mul3A_319 : vector<16xf32>
        %add3A_321 = arith.addf %add3A_318, %mul3A_320 : vector<16xf32>
        %add3A_322 = vector.broadcast %squeeze3A_195 : f32 to vector<16xf32>
        %add3A_323 = arith.addf %get3A_139, %add3A_322 : vector<16xf32>
        %mul3A_324 = vector.broadcast %squeeze3A_189 : f32 to vector<16xf32>
        %mul3A_325 = arith.mulf %get3A_124, %mul3A_324 : vector<16xf32>
        %add3A_326 = arith.addf %add3A_323, %mul3A_325 : vector<16xf32>
        %mul3A_327 = vector.broadcast %squeeze3A_191 : f32 to vector<16xf32>
        %mul3A_328 = arith.mulf %get3A_129, %mul3A_327 : vector<16xf32>
        %add3A_329 = arith.addf %add3A_326, %mul3A_328 : vector<16xf32>
        %mul3A_330 = vector.broadcast %squeeze3A_193 : f32 to vector<16xf32>
        %mul3A_331 = arith.mulf %get3A_134, %mul3A_330 : vector<16xf32>
        %add3A_332 = arith.addf %add3A_329, %mul3A_331 : vector<16xf32>
        %add3A_333 = vector.broadcast %squeeze3A_203 : f32 to vector<16xf32>
        %add3A_334 = arith.addf %get3A_139, %add3A_333 : vector<16xf32>
        %mul3A_335 = vector.broadcast %squeeze3A_197 : f32 to vector<16xf32>
        %mul3A_336 = arith.mulf %get3A_124, %mul3A_335 : vector<16xf32>
        %add3A_337 = arith.addf %add3A_334, %mul3A_336 : vector<16xf32>
        %mul3A_338 = vector.broadcast %squeeze3A_199 : f32 to vector<16xf32>
        %mul3A_339 = arith.mulf %get3A_129, %mul3A_338 : vector<16xf32>
        %add3A_340 = arith.addf %add3A_337, %mul3A_339 : vector<16xf32>
        %mul3A_341 = vector.broadcast %squeeze3A_201 : f32 to vector<16xf32>
        %mul3A_342 = arith.mulf %get3A_134, %mul3A_341 : vector<16xf32>
        %add3A_343 = arith.addf %add3A_340, %mul3A_342 : vector<16xf32>
        %add3A_344 = vector.broadcast %squeeze3A_211 : f32 to vector<16xf32>
        %add3A_345 = arith.addf %get3A_139, %add3A_344 : vector<16xf32>
        %mul3A_346 = vector.broadcast %squeeze3A_205 : f32 to vector<16xf32>
        %mul3A_347 = arith.mulf %get3A_124, %mul3A_346 : vector<16xf32>
        %add3A_348 = arith.addf %add3A_345, %mul3A_347 : vector<16xf32>
        %mul3A_349 = vector.broadcast %squeeze3A_207 : f32 to vector<16xf32>
        %mul3A_350 = arith.mulf %get3A_129, %mul3A_349 : vector<16xf32>
        %add3A_351 = arith.addf %add3A_348, %mul3A_350 : vector<16xf32>
        %mul3A_352 = vector.broadcast %squeeze3A_209 : f32 to vector<16xf32>
        %mul3A_353 = arith.mulf %get3A_134, %mul3A_352 : vector<16xf32>
        %add3A_354 = arith.addf %add3A_351, %mul3A_353 : vector<16xf32>
        %add3A_355 = vector.broadcast %squeeze3A_219 : f32 to vector<16xf32>
        %add3A_356 = arith.addf %get3A_139, %add3A_355 : vector<16xf32>
        %mul3A_357 = vector.broadcast %squeeze3A_213 : f32 to vector<16xf32>
        %mul3A_358 = arith.mulf %get3A_124, %mul3A_357 : vector<16xf32>
        %add3A_359 = arith.addf %add3A_356, %mul3A_358 : vector<16xf32>
        %mul3A_360 = vector.broadcast %squeeze3A_215 : f32 to vector<16xf32>
        %mul3A_361 = arith.mulf %get3A_129, %mul3A_360 : vector<16xf32>
        %add3A_362 = arith.addf %add3A_359, %mul3A_361 : vector<16xf32>
        %mul3A_363 = vector.broadcast %squeeze3A_217 : f32 to vector<16xf32>
        %mul3A_364 = arith.mulf %get3A_134, %mul3A_363 : vector<16xf32>
        %add3A_365 = arith.addf %add3A_362, %mul3A_364 : vector<16xf32>
        %add3A_366 = vector.broadcast %squeeze3A_227 : f32 to vector<16xf32>
        %add3A_367 = arith.addf %get3A_139, %add3A_366 : vector<16xf32>
        %mul3A_368 = vector.broadcast %squeeze3A_221 : f32 to vector<16xf32>
        %mul3A_369 = arith.mulf %get3A_124, %mul3A_368 : vector<16xf32>
        %add3A_370 = arith.addf %add3A_367, %mul3A_369 : vector<16xf32>
        %mul3A_371 = vector.broadcast %squeeze3A_223 : f32 to vector<16xf32>
        %mul3A_372 = arith.mulf %get3A_129, %mul3A_371 : vector<16xf32>
        %add3A_373 = arith.addf %add3A_370, %mul3A_372 : vector<16xf32>
        %mul3A_374 = vector.broadcast %squeeze3A_225 : f32 to vector<16xf32>
        %mul3A_375 = arith.mulf %get3A_134, %mul3A_374 : vector<16xf32>
        %add3A_376 = arith.addf %add3A_373, %mul3A_375 : vector<16xf32>
        %add3A_377 = vector.broadcast %squeeze3A_235 : f32 to vector<16xf32>
        %add3A_378 = arith.addf %get3A_139, %add3A_377 : vector<16xf32>
        %mul3A_379 = vector.broadcast %squeeze3A_229 : f32 to vector<16xf32>
        %mul3A_380 = arith.mulf %get3A_124, %mul3A_379 : vector<16xf32>
        %add3A_381 = arith.addf %add3A_378, %mul3A_380 : vector<16xf32>
        %mul3A_382 = vector.broadcast %squeeze3A_231 : f32 to vector<16xf32>
        %mul3A_383 = arith.mulf %get3A_129, %mul3A_382 : vector<16xf32>
        %add3A_384 = arith.addf %add3A_381, %mul3A_383 : vector<16xf32>
        %mul3A_385 = vector.broadcast %squeeze3A_233 : f32 to vector<16xf32>
        %mul3A_386 = arith.mulf %get3A_134, %mul3A_385 : vector<16xf32>
        %add3A_387 = arith.addf %add3A_384, %mul3A_386 : vector<16xf32>
        %add3A_388 = vector.broadcast %squeeze3A_243 : f32 to vector<16xf32>
        %add3A_389 = arith.addf %get3A_139, %add3A_388 : vector<16xf32>
        %mul3A_390 = vector.broadcast %squeeze3A_237 : f32 to vector<16xf32>
        %mul3A_391 = arith.mulf %get3A_124, %mul3A_390 : vector<16xf32>
        %add3A_392 = arith.addf %add3A_389, %mul3A_391 : vector<16xf32>
        %mul3A_393 = vector.broadcast %squeeze3A_239 : f32 to vector<16xf32>
        %mul3A_394 = arith.mulf %get3A_129, %mul3A_393 : vector<16xf32>
        %add3A_395 = arith.addf %add3A_392, %mul3A_394 : vector<16xf32>
        %mul3A_396 = vector.broadcast %squeeze3A_241 : f32 to vector<16xf32>
        %mul3A_397 = arith.mulf %get3A_134, %mul3A_396 : vector<16xf32>
        %add3A_398 = arith.addf %add3A_395, %mul3A_397 : vector<16xf32>
        %add3A_399 = vector.broadcast %squeeze3A_251 : f32 to vector<16xf32>
        %add3A_400 = arith.addf %get3A_139, %add3A_399 : vector<16xf32>
        %mul3A_401 = vector.broadcast %squeeze3A_245 : f32 to vector<16xf32>
        %mul3A_402 = arith.mulf %get3A_124, %mul3A_401 : vector<16xf32>
        %add3A_403 = arith.addf %add3A_400, %mul3A_402 : vector<16xf32>
        %mul3A_404 = vector.broadcast %squeeze3A_247 : f32 to vector<16xf32>
        %mul3A_405 = arith.mulf %get3A_129, %mul3A_404 : vector<16xf32>
        %add3A_406 = arith.addf %add3A_403, %mul3A_405 : vector<16xf32>
        %mul3A_407 = vector.broadcast %squeeze3A_249 : f32 to vector<16xf32>
        %mul3A_408 = arith.mulf %get3A_134, %mul3A_407 : vector<16xf32>
        %add3A_409 = arith.addf %add3A_406, %mul3A_408 : vector<16xf32>
        %add3A_410 = vector.broadcast %squeeze3A_259 : f32 to vector<16xf32>
        %add3A_411 = arith.addf %get3A_139, %add3A_410 : vector<16xf32>
        %mul3A_412 = vector.broadcast %squeeze3A_253 : f32 to vector<16xf32>
        %mul3A_413 = arith.mulf %get3A_124, %mul3A_412 : vector<16xf32>
        %add3A_414 = arith.addf %add3A_411, %mul3A_413 : vector<16xf32>
        %mul3A_415 = vector.broadcast %squeeze3A_255 : f32 to vector<16xf32>
        %mul3A_416 = arith.mulf %get3A_129, %mul3A_415 : vector<16xf32>
        %add3A_417 = arith.addf %add3A_414, %mul3A_416 : vector<16xf32>
        %mul3A_418 = vector.broadcast %squeeze3A_257 : f32 to vector<16xf32>
        %mul3A_419 = arith.mulf %get3A_134, %mul3A_418 : vector<16xf32>
        %add3A_420 = arith.addf %add3A_417, %mul3A_419 : vector<16xf32>
        %add3A_421 = vector.broadcast %squeeze3A_267 : f32 to vector<16xf32>
        %add3A_422 = arith.addf %get3A_139, %add3A_421 : vector<16xf32>
        %mul3A_423 = vector.broadcast %squeeze3A_261 : f32 to vector<16xf32>
        %mul3A_424 = arith.mulf %get3A_124, %mul3A_423 : vector<16xf32>
        %add3A_425 = arith.addf %add3A_422, %mul3A_424 : vector<16xf32>
        %mul3A_426 = vector.broadcast %squeeze3A_263 : f32 to vector<16xf32>
        %mul3A_427 = arith.mulf %get3A_129, %mul3A_426 : vector<16xf32>
        %add3A_428 = arith.addf %add3A_425, %mul3A_427 : vector<16xf32>
        %mul3A_429 = vector.broadcast %squeeze3A_265 : f32 to vector<16xf32>
        %mul3A_430 = arith.mulf %get3A_134, %mul3A_429 : vector<16xf32>
        %add3A_431 = arith.addf %add3A_428, %mul3A_430 : vector<16xf32>
        %add3A_432 = vector.broadcast %squeeze3A_275 : f32 to vector<16xf32>
        %add3A_433 = arith.addf %get3A_139, %add3A_432 : vector<16xf32>
        %mul3A_434 = vector.broadcast %squeeze3A_269 : f32 to vector<16xf32>
        %mul3A_435 = arith.mulf %get3A_124, %mul3A_434 : vector<16xf32>
        %add3A_436 = arith.addf %add3A_433, %mul3A_435 : vector<16xf32>
        %mul3A_437 = vector.broadcast %squeeze3A_271 : f32 to vector<16xf32>
        %mul3A_438 = arith.mulf %get3A_129, %mul3A_437 : vector<16xf32>
        %add3A_439 = arith.addf %add3A_436, %mul3A_438 : vector<16xf32>
        %mul3A_440 = vector.broadcast %squeeze3A_273 : f32 to vector<16xf32>
        %mul3A_441 = arith.mulf %get3A_134, %mul3A_440 : vector<16xf32>
        %add3A_442 = arith.addf %add3A_439, %mul3A_441 : vector<16xf32>
        %add3A_443 = vector.broadcast %squeeze3A_283 : f32 to vector<16xf32>
        %add3A_444 = arith.addf %get3A_139, %add3A_443 : vector<16xf32>
        %mul3A_445 = vector.broadcast %squeeze3A_277 : f32 to vector<16xf32>
        %mul3A_446 = arith.mulf %get3A_124, %mul3A_445 : vector<16xf32>
        %add3A_447 = arith.addf %add3A_444, %mul3A_446 : vector<16xf32>
        %mul3A_448 = vector.broadcast %squeeze3A_279 : f32 to vector<16xf32>
        %mul3A_449 = arith.mulf %get3A_129, %mul3A_448 : vector<16xf32>
        %add3A_450 = arith.addf %add3A_447, %mul3A_449 : vector<16xf32>
        %mul3A_451 = vector.broadcast %squeeze3A_281 : f32 to vector<16xf32>
        %mul3A_452 = arith.mulf %get3A_134, %mul3A_451 : vector<16xf32>
        %add3A_453 = arith.addf %add3A_450, %mul3A_452 : vector<16xf32>
        %add3A_454 = vector.broadcast %squeeze3A_291 : f32 to vector<16xf32>
        %add3A_455 = arith.addf %get3A_139, %add3A_454 : vector<16xf32>
        %mul3A_456 = vector.broadcast %squeeze3A_285 : f32 to vector<16xf32>
        %mul3A_457 = arith.mulf %get3A_124, %mul3A_456 : vector<16xf32>
        %add3A_458 = arith.addf %add3A_455, %mul3A_457 : vector<16xf32>
        %mul3A_459 = vector.broadcast %squeeze3A_287 : f32 to vector<16xf32>
        %mul3A_460 = arith.mulf %get3A_129, %mul3A_459 : vector<16xf32>
        %add3A_461 = arith.addf %add3A_458, %mul3A_460 : vector<16xf32>
        %mul3A_462 = vector.broadcast %squeeze3A_289 : f32 to vector<16xf32>
        %mul3A_463 = arith.mulf %get3A_134, %mul3A_462 : vector<16xf32>
        %add3A_464 = arith.addf %add3A_461, %mul3A_463 : vector<16xf32>
        %add3A_465 = vector.broadcast %squeeze3A_299 : f32 to vector<16xf32>
        %add3A_466 = arith.addf %get3A_139, %add3A_465 : vector<16xf32>
        %mul3A_467 = vector.broadcast %squeeze3A_293 : f32 to vector<16xf32>
        %mul3A_468 = arith.mulf %get3A_124, %mul3A_467 : vector<16xf32>
        %add3A_469 = arith.addf %add3A_466, %mul3A_468 : vector<16xf32>
        %mul3A_470 = vector.broadcast %squeeze3A_295 : f32 to vector<16xf32>
        %mul3A_471 = arith.mulf %get3A_129, %mul3A_470 : vector<16xf32>
        %add3A_472 = arith.addf %add3A_469, %mul3A_471 : vector<16xf32>
        %mul3A_473 = vector.broadcast %squeeze3A_297 : f32 to vector<16xf32>
        %mul3A_474 = arith.mulf %get3A_134, %mul3A_473 : vector<16xf32>
        %add3A_475 = arith.addf %add3A_472, %mul3A_474 : vector<16xf32>
        %min3A = arith.minimumf %add3A_310, %add3A_321 : vector<16xf32>
        %min3A_476 = arith.minimumf %add3A_332, %add3A_343 : vector<16xf32>
        %min3A_477 = arith.minimumf %add3A_354, %add3A_365 : vector<16xf32>
        %min3A_478 = arith.minimumf %add3A_376, %add3A_387 : vector<16xf32>
        %min3A_479 = arith.minimumf %add3A_398, %add3A_409 : vector<16xf32>
        %min3A_480 = arith.minimumf %add3A_420, %add3A_431 : vector<16xf32>
        %min3A_481 = arith.minimumf %add3A_442, %add3A_453 : vector<16xf32>
        %min3A_482 = arith.minimumf %add3A_464, %add3A_475 : vector<16xf32>
        %min3A_483 = arith.minimumf %min3A, %min3A_476 : vector<16xf32>
        %min3A_484 = arith.minimumf %min3A_477, %min3A_478 : vector<16xf32>
        %min3A_485 = arith.minimumf %min3A_479, %min3A_480 : vector<16xf32>
        %min3A_486 = arith.minimumf %min3A_481, %min3A_482 : vector<16xf32>
        %min3A_487 = arith.minimumf %min3A_483, %min3A_484 : vector<16xf32>
        %min3A_488 = arith.minimumf %min3A_485, %min3A_486 : vector<16xf32>
        %min3A_489 = arith.minimumf %min3A_487, %min3A_488 : vector<16xf32>
        %min3A_490 = arith.minimumf %scan3A_159, %min3A_489 : vector<16xf32>
        scf.yield %min3A_490 : vector<16xf32>
      }
      %scan3A_145 = arith.constant 256 : i32
      %add3A_146 = arith.constant 0 : i32
      %add3A_147 = arith.addi %mul3A_120, %add3A_146 : i32
      %swap3A = arith.index_cast %add3A_147 : i32 to index
      %swap3A_148 = tpu.vector_load %arg18[%swap3A] {strides = array<i32>} : memref<1024xf32, #tpu.memory_space<vmem>>, vector<16xf32>,
      %swap3A_149 = vector.shape_cast %swap3A_148 : vector<16xf32> to vector<16xf32>
      %swap3A_150 = vector.shape_cast %scan3A_144 : vector<16xf32> to vector<16xf32>
      tpu.vector_store %arg18[%swap3A], %swap3A_150 {strides = array<i32>} : memref<1024xf32, #tpu.memory_space<vmem>>, vector<16xf32>,
      %scan3A_151 = arith.constant 0 : i32
      %scan3A_152 = arith.constant 1 : i32
      %mul3A_153 = arith.constant 64 : i32
      %mul3A_154 = arith.muli %select_n3A_9, %mul3A_153 : i32
      %mul3A_155 = arith.constant 16 : i32
      %mul3A_156 = arith.muli %select_n3A_70, %mul3A_155 : i32
      %add3A_157 = arith.addi %mul3A_154, %mul3A_156 : i32
      "tpu.region"() ({
        %run_scoped3A = tpu.sem_alloc : memref<!tpu.dma_semaphore, #tpu.memory_space<semaphore_mem>>
        %dma_start3A = arith.constant 0 : i32
        %dma_start3A_158 = tpu.memref_slice %arg18[%dma_start3A] : memref<1024xf32, #tpu.memory_space<vmem>> -> memref<16xf32, #tpu.memory_space<vmem>>
        %dma_start3A_159 = tpu.memref_slice %arg8[%add3A_157] : memref<256xf32, #tpu.memory_space<hbm>> -> memref<16xf32, #tpu.memory_space<hbm>>
        %dma_start3A_160 = tpu.memref_slice %arg8[%add3A_157] : memref<256xf32, #tpu.memory_space<hbm>> -> memref<16xf32, #tpu.memory_space<hbm>>
        %dma_start3A_161 = arith.constant 0 : i32
        %dma_start3A_162 = tpu.memref_slice %arg18[%dma_start3A_161] : memref<1024xf32, #tpu.memory_space<vmem>> -> memref<16xf32, #tpu.memory_space<vmem>>
        tpu.enqueue_dma source(%dma_start3A_162 : memref<16xf32, #tpu.memory_space<vmem>>) target(%dma_start3A_160 : memref<16xf32, #tpu.memory_space<hbm>>) target_semaphore(%run_scoped3A : memref<!tpu.dma_semaphore, #tpu.memory_space<semaphore_mem>>)
        %dma_wait3A = arith.constant 0 : i32
        %dma_wait3A_163 = tpu.memref_slice %arg18[%dma_wait3A] : memref<1024xf32, #tpu.memory_space<vmem>> -> memref<16xf32, #tpu.memory_space<vmem>>
        %dma_wait3A_164 = tpu.memref_slice %arg8[%add3A_157] : memref<256xf32, #tpu.memory_space<hbm>> -> memref<16xf32, #tpu.memory_space<hbm>>
        %dma_wait3A_165 = tpu.memref_slice %arg8[%add3A_157] : memref<256xf32, #tpu.memory_space<hbm>> -> memref<16xf32, #tpu.memory_space<hbm>>
        %dma_wait3A_166 = arith.constant 0 : i32
        %dma_wait3A_167 = tpu.memref_slice %arg18[%dma_wait3A_166] : memref<1024xf32, #tpu.memory_space<vmem>> -> memref<16xf32, #tpu.memory_space<vmem>>
        tpu.wait_dma2 semaphore(%run_scoped3A : memref<!tpu.dma_semaphore, #tpu.memory_space<semaphore_mem>>) src(%dma_wait3A_167 : memref<16xf32, #tpu.memory_space<vmem>>) dst(%dma_wait3A_165 : memref<16xf32, #tpu.memory_space<hbm>>)
        tpu.yield
      }) : () -> ()
    } else {
    }
    %eq3A_112 = arith.constant 1 : i32
    %eq3A_113 = arith.cmpi eq, %select_n3A_46, %eq3A_112 : i32
    %convert_element_type3A_114 = arith.extui %eq3A_113 : i1 to i32
    %cond3A_115 = arith.constant 0 : i32
    %cond3A_116 = arith.cmpi ne, %convert_element_type3A_114, %cond3A_115 : i32
    scf.if %cond3A_116 {
      %scan3A_117 = arith.constant 0 : i32
      %scan3A_118 = arith.constant 0 : i32
      %scan3A_119 = arith.constant 32 : i32
      %scan3A_120 = arith.addi %scan3A_118, %scan3A_119 : i32
      %scan3A_121 = arith.constant 1 : i32
      %scan3A_122 = scf.for %scan3A_124 = %scan3A_118 to %scan3A_120 step %scan3A_121 iter_args(%scan3A_125 = %scan3A_117) -> (i32)  : i32 {
        %mul3A_126 = arith.constant 32 : i32
        %mul3A_127 = arith.muli %scan3A_124, %mul3A_126 : i32
        %add3A_128 = arith.constant 0 : i32
        %add3A_129 = arith.addi %mul3A_127, %add3A_128 : i32
        %get3A = arith.index_cast %add3A_129 : i32 to index
        %get3A_130 = tpu.vector_load %arg10[%get3A] {strides = array<i32>} : memref<1024xf32, #tpu.memory_space<vmem>>, vector<16xf32>,
        %get3A_131 = vector.shape_cast %get3A_130 : vector<16xf32> to vector<16xf32>
        %add3A_132 = arith.constant 16 : i32
        %add3A_133 = arith.addi %mul3A_127, %add3A_132 : i32
        %get3A_134 = arith.index_cast %add3A_133 : i32 to index
        %get3A_135 = tpu.vector_load %arg10[%get3A_134] {strides = array<i32>} : memref<1024xf32, #tpu.memory_space<vmem>>, vector<16xf32>,
        %get3A_136 = vector.shape_cast %get3A_135 : vector<16xf32> to vector<16xf32>
        %add3A_137 = arith.constant 0 : i32
        %add3A_138 = arith.addi %mul3A_127, %add3A_137 : i32
        %get3A_139 = arith.index_cast %add3A_138 : i32 to index
        %get3A_140 = tpu.vector_load %arg11[%get3A_139] {strides = array<i32>} : memref<1024xf32, #tpu.memory_space<vmem>>, vector<16xf32>,
        %get3A_141 = vector.shape_cast %get3A_140 : vector<16xf32> to vector<16xf32>
        %add3A_142 = arith.constant 16 : i32
        %add3A_143 = arith.addi %mul3A_127, %add3A_142 : i32
        %get3A_144 = arith.index_cast %add3A_143 : i32 to index
        %get3A_145 = tpu.vector_load %arg11[%get3A_144] {strides = array<i32>} : memref<1024xf32, #tpu.memory_space<vmem>>, vector<16xf32>,
        %get3A_146 = vector.shape_cast %get3A_145 : vector<16xf32> to vector<16xf32>
        %add3A_147 = arith.constant 0 : i32
        %add3A_148 = arith.addi %mul3A_127, %add3A_147 : i32
        %get3A_149 = arith.index_cast %add3A_148 : i32 to index
        %get3A_150 = tpu.vector_load %arg12[%get3A_149] {strides = array<i32>} : memref<1024xf32, #tpu.memory_space<vmem>>, vector<16xf32>,
        %get3A_151 = vector.shape_cast %get3A_150 : vector<16xf32> to vector<16xf32>
        %add3A_152 = arith.constant 16 : i32
        %add3A_153 = arith.addi %mul3A_127, %add3A_152 : i32
        %get3A_154 = arith.index_cast %add3A_153 : i32 to index
        %get3A_155 = tpu.vector_load %arg12[%get3A_154] {strides = array<i32>} : memref<1024xf32, #tpu.memory_space<vmem>>, vector<16xf32>,
        %get3A_156 = vector.shape_cast %get3A_155 : vector<16xf32> to vector<16xf32>
        %add3A_157 = arith.constant 0 : i32
        %add3A_158 = arith.addi %mul3A_127, %add3A_157 : i32
        %get3A_159 = arith.index_cast %add3A_158 : i32 to index
        %get3A_160 = tpu.vector_load %arg13[%get3A_159] {strides = array<i32>} : memref<1024xf32, #tpu.memory_space<vmem>>, vector<16xf32>,
        %get3A_161 = vector.shape_cast %get3A_160 : vector<16xf32> to vector<16xf32>
        %add3A_162 = arith.constant 16 : i32
        %add3A_163 = arith.addi %mul3A_127, %add3A_162 : i32
        %get3A_164 = arith.index_cast %add3A_163 : i32 to index
        %get3A_165 = tpu.vector_load %arg13[%get3A_164] {strides = array<i32>} : memref<1024xf32, #tpu.memory_space<vmem>>, vector<16xf32>,
        %get3A_166 = vector.shape_cast %get3A_165 : vector<16xf32> to vector<16xf32>
        %scan3A_167 = arith.constant 0 : i32
        %scan3A_168 = arith.constant 4 : i32
        %scan3A_169 = arith.addi %scan3A_167, %scan3A_168 : i32
        %scan3A_170 = arith.constant 1 : i32
        %scan3A_171:2 = scf.for %scan3A_185 = %scan3A_167 to %scan3A_169 step %scan3A_170 iter_args(%scan3A_186 = %broadcast_in_dim3A_106, %scan3A_187 = %broadcast_in_dim3A_106) -> (vector<16xf32>, vector<16xf32>)  : i32 {
          %mul3A_188 = arith.constant 16 : i32
          %mul3A_189 = arith.muli %scan3A_185, %mul3A_188 : i32
          %get3A_190 = arith.index_cast %mul3A_189 : i32 to index
          %get3A_191 = tpu.vector_load %arg14[%get3A_190] {strides = array<i32>} : memref<4096xf32, #tpu.memory_space<vmem>>, vector<16xf32>,
          %get3A_192 = vector.shape_cast %get3A_191 : vector<16xf32> to vector<16xf32>
          %get3A_193 = arith.index_cast %mul3A_189 : i32 to index
          %get3A_194 = tpu.vector_load %arg15[%get3A_193] {strides = array<i32>} : memref<4096xf32, #tpu.memory_space<vmem>>, vector<16xf32>,
          %get3A_195 = vector.shape_cast %get3A_194 : vector<16xf32> to vector<16xf32>
          %get3A_196 = arith.index_cast %mul3A_189 : i32 to index
          %get3A_197 = tpu.vector_load %arg16[%get3A_196] {strides = array<i32>} : memref<4096xf32, #tpu.memory_space<vmem>>, vector<16xf32>,
          %get3A_198 = vector.shape_cast %get3A_197 : vector<16xf32> to vector<16xf32>
          %get3A_199 = arith.index_cast %mul3A_189 : i32 to index
          %get3A_200 = tpu.vector_load %arg17[%get3A_199] {strides = array<i32>} : memref<4096xf32, #tpu.memory_space<vmem>>, vector<16xf32>,
          %get3A_201 = vector.shape_cast %get3A_200 : vector<16xf32> to vector<16xf32>
          %slice3A = vector.extract_strided_slice %get3A_192 {offsets = [0], sizes = [1], strides = [1]} : vector<16xf32> to vector<1xf32>
          %squeeze3A = vector.extract %slice3A[0] : f32 from vector<1xf32>
          %slice3A_202 = vector.extract_strided_slice %get3A_195 {offsets = [0], sizes = [1], strides = [1]} : vector<16xf32> to vector<1xf32>
          %squeeze3A_203 = vector.extract %slice3A_202[0] : f32 from vector<1xf32>
          %slice3A_204 = vector.extract_strided_slice %get3A_198 {offsets = [0], sizes = [1], strides = [1]} : vector<16xf32> to vector<1xf32>
          %squeeze3A_205 = vector.extract %slice3A_204[0] : f32 from vector<1xf32>
          %slice3A_206 = vector.extract_strided_slice %get3A_201 {offsets = [0], sizes = [1], strides = [1]} : vector<16xf32> to vector<1xf32>
          %squeeze3A_207 = vector.extract %slice3A_206[0] : f32 from vector<1xf32>
          %slice3A_208 = vector.extract_strided_slice %get3A_192 {offsets = [1], sizes = [1], strides = [1]} : vector<16xf32> to vector<1xf32>
          %squeeze3A_209 = vector.extract %slice3A_208[0] : f32 from vector<1xf32>
          %slice3A_210 = vector.extract_strided_slice %get3A_195 {offsets = [1], sizes = [1], strides = [1]} : vector<16xf32> to vector<1xf32>
          %squeeze3A_211 = vector.extract %slice3A_210[0] : f32 from vector<1xf32>
          %slice3A_212 = vector.extract_strided_slice %get3A_198 {offsets = [1], sizes = [1], strides = [1]} : vector<16xf32> to vector<1xf32>
          %squeeze3A_213 = vector.extract %slice3A_212[0] : f32 from vector<1xf32>
          %slice3A_214 = vector.extract_strided_slice %get3A_201 {offsets = [1], sizes = [1], strides = [1]} : vector<16xf32> to vector<1xf32>
          %squeeze3A_215 = vector.extract %slice3A_214[0] : f32 from vector<1xf32>
          %slice3A_216 = vector.extract_strided_slice %get3A_192 {offsets = [2], sizes = [1], strides = [1]} : vector<16xf32> to vector<1xf32>
          %squeeze3A_217 = vector.extract %slice3A_216[0] : f32 from vector<1xf32>
          %slice3A_218 = vector.extract_strided_slice %get3A_195 {offsets = [2], sizes = [1], strides = [1]} : vector<16xf32> to vector<1xf32>
          %squeeze3A_219 = vector.extract %slice3A_218[0] : f32 from vector<1xf32>
          %slice3A_220 = vector.extract_strided_slice %get3A_198 {offsets = [2], sizes = [1], strides = [1]} : vector<16xf32> to vector<1xf32>
          %squeeze3A_221 = vector.extract %slice3A_220[0] : f32 from vector<1xf32>
          %slice3A_222 = vector.extract_strided_slice %get3A_201 {offsets = [2], sizes = [1], strides = [1]} : vector<16xf32> to vector<1xf32>
          %squeeze3A_223 = vector.extract %slice3A_222[0] : f32 from vector<1xf32>
          %slice3A_224 = vector.extract_strided_slice %get3A_192 {offsets = [3], sizes = [1], strides = [1]} : vector<16xf32> to vector<1xf32>
          %squeeze3A_225 = vector.extract %slice3A_224[0] : f32 from vector<1xf32>
          %slice3A_226 = vector.extract_strided_slice %get3A_195 {offsets = [3], sizes = [1], strides = [1]} : vector<16xf32> to vector<1xf32>
          %squeeze3A_227 = vector.extract %slice3A_226[0] : f32 from vector<1xf32>
          %slice3A_228 = vector.extract_strided_slice %get3A_198 {offsets = [3], sizes = [1], strides = [1]} : vector<16xf32> to vector<1xf32>
          %squeeze3A_229 = vector.extract %slice3A_228[0] : f32 from vector<1xf32>
          %slice3A_230 = vector.extract_strided_slice %get3A_201 {offsets = [3], sizes = [1], strides = [1]} : vector<16xf32> to vector<1xf32>
          %squeeze3A_231 = vector.extract %slice3A_230[0] : f32 from vector<1xf32>
          %slice3A_232 = vector.extract_strided_slice %get3A_192 {offsets = [4], sizes = [1], strides = [1]} : vector<16xf32> to vector<1xf32>
          %squeeze3A_233 = vector.extract %slice3A_232[0] : f32 from vector<1xf32>
          %slice3A_234 = vector.extract_strided_slice %get3A_195 {offsets = [4], sizes = [1], strides = [1]} : vector<16xf32> to vector<1xf32>
          %squeeze3A_235 = vector.extract %slice3A_234[0] : f32 from vector<1xf32>
          %slice3A_236 = vector.extract_strided_slice %get3A_198 {offsets = [4], sizes = [1], strides = [1]} : vector<16xf32> to vector<1xf32>
          %squeeze3A_237 = vector.extract %slice3A_236[0] : f32 from vector<1xf32>
          %slice3A_238 = vector.extract_strided_slice %get3A_201 {offsets = [4], sizes = [1], strides = [1]} : vector<16xf32> to vector<1xf32>
          %squeeze3A_239 = vector.extract %slice3A_238[0] : f32 from vector<1xf32>
          %slice3A_240 = vector.extract_strided_slice %get3A_192 {offsets = [5], sizes = [1], strides = [1]} : vector<16xf32> to vector<1xf32>
          %squeeze3A_241 = vector.extract %slice3A_240[0] : f32 from vector<1xf32>
          %slice3A_242 = vector.extract_strided_slice %get3A_195 {offsets = [5], sizes = [1], strides = [1]} : vector<16xf32> to vector<1xf32>
          %squeeze3A_243 = vector.extract %slice3A_242[0] : f32 from vector<1xf32>
          %slice3A_244 = vector.extract_strided_slice %get3A_198 {offsets = [5], sizes = [1], strides = [1]} : vector<16xf32> to vector<1xf32>
          %squeeze3A_245 = vector.extract %slice3A_244[0] : f32 from vector<1xf32>
          %slice3A_246 = vector.extract_strided_slice %get3A_201 {offsets = [5], sizes = [1], strides = [1]} : vector<16xf32> to vector<1xf32>
          %squeeze3A_247 = vector.extract %slice3A_246[0] : f32 from vector<1xf32>
          %slice3A_248 = vector.extract_strided_slice %get3A_192 {offsets = [6], sizes = [1], strides = [1]} : vector<16xf32> to vector<1xf32>
          %squeeze3A_249 = vector.extract %slice3A_248[0] : f32 from vector<1xf32>
          %slice3A_250 = vector.extract_strided_slice %get3A_195 {offsets = [6], sizes = [1], strides = [1]} : vector<16xf32> to vector<1xf32>
          %squeeze3A_251 = vector.extract %slice3A_250[0] : f32 from vector<1xf32>
          %slice3A_252 = vector.extract_strided_slice %get3A_198 {offsets = [6], sizes = [1], strides = [1]} : vector<16xf32> to vector<1xf32>
          %squeeze3A_253 = vector.extract %slice3A_252[0] : f32 from vector<1xf32>
          %slice3A_254 = vector.extract_strided_slice %get3A_201 {offsets = [6], sizes = [1], strides = [1]} : vector<16xf32> to vector<1xf32>
          %squeeze3A_255 = vector.extract %slice3A_254[0] : f32 from vector<1xf32>
          %slice3A_256 = vector.extract_strided_slice %get3A_192 {offsets = [7], sizes = [1], strides = [1]} : vector<16xf32> to vector<1xf32>
          %squeeze3A_257 = vector.extract %slice3A_256[0] : f32 from vector<1xf32>
          %slice3A_258 = vector.extract_strided_slice %get3A_195 {offsets = [7], sizes = [1], strides = [1]} : vector<16xf32> to vector<1xf32>
          %squeeze3A_259 = vector.extract %slice3A_258[0] : f32 from vector<1xf32>
          %slice3A_260 = vector.extract_strided_slice %get3A_198 {offsets = [7], sizes = [1], strides = [1]} : vector<16xf32> to vector<1xf32>
          %squeeze3A_261 = vector.extract %slice3A_260[0] : f32 from vector<1xf32>
          %slice3A_262 = vector.extract_strided_slice %get3A_201 {offsets = [7], sizes = [1], strides = [1]} : vector<16xf32> to vector<1xf32>
          %squeeze3A_263 = vector.extract %slice3A_262[0] : f32 from vector<1xf32>
          %slice3A_264 = vector.extract_strided_slice %get3A_192 {offsets = [8], sizes = [1], strides = [1]} : vector<16xf32> to vector<1xf32>
          %squeeze3A_265 = vector.extract %slice3A_264[0] : f32 from vector<1xf32>
          %slice3A_266 = vector.extract_strided_slice %get3A_195 {offsets = [8], sizes = [1], strides = [1]} : vector<16xf32> to vector<1xf32>
          %squeeze3A_267 = vector.extract %slice3A_266[0] : f32 from vector<1xf32>
          %slice3A_268 = vector.extract_strided_slice %get3A_198 {offsets = [8], sizes = [1], strides = [1]} : vector<16xf32> to vector<1xf32>
          %squeeze3A_269 = vector.extract %slice3A_268[0] : f32 from vector<1xf32>
          %slice3A_270 = vector.extract_strided_slice %get3A_201 {offsets = [8], sizes = [1], strides = [1]} : vector<16xf32> to vector<1xf32>
          %squeeze3A_271 = vector.extract %slice3A_270[0] : f32 from vector<1xf32>
          %slice3A_272 = vector.extract_strided_slice %get3A_192 {offsets = [9], sizes = [1], strides = [1]} : vector<16xf32> to vector<1xf32>
          %squeeze3A_273 = vector.extract %slice3A_272[0] : f32 from vector<1xf32>
          %slice3A_274 = vector.extract_strided_slice %get3A_195 {offsets = [9], sizes = [1], strides = [1]} : vector<16xf32> to vector<1xf32>
          %squeeze3A_275 = vector.extract %slice3A_274[0] : f32 from vector<1xf32>
          %slice3A_276 = vector.extract_strided_slice %get3A_198 {offsets = [9], sizes = [1], strides = [1]} : vector<16xf32> to vector<1xf32>
          %squeeze3A_277 = vector.extract %slice3A_276[0] : f32 from vector<1xf32>
          %slice3A_278 = vector.extract_strided_slice %get3A_201 {offsets = [9], sizes = [1], strides = [1]} : vector<16xf32> to vector<1xf32>
          %squeeze3A_279 = vector.extract %slice3A_278[0] : f32 from vector<1xf32>
          %slice3A_280 = vector.extract_strided_slice %get3A_192 {offsets = [10], sizes = [1], strides = [1]} : vector<16xf32> to vector<1xf32>
          %squeeze3A_281 = vector.extract %slice3A_280[0] : f32 from vector<1xf32>
          %slice3A_282 = vector.extract_strided_slice %get3A_195 {offsets = [10], sizes = [1], strides = [1]} : vector<16xf32> to vector<1xf32>
          %squeeze3A_283 = vector.extract %slice3A_282[0] : f32 from vector<1xf32>
          %slice3A_284 = vector.extract_strided_slice %get3A_198 {offsets = [10], sizes = [1], strides = [1]} : vector<16xf32> to vector<1xf32>
          %squeeze3A_285 = vector.extract %slice3A_284[0] : f32 from vector<1xf32>
          %slice3A_286 = vector.extract_strided_slice %get3A_201 {offsets = [10], sizes = [1], strides = [1]} : vector<16xf32> to vector<1xf32>
          %squeeze3A_287 = vector.extract %slice3A_286[0] : f32 from vector<1xf32>
          %slice3A_288 = vector.extract_strided_slice %get3A_192 {offsets = [11], sizes = [1], strides = [1]} : vector<16xf32> to vector<1xf32>
          %squeeze3A_289 = vector.extract %slice3A_288[0] : f32 from vector<1xf32>
          %slice3A_290 = vector.extract_strided_slice %get3A_195 {offsets = [11], sizes = [1], strides = [1]} : vector<16xf32> to vector<1xf32>
          %squeeze3A_291 = vector.extract %slice3A_290[0] : f32 from vector<1xf32>
          %slice3A_292 = vector.extract_strided_slice %get3A_198 {offsets = [11], sizes = [1], strides = [1]} : vector<16xf32> to vector<1xf32>
          %squeeze3A_293 = vector.extract %slice3A_292[0] : f32 from vector<1xf32>
          %slice3A_294 = vector.extract_strided_slice %get3A_201 {offsets = [11], sizes = [1], strides = [1]} : vector<16xf32> to vector<1xf32>
          %squeeze3A_295 = vector.extract %slice3A_294[0] : f32 from vector<1xf32>
          %slice3A_296 = vector.extract_strided_slice %get3A_192 {offsets = [12], sizes = [1], strides = [1]} : vector<16xf32> to vector<1xf32>
          %squeeze3A_297 = vector.extract %slice3A_296[0] : f32 from vector<1xf32>
          %slice3A_298 = vector.extract_strided_slice %get3A_195 {offsets = [12], sizes = [1], strides = [1]} : vector<16xf32> to vector<1xf32>
          %squeeze3A_299 = vector.extract %slice3A_298[0] : f32 from vector<1xf32>
          %slice3A_300 = vector.extract_strided_slice %get3A_198 {offsets = [12], sizes = [1], strides = [1]} : vector<16xf32> to vector<1xf32>
          %squeeze3A_301 = vector.extract %slice3A_300[0] : f32 from vector<1xf32>
          %slice3A_302 = vector.extract_strided_slice %get3A_201 {offsets = [12], sizes = [1], strides = [1]} : vector<16xf32> to vector<1xf32>
          %squeeze3A_303 = vector.extract %slice3A_302[0] : f32 from vector<1xf32>
          %slice3A_304 = vector.extract_strided_slice %get3A_192 {offsets = [13], sizes = [1], strides = [1]} : vector<16xf32> to vector<1xf32>
          %squeeze3A_305 = vector.extract %slice3A_304[0] : f32 from vector<1xf32>
          %slice3A_306 = vector.extract_strided_slice %get3A_195 {offsets = [13], sizes = [1], strides = [1]} : vector<16xf32> to vector<1xf32>
          %squeeze3A_307 = vector.extract %slice3A_306[0] : f32 from vector<1xf32>
          %slice3A_308 = vector.extract_strided_slice %get3A_198 {offsets = [13], sizes = [1], strides = [1]} : vector<16xf32> to vector<1xf32>
          %squeeze3A_309 = vector.extract %slice3A_308[0] : f32 from vector<1xf32>
          %slice3A_310 = vector.extract_strided_slice %get3A_201 {offsets = [13], sizes = [1], strides = [1]} : vector<16xf32> to vector<1xf32>
          %squeeze3A_311 = vector.extract %slice3A_310[0] : f32 from vector<1xf32>
          %slice3A_312 = vector.extract_strided_slice %get3A_192 {offsets = [14], sizes = [1], strides = [1]} : vector<16xf32> to vector<1xf32>
          %squeeze3A_313 = vector.extract %slice3A_312[0] : f32 from vector<1xf32>
          %slice3A_314 = vector.extract_strided_slice %get3A_195 {offsets = [14], sizes = [1], strides = [1]} : vector<16xf32> to vector<1xf32>
          %squeeze3A_315 = vector.extract %slice3A_314[0] : f32 from vector<1xf32>
          %slice3A_316 = vector.extract_strided_slice %get3A_198 {offsets = [14], sizes = [1], strides = [1]} : vector<16xf32> to vector<1xf32>
          %squeeze3A_317 = vector.extract %slice3A_316[0] : f32 from vector<1xf32>
          %slice3A_318 = vector.extract_strided_slice %get3A_201 {offsets = [14], sizes = [1], strides = [1]} : vector<16xf32> to vector<1xf32>
          %squeeze3A_319 = vector.extract %slice3A_318[0] : f32 from vector<1xf32>
          %slice3A_320 = vector.extract_strided_slice %get3A_192 {offsets = [15], sizes = [1], strides = [1]} : vector<16xf32> to vector<1xf32>
          %squeeze3A_321 = vector.extract %slice3A_320[0] : f32 from vector<1xf32>
          %slice3A_322 = vector.extract_strided_slice %get3A_195 {offsets = [15], sizes = [1], strides = [1]} : vector<16xf32> to vector<1xf32>
          %squeeze3A_323 = vector.extract %slice3A_322[0] : f32 from vector<1xf32>
          %slice3A_324 = vector.extract_strided_slice %get3A_198 {offsets = [15], sizes = [1], strides = [1]} : vector<16xf32> to vector<1xf32>
          %squeeze3A_325 = vector.extract %slice3A_324[0] : f32 from vector<1xf32>
          %slice3A_326 = vector.extract_strided_slice %get3A_201 {offsets = [15], sizes = [1], strides = [1]} : vector<16xf32> to vector<1xf32>
          %squeeze3A_327 = vector.extract %slice3A_326[0] : f32 from vector<1xf32>
          %add3A_328 = vector.broadcast %squeeze3A_207 : f32 to vector<16xf32>
          %add3A_329 = arith.addf %get3A_161, %add3A_328 : vector<16xf32>
          %mul3A_330 = vector.broadcast %squeeze3A : f32 to vector<16xf32>
          %mul3A_331 = arith.mulf %get3A_131, %mul3A_330 : vector<16xf32>
          %add3A_332 = arith.addf %add3A_329, %mul3A_331 : vector<16xf32>
          %mul3A_333 = vector.broadcast %squeeze3A_203 : f32 to vector<16xf32>
          %mul3A_334 = arith.mulf %get3A_141, %mul3A_333 : vector<16xf32>
          %add3A_335 = arith.addf %add3A_332, %mul3A_334 : vector<16xf32>
          %mul3A_336 = vector.broadcast %squeeze3A_205 : f32 to vector<16xf32>
          %mul3A_337 = arith.mulf %get3A_151, %mul3A_336 : vector<16xf32>
          %add3A_338 = arith.addf %add3A_335, %mul3A_337 : vector<16xf32>
          %add3A_339 = vector.broadcast %squeeze3A_215 : f32 to vector<16xf32>
          %add3A_340 = arith.addf %get3A_161, %add3A_339 : vector<16xf32>
          %mul3A_341 = vector.broadcast %squeeze3A_209 : f32 to vector<16xf32>
          %mul3A_342 = arith.mulf %get3A_131, %mul3A_341 : vector<16xf32>
          %add3A_343 = arith.addf %add3A_340, %mul3A_342 : vector<16xf32>
          %mul3A_344 = vector.broadcast %squeeze3A_211 : f32 to vector<16xf32>
          %mul3A_345 = arith.mulf %get3A_141, %mul3A_344 : vector<16xf32>
          %add3A_346 = arith.addf %add3A_343, %mul3A_345 : vector<16xf32>
          %mul3A_347 = vector.broadcast %squeeze3A_213 : f32 to vector<16xf32>
          %mul3A_348 = arith.mulf %get3A_151, %mul3A_347 : vector<16xf32>
          %add3A_349 = arith.addf %add3A_346, %mul3A_348 : vector<16xf32>
          %add3A_350 = vector.broadcast %squeeze3A_223 : f32 to vector<16xf32>
          %add3A_351 = arith.addf %get3A_161, %add3A_350 : vector<16xf32>
          %mul3A_352 = vector.broadcast %squeeze3A_217 : f32 to vector<16xf32>
          %mul3A_353 = arith.mulf %get3A_131, %mul3A_352 : vector<16xf32>
          %add3A_354 = arith.addf %add3A_351, %mul3A_353 : vector<16xf32>
          %mul3A_355 = vector.broadcast %squeeze3A_219 : f32 to vector<16xf32>
          %mul3A_356 = arith.mulf %get3A_141, %mul3A_355 : vector<16xf32>
          %add3A_357 = arith.addf %add3A_354, %mul3A_356 : vector<16xf32>
          %mul3A_358 = vector.broadcast %squeeze3A_221 : f32 to vector<16xf32>
          %mul3A_359 = arith.mulf %get3A_151, %mul3A_358 : vector<16xf32>
          %add3A_360 = arith.addf %add3A_357, %mul3A_359 : vector<16xf32>
          %add3A_361 = vector.broadcast %squeeze3A_231 : f32 to vector<16xf32>
          %add3A_362 = arith.addf %get3A_161, %add3A_361 : vector<16xf32>
          %mul3A_363 = vector.broadcast %squeeze3A_225 : f32 to vector<16xf32>
          %mul3A_364 = arith.mulf %get3A_131, %mul3A_363 : vector<16xf32>
          %add3A_365 = arith.addf %add3A_362, %mul3A_364 : vector<16xf32>
          %mul3A_366 = vector.broadcast %squeeze3A_227 : f32 to vector<16xf32>
          %mul3A_367 = arith.mulf %get3A_141, %mul3A_366 : vector<16xf32>
          %add3A_368 = arith.addf %add3A_365, %mul3A_367 : vector<16xf32>
          %mul3A_369 = vector.broadcast %squeeze3A_229 : f32 to vector<16xf32>
          %mul3A_370 = arith.mulf %get3A_151, %mul3A_369 : vector<16xf32>
          %add3A_371 = arith.addf %add3A_368, %mul3A_370 : vector<16xf32>
          %add3A_372 = vector.broadcast %squeeze3A_239 : f32 to vector<16xf32>
          %add3A_373 = arith.addf %get3A_161, %add3A_372 : vector<16xf32>
          %mul3A_374 = vector.broadcast %squeeze3A_233 : f32 to vector<16xf32>
          %mul3A_375 = arith.mulf %get3A_131, %mul3A_374 : vector<16xf32>
          %add3A_376 = arith.addf %add3A_373, %mul3A_375 : vector<16xf32>
          %mul3A_377 = vector.broadcast %squeeze3A_235 : f32 to vector<16xf32>
          %mul3A_378 = arith.mulf %get3A_141, %mul3A_377 : vector<16xf32>
          %add3A_379 = arith.addf %add3A_376, %mul3A_378 : vector<16xf32>
          %mul3A_380 = vector.broadcast %squeeze3A_237 : f32 to vector<16xf32>
          %mul3A_381 = arith.mulf %get3A_151, %mul3A_380 : vector<16xf32>
          %add3A_382 = arith.addf %add3A_379, %mul3A_381 : vector<16xf32>
          %add3A_383 = vector.broadcast %squeeze3A_247 : f32 to vector<16xf32>
          %add3A_384 = arith.addf %get3A_161, %add3A_383 : vector<16xf32>
          %mul3A_385 = vector.broadcast %squeeze3A_241 : f32 to vector<16xf32>
          %mul3A_386 = arith.mulf %get3A_131, %mul3A_385 : vector<16xf32>
          %add3A_387 = arith.addf %add3A_384, %mul3A_386 : vector<16xf32>
          %mul3A_388 = vector.broadcast %squeeze3A_243 : f32 to vector<16xf32>
          %mul3A_389 = arith.mulf %get3A_141, %mul3A_388 : vector<16xf32>
          %add3A_390 = arith.addf %add3A_387, %mul3A_389 : vector<16xf32>
          %mul3A_391 = vector.broadcast %squeeze3A_245 : f32 to vector<16xf32>
          %mul3A_392 = arith.mulf %get3A_151, %mul3A_391 : vector<16xf32>
          %add3A_393 = arith.addf %add3A_390, %mul3A_392 : vector<16xf32>
          %add3A_394 = vector.broadcast %squeeze3A_255 : f32 to vector<16xf32>
          %add3A_395 = arith.addf %get3A_161, %add3A_394 : vector<16xf32>
          %mul3A_396 = vector.broadcast %squeeze3A_249 : f32 to vector<16xf32>
          %mul3A_397 = arith.mulf %get3A_131, %mul3A_396 : vector<16xf32>
          %add3A_398 = arith.addf %add3A_395, %mul3A_397 : vector<16xf32>
          %mul3A_399 = vector.broadcast %squeeze3A_251 : f32 to vector<16xf32>
          %mul3A_400 = arith.mulf %get3A_141, %mul3A_399 : vector<16xf32>
          %add3A_401 = arith.addf %add3A_398, %mul3A_400 : vector<16xf32>
          %mul3A_402 = vector.broadcast %squeeze3A_253 : f32 to vector<16xf32>
          %mul3A_403 = arith.mulf %get3A_151, %mul3A_402 : vector<16xf32>
          %add3A_404 = arith.addf %add3A_401, %mul3A_403 : vector<16xf32>
          %add3A_405 = vector.broadcast %squeeze3A_263 : f32 to vector<16xf32>
          %add3A_406 = arith.addf %get3A_161, %add3A_405 : vector<16xf32>
          %mul3A_407 = vector.broadcast %squeeze3A_257 : f32 to vector<16xf32>
          %mul3A_408 = arith.mulf %get3A_131, %mul3A_407 : vector<16xf32>
          %add3A_409 = arith.addf %add3A_406, %mul3A_408 : vector<16xf32>
          %mul3A_410 = vector.broadcast %squeeze3A_259 : f32 to vector<16xf32>
          %mul3A_411 = arith.mulf %get3A_141, %mul3A_410 : vector<16xf32>
          %add3A_412 = arith.addf %add3A_409, %mul3A_411 : vector<16xf32>
          %mul3A_413 = vector.broadcast %squeeze3A_261 : f32 to vector<16xf32>
          %mul3A_414 = arith.mulf %get3A_151, %mul3A_413 : vector<16xf32>
          %add3A_415 = arith.addf %add3A_412, %mul3A_414 : vector<16xf32>
          %add3A_416 = vector.broadcast %squeeze3A_271 : f32 to vector<16xf32>
          %add3A_417 = arith.addf %get3A_161, %add3A_416 : vector<16xf32>
          %mul3A_418 = vector.broadcast %squeeze3A_265 : f32 to vector<16xf32>
          %mul3A_419 = arith.mulf %get3A_131, %mul3A_418 : vector<16xf32>
          %add3A_420 = arith.addf %add3A_417, %mul3A_419 : vector<16xf32>
          %mul3A_421 = vector.broadcast %squeeze3A_267 : f32 to vector<16xf32>
          %mul3A_422 = arith.mulf %get3A_141, %mul3A_421 : vector<16xf32>
          %add3A_423 = arith.addf %add3A_420, %mul3A_422 : vector<16xf32>
          %mul3A_424 = vector.broadcast %squeeze3A_269 : f32 to vector<16xf32>
          %mul3A_425 = arith.mulf %get3A_151, %mul3A_424 : vector<16xf32>
          %add3A_426 = arith.addf %add3A_423, %mul3A_425 : vector<16xf32>
          %add3A_427 = vector.broadcast %squeeze3A_279 : f32 to vector<16xf32>
          %add3A_428 = arith.addf %get3A_161, %add3A_427 : vector<16xf32>
          %mul3A_429 = vector.broadcast %squeeze3A_273 : f32 to vector<16xf32>
          %mul3A_430 = arith.mulf %get3A_131, %mul3A_429 : vector<16xf32>
          %add3A_431 = arith.addf %add3A_428, %mul3A_430 : vector<16xf32>
          %mul3A_432 = vector.broadcast %squeeze3A_275 : f32 to vector<16xf32>
          %mul3A_433 = arith.mulf %get3A_141, %mul3A_432 : vector<16xf32>
          %add3A_434 = arith.addf %add3A_431, %mul3A_433 : vector<16xf32>
          %mul3A_435 = vector.broadcast %squeeze3A_277 : f32 to vector<16xf32>
          %mul3A_436 = arith.mulf %get3A_151, %mul3A_435 : vector<16xf32>
          %add3A_437 = arith.addf %add3A_434, %mul3A_436 : vector<16xf32>
          %add3A_438 = vector.broadcast %squeeze3A_287 : f32 to vector<16xf32>
          %add3A_439 = arith.addf %get3A_161, %add3A_438 : vector<16xf32>
          %mul3A_440 = vector.broadcast %squeeze3A_281 : f32 to vector<16xf32>
          %mul3A_441 = arith.mulf %get3A_131, %mul3A_440 : vector<16xf32>
          %add3A_442 = arith.addf %add3A_439, %mul3A_441 : vector<16xf32>
          %mul3A_443 = vector.broadcast %squeeze3A_283 : f32 to vector<16xf32>
          %mul3A_444 = arith.mulf %get3A_141, %mul3A_443 : vector<16xf32>
          %add3A_445 = arith.addf %add3A_442, %mul3A_444 : vector<16xf32>
          %mul3A_446 = vector.broadcast %squeeze3A_285 : f32 to vector<16xf32>
          %mul3A_447 = arith.mulf %get3A_151, %mul3A_446 : vector<16xf32>
          %add3A_448 = arith.addf %add3A_445, %mul3A_447 : vector<16xf32>
          %add3A_449 = vector.broadcast %squeeze3A_295 : f32 to vector<16xf32>
          %add3A_450 = arith.addf %get3A_161, %add3A_449 : vector<16xf32>
          %mul3A_451 = vector.broadcast %squeeze3A_289 : f32 to vector<16xf32>
          %mul3A_452 = arith.mulf %get3A_131, %mul3A_451 : vector<16xf32>
          %add3A_453 = arith.addf %add3A_450, %mul3A_452 : vector<16xf32>
          %mul3A_454 = vector.broadcast %squeeze3A_291 : f32 to vector<16xf32>
          %mul3A_455 = arith.mulf %get3A_141, %mul3A_454 : vector<16xf32>
          %add3A_456 = arith.addf %add3A_453, %mul3A_455 : vector<16xf32>
          %mul3A_457 = vector.broadcast %squeeze3A_293 : f32 to vector<16xf32>
          %mul3A_458 = arith.mulf %get3A_151, %mul3A_457 : vector<16xf32>
          %add3A_459 = arith.addf %add3A_456, %mul3A_458 : vector<16xf32>
          %add3A_460 = vector.broadcast %squeeze3A_303 : f32 to vector<16xf32>
          %add3A_461 = arith.addf %get3A_161, %add3A_460 : vector<16xf32>
          %mul3A_462 = vector.broadcast %squeeze3A_297 : f32 to vector<16xf32>
          %mul3A_463 = arith.mulf %get3A_131, %mul3A_462 : vector<16xf32>
          %add3A_464 = arith.addf %add3A_461, %mul3A_463 : vector<16xf32>
          %mul3A_465 = vector.broadcast %squeeze3A_299 : f32 to vector<16xf32>
          %mul3A_466 = arith.mulf %get3A_141, %mul3A_465 : vector<16xf32>
          %add3A_467 = arith.addf %add3A_464, %mul3A_466 : vector<16xf32>
          %mul3A_468 = vector.broadcast %squeeze3A_301 : f32 to vector<16xf32>
          %mul3A_469 = arith.mulf %get3A_151, %mul3A_468 : vector<16xf32>
          %add3A_470 = arith.addf %add3A_467, %mul3A_469 : vector<16xf32>
          %add3A_471 = vector.broadcast %squeeze3A_311 : f32 to vector<16xf32>
          %add3A_472 = arith.addf %get3A_161, %add3A_471 : vector<16xf32>
          %mul3A_473 = vector.broadcast %squeeze3A_305 : f32 to vector<16xf32>
          %mul3A_474 = arith.mulf %get3A_131, %mul3A_473 : vector<16xf32>
          %add3A_475 = arith.addf %add3A_472, %mul3A_474 : vector<16xf32>
          %mul3A_476 = vector.broadcast %squeeze3A_307 : f32 to vector<16xf32>
          %mul3A_477 = arith.mulf %get3A_141, %mul3A_476 : vector<16xf32>
          %add3A_478 = arith.addf %add3A_475, %mul3A_477 : vector<16xf32>
          %mul3A_479 = vector.broadcast %squeeze3A_309 : f32 to vector<16xf32>
          %mul3A_480 = arith.mulf %get3A_151, %mul3A_479 : vector<16xf32>
          %add3A_481 = arith.addf %add3A_478, %mul3A_480 : vector<16xf32>
          %add3A_482 = vector.broadcast %squeeze3A_319 : f32 to vector<16xf32>
          %add3A_483 = arith.addf %get3A_161, %add3A_482 : vector<16xf32>
          %mul3A_484 = vector.broadcast %squeeze3A_313 : f32 to vector<16xf32>
          %mul3A_485 = arith.mulf %get3A_131, %mul3A_484 : vector<16xf32>
          %add3A_486 = arith.addf %add3A_483, %mul3A_485 : vector<16xf32>
          %mul3A_487 = vector.broadcast %squeeze3A_315 : f32 to vector<16xf32>
          %mul3A_488 = arith.mulf %get3A_141, %mul3A_487 : vector<16xf32>
          %add3A_489 = arith.addf %add3A_486, %mul3A_488 : vector<16xf32>
          %mul3A_490 = vector.broadcast %squeeze3A_317 : f32 to vector<16xf32>
          %mul3A_491 = arith.mulf %get3A_151, %mul3A_490 : vector<16xf32>
          %add3A_492 = arith.addf %add3A_489, %mul3A_491 : vector<16xf32>
          %add3A_493 = vector.broadcast %squeeze3A_327 : f32 to vector<16xf32>
          %add3A_494 = arith.addf %get3A_161, %add3A_493 : vector<16xf32>
          %mul3A_495 = vector.broadcast %squeeze3A_321 : f32 to vector<16xf32>
          %mul3A_496 = arith.mulf %get3A_131, %mul3A_495 : vector<16xf32>
          %add3A_497 = arith.addf %add3A_494, %mul3A_496 : vector<16xf32>
          %mul3A_498 = vector.broadcast %squeeze3A_323 : f32 to vector<16xf32>
          %mul3A_499 = arith.mulf %get3A_141, %mul3A_498 : vector<16xf32>
          %add3A_500 = arith.addf %add3A_497, %mul3A_499 : vector<16xf32>
          %mul3A_501 = vector.broadcast %squeeze3A_325 : f32 to vector<16xf32>
          %mul3A_502 = arith.mulf %get3A_151, %mul3A_501 : vector<16xf32>
          %add3A_503 = arith.addf %add3A_500, %mul3A_502 : vector<16xf32>
          %min3A = arith.minimumf %add3A_338, %add3A_349 : vector<16xf32>
          %min3A_504 = arith.minimumf %add3A_360, %add3A_371 : vector<16xf32>
          %min3A_505 = arith.minimumf %add3A_382, %add3A_393 : vector<16xf32>
          %min3A_506 = arith.minimumf %add3A_404, %add3A_415 : vector<16xf32>
          %min3A_507 = arith.minimumf %add3A_426, %add3A_437 : vector<16xf32>
          %min3A_508 = arith.minimumf %add3A_448, %add3A_459 : vector<16xf32>
          %min3A_509 = arith.minimumf %add3A_470, %add3A_481 : vector<16xf32>
          %min3A_510 = arith.minimumf %add3A_492, %add3A_503 : vector<16xf32>
          %min3A_511 = arith.minimumf %min3A, %min3A_504 : vector<16xf32>
          %min3A_512 = arith.minimumf %min3A_505, %min3A_506 : vector<16xf32>
          %min3A_513 = arith.minimumf %min3A_507, %min3A_508 : vector<16xf32>
          %min3A_514 = arith.minimumf %min3A_509, %min3A_510 : vector<16xf32>
          %min3A_515 = arith.minimumf %min3A_511, %min3A_512 : vector<16xf32>
          %min3A_516 = arith.minimumf %min3A_513, %min3A_514 : vector<16xf32>
          %min3A_517 = arith.minimumf %min3A_515, %min3A_516 : vector<16xf32>
          %min3A_518 = arith.minimumf %scan3A_186, %min3A_517 : vector<16xf32>
          %add3A_519 = vector.broadcast %squeeze3A_207 : f32 to vector<16xf32>
          %add3A_520 = arith.addf %get3A_166, %add3A_519 : vector<16xf32>
          %mul3A_521 = vector.broadcast %squeeze3A : f32 to vector<16xf32>
          %mul3A_522 = arith.mulf %get3A_136, %mul3A_521 : vector<16xf32>
          %add3A_523 = arith.addf %add3A_520, %mul3A_522 : vector<16xf32>
          %mul3A_524 = vector.broadcast %squeeze3A_203 : f32 to vector<16xf32>
          %mul3A_525 = arith.mulf %get3A_146, %mul3A_524 : vector<16xf32>
          %add3A_526 = arith.addf %add3A_523, %mul3A_525 : vector<16xf32>
          %mul3A_527 = vector.broadcast %squeeze3A_205 : f32 to vector<16xf32>
          %mul3A_528 = arith.mulf %get3A_156, %mul3A_527 : vector<16xf32>
          %add3A_529 = arith.addf %add3A_526, %mul3A_528 : vector<16xf32>
          %add3A_530 = vector.broadcast %squeeze3A_215 : f32 to vector<16xf32>
          %add3A_531 = arith.addf %get3A_166, %add3A_530 : vector<16xf32>
          %mul3A_532 = vector.broadcast %squeeze3A_209 : f32 to vector<16xf32>
          %mul3A_533 = arith.mulf %get3A_136, %mul3A_532 : vector<16xf32>
          %add3A_534 = arith.addf %add3A_531, %mul3A_533 : vector<16xf32>
          %mul3A_535 = vector.broadcast %squeeze3A_211 : f32 to vector<16xf32>
          %mul3A_536 = arith.mulf %get3A_146, %mul3A_535 : vector<16xf32>
          %add3A_537 = arith.addf %add3A_534, %mul3A_536 : vector<16xf32>
          %mul3A_538 = vector.broadcast %squeeze3A_213 : f32 to vector<16xf32>
          %mul3A_539 = arith.mulf %get3A_156, %mul3A_538 : vector<16xf32>
          %add3A_540 = arith.addf %add3A_537, %mul3A_539 : vector<16xf32>
          %add3A_541 = vector.broadcast %squeeze3A_223 : f32 to vector<16xf32>
          %add3A_542 = arith.addf %get3A_166, %add3A_541 : vector<16xf32>
          %mul3A_543 = vector.broadcast %squeeze3A_217 : f32 to vector<16xf32>
          %mul3A_544 = arith.mulf %get3A_136, %mul3A_543 : vector<16xf32>
          %add3A_545 = arith.addf %add3A_542, %mul3A_544 : vector<16xf32>
          %mul3A_546 = vector.broadcast %squeeze3A_219 : f32 to vector<16xf32>
          %mul3A_547 = arith.mulf %get3A_146, %mul3A_546 : vector<16xf32>
          %add3A_548 = arith.addf %add3A_545, %mul3A_547 : vector<16xf32>
          %mul3A_549 = vector.broadcast %squeeze3A_221 : f32 to vector<16xf32>
          %mul3A_550 = arith.mulf %get3A_156, %mul3A_549 : vector<16xf32>
          %add3A_551 = arith.addf %add3A_548, %mul3A_550 : vector<16xf32>
          %add3A_552 = vector.broadcast %squeeze3A_231 : f32 to vector<16xf32>
          %add3A_553 = arith.addf %get3A_166, %add3A_552 : vector<16xf32>
          %mul3A_554 = vector.broadcast %squeeze3A_225 : f32 to vector<16xf32>
          %mul3A_555 = arith.mulf %get3A_136, %mul3A_554 : vector<16xf32>
          %add3A_556 = arith.addf %add3A_553, %mul3A_555 : vector<16xf32>
          %mul3A_557 = vector.broadcast %squeeze3A_227 : f32 to vector<16xf32>
          %mul3A_558 = arith.mulf %get3A_146, %mul3A_557 : vector<16xf32>
          %add3A_559 = arith.addf %add3A_556, %mul3A_558 : vector<16xf32>
          %mul3A_560 = vector.broadcast %squeeze3A_229 : f32 to vector<16xf32>
          %mul3A_561 = arith.mulf %get3A_156, %mul3A_560 : vector<16xf32>
          %add3A_562 = arith.addf %add3A_559, %mul3A_561 : vector<16xf32>
          %add3A_563 = vector.broadcast %squeeze3A_239 : f32 to vector<16xf32>
          %add3A_564 = arith.addf %get3A_166, %add3A_563 : vector<16xf32>
          %mul3A_565 = vector.broadcast %squeeze3A_233 : f32 to vector<16xf32>
          %mul3A_566 = arith.mulf %get3A_136, %mul3A_565 : vector<16xf32>
          %add3A_567 = arith.addf %add3A_564, %mul3A_566 : vector<16xf32>
          %mul3A_568 = vector.broadcast %squeeze3A_235 : f32 to vector<16xf32>
          %mul3A_569 = arith.mulf %get3A_146, %mul3A_568 : vector<16xf32>
          %add3A_570 = arith.addf %add3A_567, %mul3A_569 : vector<16xf32>
          %mul3A_571 = vector.broadcast %squeeze3A_237 : f32 to vector<16xf32>
          %mul3A_572 = arith.mulf %get3A_156, %mul3A_571 : vector<16xf32>
          %add3A_573 = arith.addf %add3A_570, %mul3A_572 : vector<16xf32>
          %add3A_574 = vector.broadcast %squeeze3A_247 : f32 to vector<16xf32>
          %add3A_575 = arith.addf %get3A_166, %add3A_574 : vector<16xf32>
          %mul3A_576 = vector.broadcast %squeeze3A_241 : f32 to vector<16xf32>
          %mul3A_577 = arith.mulf %get3A_136, %mul3A_576 : vector<16xf32>
          %add3A_578 = arith.addf %add3A_575, %mul3A_577 : vector<16xf32>
          %mul3A_579 = vector.broadcast %squeeze3A_243 : f32 to vector<16xf32>
          %mul3A_580 = arith.mulf %get3A_146, %mul3A_579 : vector<16xf32>
          %add3A_581 = arith.addf %add3A_578, %mul3A_580 : vector<16xf32>
          %mul3A_582 = vector.broadcast %squeeze3A_245 : f32 to vector<16xf32>
          %mul3A_583 = arith.mulf %get3A_156, %mul3A_582 : vector<16xf32>
          %add3A_584 = arith.addf %add3A_581, %mul3A_583 : vector<16xf32>
          %add3A_585 = vector.broadcast %squeeze3A_255 : f32 to vector<16xf32>
          %add3A_586 = arith.addf %get3A_166, %add3A_585 : vector<16xf32>
          %mul3A_587 = vector.broadcast %squeeze3A_249 : f32 to vector<16xf32>
          %mul3A_588 = arith.mulf %get3A_136, %mul3A_587 : vector<16xf32>
          %add3A_589 = arith.addf %add3A_586, %mul3A_588 : vector<16xf32>
          %mul3A_590 = vector.broadcast %squeeze3A_251 : f32 to vector<16xf32>
          %mul3A_591 = arith.mulf %get3A_146, %mul3A_590 : vector<16xf32>
          %add3A_592 = arith.addf %add3A_589, %mul3A_591 : vector<16xf32>
          %mul3A_593 = vector.broadcast %squeeze3A_253 : f32 to vector<16xf32>
          %mul3A_594 = arith.mulf %get3A_156, %mul3A_593 : vector<16xf32>
          %add3A_595 = arith.addf %add3A_592, %mul3A_594 : vector<16xf32>
          %add3A_596 = vector.broadcast %squeeze3A_263 : f32 to vector<16xf32>
          %add3A_597 = arith.addf %get3A_166, %add3A_596 : vector<16xf32>
          %mul3A_598 = vector.broadcast %squeeze3A_257 : f32 to vector<16xf32>
          %mul3A_599 = arith.mulf %get3A_136, %mul3A_598 : vector<16xf32>
          %add3A_600 = arith.addf %add3A_597, %mul3A_599 : vector<16xf32>
          %mul3A_601 = vector.broadcast %squeeze3A_259 : f32 to vector<16xf32>
          %mul3A_602 = arith.mulf %get3A_146, %mul3A_601 : vector<16xf32>
          %add3A_603 = arith.addf %add3A_600, %mul3A_602 : vector<16xf32>
          %mul3A_604 = vector.broadcast %squeeze3A_261 : f32 to vector<16xf32>
          %mul3A_605 = arith.mulf %get3A_156, %mul3A_604 : vector<16xf32>
          %add3A_606 = arith.addf %add3A_603, %mul3A_605 : vector<16xf32>
          %add3A_607 = vector.broadcast %squeeze3A_271 : f32 to vector<16xf32>
          %add3A_608 = arith.addf %get3A_166, %add3A_607 : vector<16xf32>
          %mul3A_609 = vector.broadcast %squeeze3A_265 : f32 to vector<16xf32>
          %mul3A_610 = arith.mulf %get3A_136, %mul3A_609 : vector<16xf32>
          %add3A_611 = arith.addf %add3A_608, %mul3A_610 : vector<16xf32>
          %mul3A_612 = vector.broadcast %squeeze3A_267 : f32 to vector<16xf32>
          %mul3A_613 = arith.mulf %get3A_146, %mul3A_612 : vector<16xf32>
          %add3A_614 = arith.addf %add3A_611, %mul3A_613 : vector<16xf32>
          %mul3A_615 = vector.broadcast %squeeze3A_269 : f32 to vector<16xf32>
          %mul3A_616 = arith.mulf %get3A_156, %mul3A_615 : vector<16xf32>
          %add3A_617 = arith.addf %add3A_614, %mul3A_616 : vector<16xf32>
          %add3A_618 = vector.broadcast %squeeze3A_279 : f32 to vector<16xf32>
          %add3A_619 = arith.addf %get3A_166, %add3A_618 : vector<16xf32>
          %mul3A_620 = vector.broadcast %squeeze3A_273 : f32 to vector<16xf32>
          %mul3A_621 = arith.mulf %get3A_136, %mul3A_620 : vector<16xf32>
          %add3A_622 = arith.addf %add3A_619, %mul3A_621 : vector<16xf32>
          %mul3A_623 = vector.broadcast %squeeze3A_275 : f32 to vector<16xf32>
          %mul3A_624 = arith.mulf %get3A_146, %mul3A_623 : vector<16xf32>
          %add3A_625 = arith.addf %add3A_622, %mul3A_624 : vector<16xf32>
          %mul3A_626 = vector.broadcast %squeeze3A_277 : f32 to vector<16xf32>
          %mul3A_627 = arith.mulf %get3A_156, %mul3A_626 : vector<16xf32>
          %add3A_628 = arith.addf %add3A_625, %mul3A_627 : vector<16xf32>
          %add3A_629 = vector.broadcast %squeeze3A_287 : f32 to vector<16xf32>
          %add3A_630 = arith.addf %get3A_166, %add3A_629 : vector<16xf32>
          %mul3A_631 = vector.broadcast %squeeze3A_281 : f32 to vector<16xf32>
          %mul3A_632 = arith.mulf %get3A_136, %mul3A_631 : vector<16xf32>
          %add3A_633 = arith.addf %add3A_630, %mul3A_632 : vector<16xf32>
          %mul3A_634 = vector.broadcast %squeeze3A_283 : f32 to vector<16xf32>
          %mul3A_635 = arith.mulf %get3A_146, %mul3A_634 : vector<16xf32>
          %add3A_636 = arith.addf %add3A_633, %mul3A_635 : vector<16xf32>
          %mul3A_637 = vector.broadcast %squeeze3A_285 : f32 to vector<16xf32>
          %mul3A_638 = arith.mulf %get3A_156, %mul3A_637 : vector<16xf32>
          %add3A_639 = arith.addf %add3A_636, %mul3A_638 : vector<16xf32>
          %add3A_640 = vector.broadcast %squeeze3A_295 : f32 to vector<16xf32>
          %add3A_641 = arith.addf %get3A_166, %add3A_640 : vector<16xf32>
          %mul3A_642 = vector.broadcast %squeeze3A_289 : f32 to vector<16xf32>
          %mul3A_643 = arith.mulf %get3A_136, %mul3A_642 : vector<16xf32>
          %add3A_644 = arith.addf %add3A_641, %mul3A_643 : vector<16xf32>
          %mul3A_645 = vector.broadcast %squeeze3A_291 : f32 to vector<16xf32>
          %mul3A_646 = arith.mulf %get3A_146, %mul3A_645 : vector<16xf32>
          %add3A_647 = arith.addf %add3A_644, %mul3A_646 : vector<16xf32>
          %mul3A_648 = vector.broadcast %squeeze3A_293 : f32 to vector<16xf32>
          %mul3A_649 = arith.mulf %get3A_156, %mul3A_648 : vector<16xf32>
          %add3A_650 = arith.addf %add3A_647, %mul3A_649 : vector<16xf32>
          %add3A_651 = vector.broadcast %squeeze3A_303 : f32 to vector<16xf32>
          %add3A_652 = arith.addf %get3A_166, %add3A_651 : vector<16xf32>
          %mul3A_653 = vector.broadcast %squeeze3A_297 : f32 to vector<16xf32>
          %mul3A_654 = arith.mulf %get3A_136, %mul3A_653 : vector<16xf32>
          %add3A_655 = arith.addf %add3A_652, %mul3A_654 : vector<16xf32>
          %mul3A_656 = vector.broadcast %squeeze3A_299 : f32 to vector<16xf32>
          %mul3A_657 = arith.mulf %get3A_146, %mul3A_656 : vector<16xf32>
          %add3A_658 = arith.addf %add3A_655, %mul3A_657 : vector<16xf32>
          %mul3A_659 = vector.broadcast %squeeze3A_301 : f32 to vector<16xf32>
          %mul3A_660 = arith.mulf %get3A_156, %mul3A_659 : vector<16xf32>
          %add3A_661 = arith.addf %add3A_658, %mul3A_660 : vector<16xf32>
          %add3A_662 = vector.broadcast %squeeze3A_311 : f32 to vector<16xf32>
          %add3A_663 = arith.addf %get3A_166, %add3A_662 : vector<16xf32>
          %mul3A_664 = vector.broadcast %squeeze3A_305 : f32 to vector<16xf32>
          %mul3A_665 = arith.mulf %get3A_136, %mul3A_664 : vector<16xf32>
          %add3A_666 = arith.addf %add3A_663, %mul3A_665 : vector<16xf32>
          %mul3A_667 = vector.broadcast %squeeze3A_307 : f32 to vector<16xf32>
          %mul3A_668 = arith.mulf %get3A_146, %mul3A_667 : vector<16xf32>
          %add3A_669 = arith.addf %add3A_666, %mul3A_668 : vector<16xf32>
          %mul3A_670 = vector.broadcast %squeeze3A_309 : f32 to vector<16xf32>
          %mul3A_671 = arith.mulf %get3A_156, %mul3A_670 : vector<16xf32>
          %add3A_672 = arith.addf %add3A_669, %mul3A_671 : vector<16xf32>
          %add3A_673 = vector.broadcast %squeeze3A_319 : f32 to vector<16xf32>
          %add3A_674 = arith.addf %get3A_166, %add3A_673 : vector<16xf32>
          %mul3A_675 = vector.broadcast %squeeze3A_313 : f32 to vector<16xf32>
          %mul3A_676 = arith.mulf %get3A_136, %mul3A_675 : vector<16xf32>
          %add3A_677 = arith.addf %add3A_674, %mul3A_676 : vector<16xf32>
          %mul3A_678 = vector.broadcast %squeeze3A_315 : f32 to vector<16xf32>
          %mul3A_679 = arith.mulf %get3A_146, %mul3A_678 : vector<16xf32>
          %add3A_680 = arith.addf %add3A_677, %mul3A_679 : vector<16xf32>
          %mul3A_681 = vector.broadcast %squeeze3A_317 : f32 to vector<16xf32>
          %mul3A_682 = arith.mulf %get3A_156, %mul3A_681 : vector<16xf32>
          %add3A_683 = arith.addf %add3A_680, %mul3A_682 : vector<16xf32>
          %add3A_684 = vector.broadcast %squeeze3A_327 : f32 to vector<16xf32>
          %add3A_685 = arith.addf %get3A_166, %add3A_684 : vector<16xf32>
          %mul3A_686 = vector.broadcast %squeeze3A_321 : f32 to vector<16xf32>
          %mul3A_687 = arith.mulf %get3A_136, %mul3A_686 : vector<16xf32>
          %add3A_688 = arith.addf %add3A_685, %mul3A_687 : vector<16xf32>
          %mul3A_689 = vector.broadcast %squeeze3A_323 : f32 to vector<16xf32>
          %mul3A_690 = arith.mulf %get3A_146, %mul3A_689 : vector<16xf32>
          %add3A_691 = arith.addf %add3A_688, %mul3A_690 : vector<16xf32>
          %mul3A_692 = vector.broadcast %squeeze3A_325 : f32 to vector<16xf32>
          %mul3A_693 = arith.mulf %get3A_156, %mul3A_692 : vector<16xf32>
          %add3A_694 = arith.addf %add3A_691, %mul3A_693 : vector<16xf32>
          %min3A_695 = arith.minimumf %add3A_529, %add3A_540 : vector<16xf32>
          %min3A_696 = arith.minimumf %add3A_551, %add3A_562 : vector<16xf32>
          %min3A_697 = arith.minimumf %add3A_573, %add3A_584 : vector<16xf32>
          %min3A_698 = arith.minimumf %add3A_595, %add3A_606 : vector<16xf32>
          %min3A_699 = arith.minimumf %add3A_617, %add3A_628 : vector<16xf32>
          %min3A_700 = arith.minimumf %add3A_639, %add3A_650 : vector<16xf32>
          %min3A_701 = arith.minimumf %add3A_661, %add3A_672 : vector<16xf32>
          %min3A_702 = arith.minimumf %add3A_683, %add3A_694 : vector<16xf32>
          %min3A_703 = arith.minimumf %min3A_695, %min3A_696 : vector<16xf32>
          %min3A_704 = arith.minimumf %min3A_697, %min3A_698 : vector<16xf32>
          %min3A_705 = arith.minimumf %min3A_699, %min3A_700 : vector<16xf32>
          %min3A_706 = arith.minimumf %min3A_701, %min3A_702 : vector<16xf32>
          %min3A_707 = arith.minimumf %min3A_703, %min3A_704 : vector<16xf32>
          %min3A_708 = arith.minimumf %min3A_705, %min3A_706 : vector<16xf32>
          %min3A_709 = arith.minimumf %min3A_707, %min3A_708 : vector<16xf32>
          %min3A_710 = arith.minimumf %scan3A_187, %min3A_709 : vector<16xf32>
          scf.yield %min3A_518, %min3A_710 : vector<16xf32>, vector<16xf32>
        }
        %scan3A_172 = arith.constant 4 : i32
        %add3A_173 = arith.constant 0 : i32
        %add3A_174 = arith.addi %mul3A_127, %add3A_173 : i32
        %swap3A = arith.index_cast %add3A_174 : i32 to index
        %swap3A_175 = tpu.vector_load %arg18[%swap3A] {strides = array<i32>} : memref<1024xf32, #tpu.memory_space<vmem>>, vector<16xf32>,
        %swap3A_176 = vector.shape_cast %swap3A_175 : vector<16xf32> to vector<16xf32>
        %swap3A_177 = vector.shape_cast %scan3A_171#0 : vector<16xf32> to vector<16xf32>
        tpu.vector_store %arg18[%swap3A], %swap3A_177 {strides = array<i32>} : memref<1024xf32, #tpu.memory_space<vmem>>, vector<16xf32>,
        %add3A_178 = arith.constant 16 : i32
        %add3A_179 = arith.addi %mul3A_127, %add3A_178 : i32
        %swap3A_180 = arith.index_cast %add3A_179 : i32 to index
        %swap3A_181 = tpu.vector_load %arg18[%swap3A_180] {strides = array<i32>} : memref<1024xf32, #tpu.memory_space<vmem>>, vector<16xf32>,
        %swap3A_182 = vector.shape_cast %swap3A_181 : vector<16xf32> to vector<16xf32>
        %swap3A_183 = vector.shape_cast %scan3A_171#1 : vector<16xf32> to vector<16xf32>
        tpu.vector_store %arg18[%swap3A_180], %swap3A_183 {strides = array<i32>} : memref<1024xf32, #tpu.memory_space<vmem>>, vector<16xf32>,
        %scan3A_184 = arith.constant 0 : i32
        scf.yield %scan3A_184 : i32
      }
      %scan3A_123 = arith.constant 32 : i32
      "tpu.region"() ({
        %run_scoped3A = tpu.sem_alloc : memref<!tpu.dma_semaphore, #tpu.memory_space<semaphore_mem>>
        %dma_start3A = tpu.memref_slice %arg9[%add3A_82] : memref<16384xf32, #tpu.memory_space<hbm>> -> memref<1024xf32, #tpu.memory_space<hbm>>
        %dma_start3A_124 = tpu.memref_slice %arg9[%add3A_82] : memref<16384xf32, #tpu.memory_space<hbm>> -> memref<1024xf32, #tpu.memory_space<hbm>>
        tpu.enqueue_dma source(%arg18 : memref<1024xf32, #tpu.memory_space<vmem>>) target(%dma_start3A_124 : memref<1024xf32, #tpu.memory_space<hbm>>) target_semaphore(%run_scoped3A : memref<!tpu.dma_semaphore, #tpu.memory_space<semaphore_mem>>)
        %dma_wait3A = tpu.memref_slice %arg9[%add3A_82] : memref<16384xf32, #tpu.memory_space<hbm>> -> memref<1024xf32, #tpu.memory_space<hbm>>
        %dma_wait3A_125 = tpu.memref_slice %arg9[%add3A_82] : memref<16384xf32, #tpu.memory_space<hbm>> -> memref<1024xf32, #tpu.memory_space<hbm>>
        tpu.wait_dma2 semaphore(%run_scoped3A : memref<!tpu.dma_semaphore, #tpu.memory_space<semaphore_mem>>) src(%arg18 : memref<1024xf32, #tpu.memory_space<vmem>>) dst(%dma_wait3A_125 : memref<1024xf32, #tpu.memory_space<hbm>>)
        tpu.yield
      }) : () -> ()
    } else {
    }
    return
  }
}

module attributes {stable_mosaic.version = 14 : i64} {
  func.func @_cd_body(%arg0: i32, %arg1: i32, %arg2: memref<1x2016x3xf32, #tpu.memory_space<vmem>>, %arg3: memref<1x3x4096xf32, #tpu.memory_space<vmem>>, %arg4: memref<1x2016x1xf32, #tpu.memory_space<vmem>>, %arg5: memref<1x1x4096xf32, #tpu.memory_space<vmem>>) attributes {dimension_semantics = [#tpu.dimension_semantics<parallel>, #tpu.dimension_semantics<arbitrary>], iteration_bounds = array<i64: 4, 2>, scalar_prefetch = 0 : i64, scratch_operands = 0 : i64, tpu.core_type = #tpu.core_type<tc>, window_params = [{transform_indices = @transform_0, window_bounds = array<i64: 1, 2016, 3>}, {transform_indices = @transform_1, window_bounds = array<i64: 1, 3, 4096>}, {transform_indices = @transform_2, window_bounds = array<i64: 1, 2016, 1>}, {transform_indices = @transform_3, window_bounds = array<i64: 1, 1, 4096>}]} {
    %get3A = arith.constant 0 : index
    %get3A_0 = arith.constant 0 : index
    %get3A_1 = arith.constant 0 : index
    %get3A_2 = vector.load %arg2[%get3A, %get3A_0, %get3A_1] : memref<1x2016x3xf32, #tpu.memory_space<vmem>>, vector<1x2016x3xf32>
    %get3A_3 = vector.shape_cast %get3A_2 : vector<1x2016x3xf32> to vector<2016x3xf32>
    %get3A_4 = arith.constant 0 : index
    %get3A_5 = arith.constant 0 : index
    %get3A_6 = arith.constant 0 : index
    %get3A_7 = vector.load %arg3[%get3A_4, %get3A_5, %get3A_6] : memref<1x3x4096xf32, #tpu.memory_space<vmem>>, vector<1x3x4096xf32>
    %get3A_8 = vector.shape_cast %get3A_7 : vector<1x3x4096xf32> to vector<3x4096xf32>
    %mul3A = arith.mulf %get3A_3, %get3A_3 : vector<2016x3xf32>
    %reduce_sum3A = arith.constant dense<0.000000e+00> : vector<2016xf32>
    %reduce_sum3A_9 = vector.multi_reduction <add>, %mul3A, %reduce_sum3A [1] : vector<2016x3xf32> to vector<2016xf32>
    %broadcast_in_dim3A = vector.shape_cast %reduce_sum3A_9 : vector<2016xf32> to vector<2016x1xf32>
    %mul3A_10 = arith.mulf %get3A_8, %get3A_8 : vector<3x4096xf32>
    %reduce_sum3A_11 = arith.constant dense<0.000000e+00> : vector<4096xf32>
    %reduce_sum3A_12 = vector.multi_reduction <add>, %mul3A_10, %reduce_sum3A_11 [0] : vector<3x4096xf32> to vector<4096xf32>
    %broadcast_in_dim3A_13 = vector.shape_cast %reduce_sum3A_12 : vector<4096xf32> to vector<1x4096xf32>
    %mul3A_14 = arith.constant 2.500000e-01 : f32
    %mul3A_15 = vector.broadcast %mul3A_14 : f32 to vector<1x4096xf32>
    %mul3A_16 = arith.mulf %mul3A_15, %broadcast_in_dim3A_13 : vector<1x4096xf32>
    %dot_general3A = arith.constant dense<0.000000e+00> : vector<2016x4096xf32>
    %dot_general3A_17 = tpu.matmul %get3A_3, %get3A_8, %dot_general3A {dimension_numbers = #tpu.dot_dimension_numbers<[1], [0], [0], [1], [0, 0, 1, 1], [], []>, transpose_lhs_hint = false} : vector<2016x3xf32>, vector<3x4096xf32>, vector<2016x4096xf32> -> vector<2016x4096xf32>
    %add3A = vector.broadcast %mul3A_16 : vector<1x4096xf32> to vector<2016x4096xf32>
    %add3A_18 = arith.addf %dot_general3A_17, %add3A : vector<2016x4096xf32>
    %reduce_min3A = arith.constant dense<0x7F800000> : vector<2016xf32>
    %reduce_min3A_19 = vector.multi_reduction <minimumf>, %add3A_18, %reduce_min3A [1] : vector<2016x4096xf32> to vector<2016xf32>
    %broadcast_in_dim3A_20 = vector.shape_cast %reduce_min3A_19 : vector<2016xf32> to vector<2016x1xf32>
    %add3A_21 = arith.addf %broadcast_in_dim3A_20, %broadcast_in_dim3A : vector<2016x1xf32>
    %swap3A = arith.constant 0 : index
    %swap3A_22 = arith.constant 0 : index
    %swap3A_23 = arith.constant 0 : index
    %swap3A_24 = vector.load %arg4[%swap3A, %swap3A_22, %swap3A_23] : memref<1x2016x1xf32, #tpu.memory_space<vmem>>, vector<1x2016x1xf32>
    %swap3A_25 = vector.shape_cast %swap3A_24 : vector<1x2016x1xf32> to vector<2016x1xf32>
    %swap3A_26 = vector.shape_cast %add3A_21 : vector<2016x1xf32> to vector<1x2016x1xf32>
    tpu.vector_store %arg4[%swap3A, %swap3A_22, %swap3A_23], %swap3A_26 {strides = array<i32>} : memref<1x2016x1xf32, #tpu.memory_space<vmem>>, vector<1x2016x1xf32>,
    %add3A_27 = vector.broadcast %broadcast_in_dim3A : vector<2016x1xf32> to vector<2016x4096xf32>
    %add3A_28 = arith.addf %dot_general3A_17, %add3A_27 : vector<2016x4096xf32>
    %reduce_min3A_29 = arith.constant dense<0x7F800000> : vector<4096xf32>
    %reduce_min3A_30 = vector.multi_reduction <minimumf>, %add3A_28, %reduce_min3A_29 [0] : vector<2016x4096xf32> to vector<4096xf32>
    %broadcast_in_dim3A_31 = vector.shape_cast %reduce_min3A_30 : vector<4096xf32> to vector<1x4096xf32>
    %add3A_32 = arith.addf %broadcast_in_dim3A_31, %mul3A_16 : vector<1x4096xf32>
    %eq3A = arith.constant 0 : i32
    %eq3A_33 = arith.cmpi eq, %arg1, %eq3A : i32
    %convert_element_type3A = arith.extui %eq3A_33 : i1 to i32
    %cond3A = arith.constant 0 : i32
    %cond3A_34 = arith.cmpi ne, %convert_element_type3A, %cond3A : i32
    scf.if %cond3A_34 {
      %swap3A_39 = arith.constant 0 : index
      %swap3A_40 = arith.constant 0 : index
      %swap3A_41 = arith.constant 0 : index
      %swap3A_42 = vector.load %arg5[%swap3A_39, %swap3A_40, %swap3A_41] : memref<1x1x4096xf32, #tpu.memory_space<vmem>>, vector<1x1x4096xf32>
      %swap3A_43 = vector.shape_cast %swap3A_42 : vector<1x1x4096xf32> to vector<1x4096xf32>
      %swap3A_44 = vector.shape_cast %add3A_32 : vector<1x4096xf32> to vector<1x1x4096xf32>
      tpu.vector_store %arg5[%swap3A_39, %swap3A_40, %swap3A_41], %swap3A_44 {strides = array<i32>} : memref<1x1x4096xf32, #tpu.memory_space<vmem>>, vector<1x1x4096xf32>,
    } else {
    }
    %gt3A = arith.constant 0 : i32
    %gt3A_35 = arith.cmpi sgt, %arg1, %gt3A : i32
    %convert_element_type3A_36 = arith.extui %gt3A_35 : i1 to i32
    %cond3A_37 = arith.constant 0 : i32
    %cond3A_38 = arith.cmpi ne, %convert_element_type3A_36, %cond3A_37 : i32
    scf.if %cond3A_38 {
      %get3A_39 = arith.constant 0 : index
      %get3A_40 = arith.constant 0 : index
      %get3A_41 = arith.constant 0 : index
      %get3A_42 = vector.load %arg5[%get3A_39, %get3A_40, %get3A_41] : memref<1x1x4096xf32, #tpu.memory_space<vmem>>, vector<1x1x4096xf32>
      %get3A_43 = vector.shape_cast %get3A_42 : vector<1x1x4096xf32> to vector<1x4096xf32>
      %min3A = arith.minimumf %get3A_43, %add3A_32 : vector<1x4096xf32>
      %swap3A_44 = arith.constant 0 : index
      %swap3A_45 = arith.constant 0 : index
      %swap3A_46 = arith.constant 0 : index
      %swap3A_47 = vector.load %arg5[%swap3A_44, %swap3A_45, %swap3A_46] : memref<1x1x4096xf32, #tpu.memory_space<vmem>>, vector<1x1x4096xf32>
      %swap3A_48 = vector.shape_cast %swap3A_47 : vector<1x1x4096xf32> to vector<1x4096xf32>
      %swap3A_49 = vector.shape_cast %min3A : vector<1x4096xf32> to vector<1x1x4096xf32>
      tpu.vector_store %arg5[%swap3A_44, %swap3A_45, %swap3A_46], %swap3A_49 {strides = array<i32>} : memref<1x1x4096xf32, #tpu.memory_space<vmem>>, vector<1x1x4096xf32>,
    } else {
    }
    return
  }
  func.func @transform_0(%arg0: i32, %arg1: i32) -> (i32, i32, i32) {
    %c0_i32 = arith.constant 0 : i32
    %c0_i32_0 = arith.constant 0 : i32
    return %arg0, %arg1, %c0_i32 : i32, i32, i32
  }
  func.func @transform_1(%arg0: i32, %arg1: i32) -> (i32, i32, i32) {
    %c0_i32 = arith.constant 0 : i32
    %c0_i32_0 = arith.constant 0 : i32
    %c0_i32_1 = arith.constant 0 : i32
    return %arg0, %c0_i32, %c0_i32_0 : i32, i32, i32
  }
  func.func @transform_2(%arg0: i32, %arg1: i32) -> (i32, i32, i32) {
    %c0_i32 = arith.constant 0 : i32
    %c0_i32_0 = arith.constant 0 : i32
    return %arg0, %arg1, %c0_i32 : i32, i32, i32
  }
  func.func @transform_3(%arg0: i32, %arg1: i32) -> (i32, i32, i32) {
    %c0_i32 = arith.constant 0 : i32
    %c0_i32_0 = arith.constant 0 : i32
    %c0_i32_1 = arith.constant 0 : i32
    return %arg0, %c0_i32, %c0_i32_0 : i32, i32, i32
  }
}

</mosaic_0001>

<sc_bundles>
// kernel: kernel.4.cloned.1.call-start
scs
__scs_entry_jumppad:
0x0: {  	(pc) =	sbr.rel $0x88, $3  }
0x1: {  	(tag) =	ssettag $0x0;
	lr =	simm.s32 $0x1  }
0x2: {  	[smem:$0x3F9F] =	sst lr;
	_ =	strace $0xD0000000  }
0x3: {  	_ = 	snop  }
0x4: {  	_ = 	snop  }
0x5: {  	_ = 	snop  }
0x6: {  	_ = 	snop  }
0x7: {  	_ = 	snop  }
__scs_overlays_trampoline_lowered:
0x8: {  	[smem:$0x3FAE] =	sst s0  }
0x9: {  	[smem:$0x3FAF] =	sst s1  }
0xa: {  	[smem:$0x3FB0] =	sst s2  }
0xb: {  	[smem:$0x3FB1] =	sst s3  }
0xc: {  	[smem:$0x3FB2] =	sst s4  }
0xd: {  	[smem:$0x3FB3] =	sst s5  }
0xe: {  	[smem:$0x3FB4] =	sst s6  }
0xf: {  	[smem:$0x3FB5] =	sst s7  }
0x10: {  	[smem:$0x3FB6] =	sst s8  }
0x11: {  	[smem:$0x3FB7] =	sst s9;
	s0 =	simm.s32 @!p0 $0x0  }
0x12: {  	s1 =	sld [smem:$0x3F9D];
	s0 =	simm.s32 @p0 $0x1  }
0x13: {  	[smem:$0x3FB8] =	sst s0;
	s0 =	simm.s32 @!p1 $0x0  }
0x14: {  	s2 =	sld [smem:$0x3F9C];
	s0 =	simm.s32 @p1 $0x1  }
0x15: {  	[smem:$0x3FB9] =	sst s0;
	s0 =	simm.s32 @!p2 $0x0  }
0x16: {  	s3 =	sld [smem:$0x3FDB];
	s0 =	simm.s32 @p2 $0x1  }
0x17: {  	s4 =	simm.s32 $0x1BF5;
	[smem:$0x3FBB] =	sst s0  }
0x18: {  	s0 =	sld [smem:$0x3F9E];
	_ =	swait.ge [sflag:s4], $0x0  }
0x19: {  	s7 =	sld [smem:$0x3F9F]  }
0x1a: {  	s8 =	sadd.s32 $0xFFFFE003, lr  }
0x1b: {  	s9 =	sadd.s32 $0xFFFFFEF7, lr;
	s5 =	simm.s32 $0xFFFFFFFF;
	p2 =	slt.u32 s8, $0xFFFFF086  }
0x1c: {  	p1 =	slt.u32 s9, $0xF7A;
	s5 =	simm.s32 @!p2 $0x0  }
0x1d: {  	s5 =	simm.s32 @p1 $0x1;
	p0 =	seq.s32 s7, s2  }
0x1e: {  	s7 =	smul.u32 @!p0 $0xF7A, s2;
	p2 =	seq.s32 @!p0 s5, $0x0  }
0x1f: {  	s9 =	smul.u32 $0xF7A, s1;
	s8 =	simm.s32 @!p0 $0x1BF5;
	p2 =	por !p2, p0  }
0x20: {  	[sflag:s8] =	ssyncset.s32 @!p0 $0xFFFFF086;
	s6 =	sadd.s32 @!p0 s3, s7;
	s7 =	simm.s32 @!p0 $0x108  }
0x21: {  	s3 =	sadd.s32 s3, s9;
	s6 =	sadd.s32 @!p0 $0x88, s6;
	s7 =	simm.s32 @p2 $0x1082  }
0x22: {  	[simem:s7], [sflag:s8] =	dma.local @!p0 [hbm:s6], $0xF7A  }
0x23: {  	s9 =	sor.u32 $0xD0000000, s2;
	s6 =	simm.s32 $0x108;
	_ =	swait.ge @!p0 [sflag:s8], $0x0  }
0x24: {  	s3 =	sadd.s32 $0x88, s3;
	s6 =	simm.s32 @!p1 $0x1082;
	[sflag:s4] =	ssyncset.s32 $0xFFFFF086  }
0x25: {  	[simem:s6], [sflag:s4] =	dma.local [hbm:s3], $0xF7A  }
0x26: {  	[smem:$0x3F9F] =	sst s1;
	(tag) =	ssettag s2;
	_ =	strace s9  }
0x27: {  	s1 =	sld [smem:$0x3FAF]  }
0x28: {  	s2 =	sld [smem:$0x3FB0]  }
0x29: {  	s4 =	sld [smem:$0x3FB2]  }
0x2a: {  	p0 =	seq.s32 s5, $0x0;
	s5 =	sld [smem:$0x3FB3]  }
0x2b: {  	s6 =	sld [smem:$0x3FB4]  }
0x2c: {  	s7 =	sld [smem:$0x3FB5]  }
0x2d: {  	s3 =	simm.s32 $0x108;
	s8 =	sld [smem:$0x3FB6]  }
0x2e: {  	s3 =	simm.s32 @!p0 $0x1082;
	s9 =	sld [smem:$0x3FB7]  }
0x2f: {  	lr =	sadd.s32 s0, s3;
	s0 =	sld [smem:$0x3FAE]  }
0x30: {  	s3 =	sld [smem:$0x3FB1]  }
0x31: {  	[smem:$0x3FBA] =	sst s10  }
0x32: {  	s10 =	sld [smem:$0x3FB8];
	_ =	sdelay $0x3  }
0x33: {  	p0 =	seq.s32 s10, $0x1;
	s10 =	sld [smem:$0x3FBA];
	_ =	sdelay $0x3  }
0x34: {  	[smem:$0x3FBA] =	sst s10  }
0x35: {  	s10 =	sld [smem:$0x3FB9];
	_ =	sdelay $0x3  }
0x36: {  	p1 =	seq.s32 s10, $0x1;
	s10 =	sld [smem:$0x3FBA];
	_ =	sdelay $0x3  }
0x37: {  	[smem:$0x3FBA] =	sst s10  }
0x38: {  	s10 =	sld [smem:$0x3FBB]  }
0x39: {  	_ = 	snop;
	(pc) =	sbr.ind lr, $3  }
0x3a: {  	_ = 	snop  }
0x3b: {  	_ = 	snop  }
0x3c: {  	p2 =	seq.s32 s10, $0x1;
	s10 =	sld [smem:$0x3FBA]  }
0x3d: {  	_ =	shalt  }
0x3e: {  	_ =	shalt  }
0x3f: {  	_ =	shalt  }
0x40: {  	_ =	shalt  }
0x41: {  	_ =	shalt  }
0x42: {  	_ =	shalt  }
0x43: {  	_ =	shalt  }
0x44: {  	_ =	shalt  }
0x45: {  	_ =	shalt  }
0x46: {  	_ =	shalt  }
0x47: {  	_ =	shalt  }
0x48: {  	_ =	shalt  }
0x49: {  	_ =	shalt  }
0x4a: {  	_ =	shalt  }
0x4b: {  	_ =	shalt  }
0x4c: {  	_ =	shalt  }
0x4d: {  	_ =	shalt  }
0x4e: {  	_ =	shalt  }
0x4f: {  	_ =	shalt  }
0x50: {  	_ =	shalt  }
0x51: {  	_ =	shalt  }
0x52: {  	_ =	shalt  }
0x53: {  	_ =	shalt  }
0x54: {  	_ =	shalt  }
0x55: {  	_ =	shalt  }
0x56: {  	_ =	shalt  }
0x57: {  	_ =	shalt  }
0x58: {  	_ =	shalt  }
0x59: {  	_ =	shalt  }
0x5a: {  	_ =	shalt  }
0x5b: {  	_ =	shalt  }
0x5c: {  	_ =	shalt  }
0x5d: {  	_ =	shalt  }
0x5e: {  	_ =	shalt  }
0x5f: {  	_ =	shalt  }
0x60: {  	_ =	shalt  }
0x61: {  	_ =	shalt  }
0x62: {  	_ =	shalt  }
0x63: {  	_ =	shalt  }
0x64: {  	_ =	shalt  }
0x65: {  	_ =	shalt  }
0x66: {  	_ =	shalt  }
0x67: {  	_ =	shalt  }
0x68: {  	_ =	shalt  }
0x69: {  	_ =	shalt  }
0x6a: {  	_ =	shalt  }
0x6b: {  	_ =	shalt  }
0x6c: {  	_ =	shalt  }
0x6d: {  	_ =	shalt  }
0x6e: {  	_ =	shalt  }
0x6f: {  	_ =	shalt  }
0x70: {  	_ =	shalt  }
0x71: {  	_ =	shalt  }
0x72: {  	_ =	shalt  }
0x73: {  	_ =	shalt  }
0x74: {  	_ =	shalt  }
0x75: {  	_ =	shalt  }
0x76: {  	_ =	shalt  }
0x77: {  	_ =	shalt  }
0x78: {  	_ =	shalt  }
0x79: {  	_ =	shalt  }
0x7a: {  	_ =	shalt  }
0x7b: {  	_ =	shalt  }
0x7c: {  	_ =	shalt  }
0x7d: {  	_ =	shalt  }
0x7e: {  	_ =	shalt  }
0x7f: {  	_ =	shalt  }
0x80: {  	_ =	shalt  }
0x81: {  	_ =	shalt  }
0x82: {  	_ =	shalt  }
0x83: {  	_ =	shalt  }
0x84: {  	_ =	shalt  }
0x85: {  	_ =	shalt  }
0x86: {  	_ =	shalt  }
0x87: {  	_ =	shalt  }
.Lfunc_end0:
.L_simem_size_0:
called_computation_lowered:
.L_overlay_start_0:
0x88: {  	s2 =	sld [smem:$0x3FD9]  }
0x89: {  	s3 =	sld [smem:$0x3FFE];
	_ =	sdelay $0x1  }
0x8a: {  	s1 =	srdreg.scid  }
0x8b: {  	s0 =	sand.u32 $0x1, s1  }
0x8c: {  	s14 =	sshll.u32 s0, $0xA;
	s2 =	sadd.s32 s3, s2  }
0x8d: {  	s2 =	sadd.s32 s2, s14  }
0x8e: {  	[smem:$0x3FC6] =	sst s2  }
0x8f: {  	_ = 	snop  }
0x90: {  	s2 =	sld [smem:$0x3FD0];
	_ =	sdelay $0x2  }
0x91: {  	s15 =	simm.s32 $0xA;
	s4 =	simm.s32 $0x10  }
0x92: {  	[smem:s4], [sflag:s15] =	dma.local [hbm:s2], $0x1  }
0x93: {  	_ =	swait.eq [sflag:s15], $0x1  }
0x94: {  	[sflag:s15] =	ssyncset.done $0x0  }
0x95: {  	s16 =	sld [smem:$0x10];
	[sflag:s15] =	ssyncadd.s32 $0xFFFFFFFF  }
0x96: {  	s17 =	sld [smem:$0x11];
	(tm) =	ssettm $0x1  }
0x97: {  	s18 =	sld [smem:$0x3FFB];
	_ =	sdelay $0x3  }
0x98: {  	_ =	strace s18  }
0x99: {  	s4 =	sld [smem:$0x3FFC];
	_ =	sdelay $0x3  }
0x9a: {  	_ =	strace s4  }
0x9b: {  	s4 =	sld [smem:$0x3FFD];
	_ =	sdelay $0x3  }
0x9c: {  	_ =	strace s4  }
0x9d: {  	_ =	strace $0x8FFFFFFF  }
0x9e: {  	s19 =	sld [smem:$0x3FDB];
	_ =	sdelay $0x1  }
0x9f: {  	s5 =	simm.s32 $_scs_section_size  }
0xa0: {  	s6 =	simm.s32 $_size__tile_overlayer_lowered;
	s7 =	simm.s32 $_tile_overlayer_lowered  }
0xa1: {  	s22 =	simm.s32 $0x1BFF;
	s21 =	sshll.u32 s7, $0x1;
	s4 =	sadd.s32 s5, s19  }
0xa2: {  	s8 =	simm.s32 $0x0;
	s20 =	sshll.u32 s6, $0x1;
	s6 =	sadd.s32 s21, s4  }
0xa3: {  	[timem:s8], [sflag:s22] =	dma.local [hbm:s6], s20  }
0xa4: {  	_ =	swait.ge [sflag:s22], s20  }
0xa5: {  	s5 =	ssub.s32 $0x0, s20;
	[sflag:s22] =	ssyncset.done $0x0  }
0xa6: {  	[sflag:s22] =	ssyncadd.s32 s5;
	_ =	sdelay $0x1  }
0xa7: {  	s23 =	simm.s32 $0x1B8B  }
0xa8: {  	_ =	swait.ge [sflag:s23], $0x1  }
0xa9: {  	[sflag:s23] =	ssyncset.done $0x0  }
0xaa: {  	s25 =	simm.s32 $0x1B8E;
	s24 =	sld [smem:$0x3FFE];
	[sflag:s23] =	ssyncadd.s32 $0xFFFFFFFF  }
0xab: {  	s26 =	simm.s32 $execute0_lowered;
	[smem:$0x3FD2] =	sst s25  }
0xac: {  	s6 =	sshll.u32 s26, $0x1;
	_ =	strace $0x80000046;
	[dreg:$0x1] =	wrdreg $0xFFFFFFFF  }
0xad: {  	s28 =	simm.s32 $_size_execute0_lowered;
	s4 =	sadd.s32 s4, s6;
	[dreg:$0x0] =	wrdreg $0x0  }
0xae: {  	s6 =	sshll.u32 s28, $0x1;
	[dreg:$0x2] =	wrdreg s4  }
0xaf: {  	[dreg:$0x3] =	wrdreg s6  }
0xb0: {  	[dreg:$0x4] =	wrdreg $0xC0  }
0xb1: {  	_ =	task [dreg:s8], $0x5FFFF  }
0xb2: {  	[dreg:$0x1] =	wrdreg $0xFFFFFFFF  }
0xb3: {  	[dreg:$0x0] =	wrdreg $0x60  }
0xb4: {  	[dreg:$0x2] =	wrdreg s17  }
0xb5: {  	[dreg:$0x3] =	wrdreg s16  }
0xb6: {  	[dreg:$0x4] =	wrdreg s24  }
0xb7: {  	[dreg:$0x5] =	wrdreg $0x9  }
0xb8: {  	_ =	task.clear_ibuf [dreg:s8], $0x6FFFF;
	_ =	strace $0x90000046  }
0xb9: {  	s29 =	simm.s32 $0x9;
	_ =	strace $0x80000048  }
0xba: {  	_ =	swait.ge [sflag:s29], $0x1  }
0xbb: {  	[sflag:s29] =	ssyncadd.s32 $0xFFFFFFFF  }
0xbc: {  	_ =	strace $0x90000048  }
0xbd: {  	_ =	sfence  }
0xbe: {  	s30 =	sld [smem:$0x0];
	_ =	sdelay $0x2  }
0xbf: {  	s31 =	sshll.u32 s1, $0xD;
	s1 =	sshrl.u32 s1, $0x2  }
0xc0: {  	s3 =	sand.u32 $0x4000, s31;
	s1 =	sadd.s32 s1, s30  }
0xc1: {  	s0 =	sor.u32 s3, s0;
	s1 =	sshll.u32 s1, $0x11  }
0xc2: {  	s0 =	sor.u32 s1, s0  }
0xc3: {  	s0 =	sadd.s32 $0x8F2B, s0  }
0xc4: {  	[sflag:s0] =	ssyncadd.remote.s32 $0x1  }
0xc5: {  	_ =	sfence.sel $0xFFFF  }
0xc6: {  	[dreg:$0x0] =	wrdreg $0xFFFFFFFF;
	(pc) =	sbr.abs _section_cstart, $3  }
0xc7: {  	[dreg:$0x1] =	wrdreg $0xFFFFFFFF  }
0xc8: {  	_ =	task.clear_ibuf [dreg:s8], $0x2FFFF;
	_ =	strace $0x9FFFFFFF  }
0xc9: {  	(tm) =	ssettm $0x7FFFFFFF  }
tec
execute0_lowered:
.L_overlay_start_1:
0x0: {  	(tag) =	ssettag $0x1  }
0x1: {  	s9 =	rddreg [dreg:$0x0]  }
0x2: {  	s10 =	rddreg [dreg:$0x1]  }
0x3: {  	s3 =	rddreg [dreg:$0x2]  }
0x4: {  	s0 =	rddreg [dreg:$0x3];
	s2 =	simm.s32 $0x0;
	s1 =	stileid.u32  }
0x5: {  	s4 =	srdreg.scid;
	[smem:$0x7FF] =	sst s2;
	s11 =	sadd.s32 $0xC00, s3  }
0x6: {  	s5 =	sshll.u32 s1, $0x1;
	s12 =	sadd.s32 $0x2400, s3;
	s4 =	sand.u32 $0x1, s4  }
0x7: {  	s13 =	sadd.s32 $0x1C00, s3;
	s29 =	sshrl.u32 s1, $0x2;
	s15 =	sadd.s32 $0x1400, s3  }
0x8: {  	s19 =	sand.u32 $0x2, s1;
	_ =	strace $0x80000047;
	s5 =	sand.u32 $0x2, s5  }
0x9: {  	s6 =	sshll.u32 s29, $0x4;
	p0 =	sne.s32 s19, $0x0;
	s19 =	simm.s32 $0x1  }
0xa: {  	s14 =	sor.u32 s4, s5;
	s5 =	sshll.u32 s29, $0xA;
	s4 =	ssub.s32 $0x2, s4  }
0xb: {  	s7 =	sshll.u32 s14, $0x6;
	s8 =	sshll.u32 s14, $0xC;
	s30 =	sshrl.u32 s4, $0x1  }
0xc: {  	s14 =	sshll.u32 s14, $0x9;
	s7 =	sor.u32 s6, s7;
	s5 =	sor.u32 s5, s8  }
0xd: {  	s18 =	ssub.s32 s4, s30;
	s31 =	sor.u32 $0xFC0, s8;
	s7 =	sshrl.u32 s7, $0x3  }
0xe: {  	s5 =	sshrl.u32 s5, $0x3;
	s8 =	sshrl.u32 s31, $0x3;
	s20 =	sor.u32 s6, s31  }
0xf: {  	s16 =	sadd.s32 s7, s3;
	s17 =	sadd.s32 s5, s3;
	s3 =	sadd.s32 s12, s5  }
0x10: {  	s4 =	sadd.s32 s13, s5;
	s5 =	sadd.s32 s15, s5;
	s6 =	sadd.s32 s9, s8  }
.Ltmp0:
0x11: {  	s7 =	sadd.s32 s10, s8;
	s20 =	sshrl.u32 s20, $0x3;
	(pc) =	sbr.rel .LBB2_1-.Ltmp0, $4  }
0x12: {  	s8 =	sadd.s32 s11, s8;
	s12 =	sadd.s32 s12, s14;
	s13 =	sadd.s32 s13, s14  }
0x13: {  	s14 =	sadd.s32 s15, s14;
	s9 =	sadd.s32 s9, s20;
	s10 =	sadd.s32 s10, s20  }
0x14: {  	s11 =	sadd.s32 s11, s20;
	s15 =	sadd.s32 $0x2E00, s17;
	s16 =	sadd.s32 $0x2C00, s16  }
0x15: {  	s17 =	smax.u32 s18, $0x1;
	s18 =	simm.s32 $0x5000;
	s20 =	simm.s32 $0x0  }
.LBB2_13:
0x16: {  	s20 =	sadd.s32 $0x1, s20  }
0x17: {  	p1 =	sne.s32 s20, s17  }
.Ltmp1:
0x18: {  	_ = 	snop;
	(pc) =	sbr.rel @!p1 .LBB2_14-.Ltmp1, $1  }
0x19: {  	_ =	sdelay $0x3  }
.LBB2_1:
0x1a: {  	s21 =	simm.s32 @p0 $0x0;
	s22 =	simm.s32 @p0 $0x1  }
0x1b: {  	[tilespmem:s21], [sflag:$0x1] =	stream.linear.gather @p0 [hbm4b:s3+s21], $0x400, $0x38;
	[tilespmem:$0x5400] =	vst v63  }
0x1c: {  	_ =	swait.ge @p0 [sflag:s22], $0x400  }
0x1d: {  	[sflag:s22] =	ssyncset.done @p0 $0x0  }
0x1e: {  	s23 =	simm.s32 @p0 $0x400;
	[sflag:s22] =	ssyncadd.s32 @p0 $0xFFFFFC00  }
0x1f: {  	[tilespmem:s23], [sflag:$0x1] =	stream.linear.gather @p0 [hbm4b:s4+s21], $0x400, $0x38;
	[tilespmem:$0x5400] =	vst v63  }
0x20: {  	_ =	swait.ge @p0 [sflag:s22], $0x400  }
0x21: {  	[sflag:s22] =	ssyncset.done @p0 $0x0  }
0x22: {  	s23 =	simm.s32 @p0 $0x800;
	[sflag:s22] =	ssyncadd.s32 @p0 $0xFFFFFC00  }
0x23: {  	[tilespmem:s23], [sflag:$0x1] =	stream.linear.gather @p0 [hbm4b:s5+s21], $0x400, $0x38;
	[tilespmem:$0x5400] =	vst v63  }
0x24: {  	_ =	swait.ge @p0 [sflag:s22], $0x400  }
0x25: {  	[sflag:s22] =	ssyncset.done @p0 $0x0  }
0x26: {  	s23 =	simm.s32 @p0 $0x1000;
	[sflag:s22] =	ssyncadd.s32 @p0 $0xFFFFFC00  }
0x27: {  	[tilespmem:s23], [sflag:$0x1] =	stream.linear.gather @p0 [hbm4b:s6+s21], $0x40, $0x38;
	[tilespmem:$0x5400] =	vst v63  }
0x28: {  	_ =	swait.ge @p0 [sflag:s22], $0x40  }
0x29: {  	[sflag:s22] =	ssyncset.done @p0 $0x0  }
0x2a: {  	s23 =	simm.s32 @p0 $0x2000;
	[sflag:s22] =	ssyncadd.s32 @p0 $0xFFFFFFC0  }
0x2b: {  	[tilespmem:s23], [sflag:$0x1] =	stream.linear.gather @p0 [hbm4b:s7+s21], $0x40, $0x38;
	[tilespmem:$0x5400] =	vst v63  }
0x2c: {  	_ =	swait.ge @p0 [sflag:s22], $0x40  }
0x2d: {  	[sflag:s22] =	ssyncset.done @p0 $0x0  }
0x2e: {  	s23 =	simm.s32 @p0 $0x3000;
	[sflag:s22] =	ssyncadd.s32 @p0 $0xFFFFFFC0  }
0x2f: {  	[tilespmem:s23], [sflag:$0x1] =	stream.linear.gather @p0 [hbm4b:s8+s21], $0x40, $0x38;
	[tilespmem:$0x5400] =	vst v63  }
0x30: {  	_ =	swait.ge @p0 [sflag:s22], $0x40  }
0x31: {  	[sflag:s22] =	ssyncset.done @p0 $0x0  }
0x32: {  	s21 =	simm.s32 @!p0 $0x0;
	[sflag:s22] =	ssyncadd.s32 @p0 $0xFFFFFFC0;
	s22 =	simm.s32 @!p0 $0x1  }
0x33: {  	[tilespmem:s21], [sflag:$0x1] =	stream.linear.gather @!p0 [hbm4b:s9+s21], $0x10, $0x38;
	[tilespmem:$0x5400] =	vst v63  }
0x34: {  	_ =	swait.ge @!p0 [sflag:s22], $0x10  }
0x35: {  	[sflag:s22] =	ssyncset.done @!p0 $0x0  }
0x36: {  	s23 =	simm.s32 @!p0 $0x400;
	[sflag:s22] =	ssyncadd.s32 @!p0 $0xFFFFFFF0  }
0x37: {  	[tilespmem:s23], [sflag:$0x1] =	stream.linear.gather @!p0 [hbm4b:s10+s21], $0x10, $0x38;
	[tilespmem:$0x5400] =	vst v63  }
0x38: {  	_ =	swait.ge @!p0 [sflag:s22], $0x10  }
0x39: {  	[sflag:s22] =	ssyncset.done @!p0 $0x0  }
0x3a: {  	s23 =	simm.s32 @!p0 $0x800;
	[sflag:s22] =	ssyncadd.s32 @!p0 $0xFFFFFFF0  }
0x3b: {  	[tilespmem:s23], [sflag:$0x1] =	stream.linear.gather @!p0 [hbm4b:s11+s21], $0x10, $0x38;
	[tilespmem:$0x5400] =	vst v63  }
0x3c: {  	_ =	swait.ge @!p0 [sflag:s22], $0x10  }
0x3d: {  	[sflag:s22] =	ssyncset.done @!p0 $0x0  }
0x3e: {  	s23 =	simm.s32 @!p0 $0x1000;
	[sflag:s22] =	ssyncadd.s32 @!p0 $0xFFFFFFF0  }
0x3f: {  	[tilespmem:s23], [sflag:$0x1] =	stream.linear.gather @!p0 [hbm4b:s12+s21], $0x1000, $0x38;
	[tilespmem:$0x5400] =	vst v63  }
0x40: {  	_ =	swait.ge @!p0 [sflag:s22], $0x1000  }
0x41: {  	[sflag:s22] =	ssyncset.done @!p0 $0x0  }
0x42: {  	s23 =	simm.s32 @!p0 $0x2000;
	[sflag:s22] =	ssyncadd.s32 @!p0 $0xFFFFF000  }
0x43: {  	[tilespmem:s23], [sflag:$0x1] =	stream.linear.gather @!p0 [hbm4b:s13+s21], $0x1000, $0x38;
	[tilespmem:$0x5400] =	vst v63  }
0x44: {  	_ =	swait.ge @!p0 [sflag:s22], $0x1000  }
0x45: {  	[sflag:s22] =	ssyncset.done @!p0 $0x0  }
0x46: {  	s23 =	simm.s32 @!p0 $0x3000;
	[sflag:s22] =	ssyncadd.s32 @!p0 $0xFFFFF000  }
0x47: {  	[tilespmem:s23], [sflag:$0x1] =	stream.linear.gather @!p0 [hbm4b:s14+s21], $0x1000, $0x38;
	[tilespmem:$0x5400] =	vst v63  }
0x48: {  	_ =	swait.ge @!p0 [sflag:s22], $0x1000  }
0x49: {  	[sflag:s22] =	ssyncset.done @!p0 $0x0  }
0x4a: {  	s21 =	simm.s32 $0x0;
	[sflag:s22] =	ssyncadd.s32 @!p0 $0xFFFFF000  }
0x4b: {  	v0 =	vld [tilespmem:s21+$0x1000];
	_ =	sdelay $0x1  }
0x4c: {  	v1 =	vld [tilespmem:s21+$0x2000]  }
0x4d: {  	v2 =	vld [tilespmem:s21+$0x3000];
	_ =	sdelay $0x1  }
0x4e: {  	v3 =	vmul.f32 $6.553700000e+04, v0;
	_ =	sdelay $0x1  }
0x4f: {  	v4 =	vmul.f32 $6.553700000e+04, v1;
	v5 =	vsub.f32 v3, v0  }
0x50: {  	v6 =	vmul.f32 $6.553700000e+04, v2;
	v62 =	vmul.f32 v0, v0  }
0x51: {  	v7 =	vsub.f32 v4, v1;
	v1 =	vmul.f32 v1, v1;
	v3 =	vsub.f32 v3, v5  }
0x52: {  	v8 =	vsub.f32 v6, v2  }
0x53: {  	v2 =	vmul.f32 v2, v2;
	v4 =	vsub.f32 v4, v7;
	[tilespmem:s21+$0x1000] =	vst v3;
	v3 =	vadd.f32 v1, v62  }
0x54: {  	s22 =	simm.s32 $0x10;
	v63 =	vsub.f32 v6, v8  }
0x55: {  	v0 =	vld [tilespmem:s22+$0x1000];
	[tilespmem:s21+$0x2000] =	vst v4;
	v2 =	vadd.f32 v2, v3  }
0x56: {  	s23 =	simm.s32 $0x80;
	v1 =	vld [tilespmem:s22+$0x2000];
	[tilespmem:s21+$0x3000] =	vst v63  }
.LBB2_2:
0x57: {  	p1 =	sne.s32 s23, $0x3FC0;
	v3 =	vld [tilespmem:s22+$0x3000];
	[tilespmem:s21+$0x4000] =	vst v2;
	s21 =	smov.u32 s22;
	_ =	sdelay $0x2  }
0x58: {  	v2 =	vmul.f32 v0, v0;
	v4 =	vmul.f32 $6.553700000e+04, v0  }
0x59: {  	v5 =	vmul.f32 v1, v1;
	v6 =	vmul.f32 $6.553700000e+04, v1  }
0x5a: {  	v7 =	vmul.f32 v3, v3;
	v0 =	vsub.f32 v4, v0;
	v8 =	vmul.f32 $6.553700000e+04, v3  }
0x5b: {  	v2 =	vadd.f32 v5, v2;
	v1 =	vsub.f32 v6, v1  }
.Ltmp2:
0x5c: {  	v0 =	vsub.f32 v4, v0;
	v3 =	vsub.f32 v8, v3;
	(pc) =	sbr.rel @p1 .LBB2_2-.Ltmp2, $4  }
0x5d: {  	v2 =	vadd.f32 v7, v2;
	v1 =	vsub.f32 v6, v1  }
0x5e: {  	s22 =	sshra.s32 s23, $0x2;
	[tilespmem:s21+$0x1000] =	vst v0;
	v3 =	vsub.f32 v8, v3  }
0x5f: {  	v0 =	vld [tilespmem:s22+$0x1000];
	[tilespmem:s21+$0x2000] =	vst v1  }
0x60: {  	s23 =	sadd.s32 $0x40, s23;
	v1 =	vld [tilespmem:s22+$0x2000];
	[tilespmem:s21+$0x3000] =	vst v3  }
0x61: {  	v3 =	vld [tilespmem:s22+$0x3000];
	_ =	sdelay $0x2  }
0x62: {  	v4 =	vmul.f32 $6.553700000e+04, v0  }
0x63: {  	v5 =	vmul.f32 $6.553700000e+04, v1  }
0x64: {  	v6 =	vsub.f32 v4, v0;
	v7 =	vmul.f32 $6.553700000e+04, v3  }
0x65: {  	v8 =	vmul.f32 v1, v1;
	v0 =	vmul.f32 v0, v0;
	v1 =	vsub.f32 v5, v1  }
0x66: {  	v4 =	vsub.f32 v4, v6;
	v63 =	vsub.f32 v7, v3  }
0x67: {  	[tilespmem:s21+$0x4000] =	vst v2;
	v2 =	vmul.f32 v3, v3;
	v0 =	vadd.f32 v8, v0;
	v1 =	vsub.f32 v5, v1  }
0x68: {  	[tilespmem:s22+$0x1000] =	vst v4;
	v3 =	vsub.f32 v7, v63  }
0x69: {  	v0 =	vadd.f32 v2, v0;
	[tilespmem:s22+$0x2000] =	vst v1  }
0x6a: {  	[tilespmem:s22+$0x3000] =	vst v3  }
0x6b: {  	s21 =	simm.s32 $0x0;
	[tilespmem:s22+$0x4000] =	vst v0  }
0x6c: {  	v1 =	vld [tilespmem:s21+$0x0]  }
0x6d: {  	s22 =	simm.s32 $0x40;
	v0 =	vld [tilespmem:s21+$0x400]  }
.LBB2_4:
0x6e: {  	p1 =	sne.s32 s22, $0xFC0;
	v2 =	vld [tilespmem:s21+$0x800];
	_ =	sdelay $0x2  }
0x6f: {  	v3 =	vmul.f32 v1, v1;
	v4 =	vmul.f32 $6.553700000e+04, v1  }
0x70: {  	v5 =	vmul.f32 v0, v0;
	v6 =	vmul.f32 $6.553700000e+04, v0  }
0x71: {  	v7 =	vmul.f32 v2, v2;
	v1 =	vsub.f32 v4, v1;
	v8 =	vmul.f32 $6.553700000e+04, v2  }
0x72: {  	v3 =	vadd.f32 v5, v3;
	v0 =	vsub.f32 v6, v0  }
0x73: {  	v1 =	vsub.f32 v4, v1;
	v2 =	vsub.f32 v8, v2  }
0x74: {  	v3 =	vadd.f32 v7, v3;
	v0 =	vsub.f32 v6, v0  }
.Ltmp3:
0x75: {  	v1 =	vmul.f32 $-2.000000000e+00, v1;
	v2 =	vsub.f32 v8, v2;
	(pc) =	sbr.rel @p1 .LBB2_4-.Ltmp3, $4  }
0x76: {  	[tilespmem:s21+$0xC00] =	vst v3;
	v0 =	vmul.f32 $-2.000000000e+00, v0  }
0x77: {  	s23 =	sshra.s32 s22, $0x2;
	[tilespmem:s21+$0x0] =	vst v1;
	v2 =	vmul.f32 $-2.000000000e+00, v2  }
0x78: {  	v1 =	vld [tilespmem:s23+$0x0];
	[tilespmem:s21+$0x400] =	vst v0  }
0x79: {  	s22 =	sadd.s32 $0x40, s22;
	v0 =	vld [tilespmem:s23+$0x400];
	[tilespmem:s21+$0x800] =	vst v2;
	s21 =	smov.u32 s23  }
0x7a: {  	v2 =	vld [tilespmem:s21+$0x800];
	_ =	sdelay $0x2  }
0x7b: {  	v3 =	vmul.f32 v1, v1;
	v4 =	vmul.f32 $6.553700000e+04, v1  }
0x7c: {  	v5 =	vmul.f32 v0, v0;
	v6 =	vmul.f32 $6.553700000e+04, v0  }
0x7d: {  	v1 =	vsub.f32 v4, v1;
	v7 =	vmul.f32 $6.553700000e+04, v2  }
0x7e: {  	v8 =	vmul.f32 v2, v2;
	v3 =	vadd.f32 v5, v3;
	v0 =	vsub.f32 v6, v0  }
0x7f: {  	v1 =	vsub.f32 v4, v1;
	v2 =	vsub.f32 v7, v2  }
0x80: {  	v3 =	vadd.f32 v8, v3;
	v0 =	vsub.f32 v6, v0  }
.Ltmp4:
0x81: {  	v1 =	vmul.f32 $-2.000000000e+00, v1;
	v2 =	vsub.f32 v7, v2;
	(pc) =	sbr.rel @p0 .LBB2_9-.Ltmp4, $4  }
0x82: {  	[tilespmem:s21+$0xC00] =	vst v3;
	v0 =	vmul.f32 $-2.000000000e+00, v0  }
0x83: {  	[tilespmem:s21+$0x0] =	vst v1;
	v63 =	vmul.f32 $-2.000000000e+00, v2  }
0x84: {  	[tilespmem:s21+$0x400] =	vst v0  }
0x85: {  	[tilespmem:s21+$0x800] =	vst v63;
	s21 =	simm.s32 $0x0  }
0x86: {  	s21 =	simm.s32 $0x0  }
0x87: {  	v0 =	vld [tilespmem:s21+$0x3000];
	_ =	sdelay $0x4  }
0x88: {  	v11 =	vbroadcast v0, $0x0  }
0x89: {  	v2 =	vld [tilespmem:s21+$0x2000];
	v17 =	vbroadcast v0, $0x1;
	v19 =	vbroadcast v0, $0x2  }
0x8a: {  	v20 =	vbroadcast v0, $0x3;
	v21 =	vbroadcast v0, $0x4  }
0x8b: {  	v22 =	vbroadcast v0, $0x5;
	v23 =	vbroadcast v0, $0x6  }
0x8c: {  	v24 =	vbroadcast v0, $0x7;
	v10 =	vbroadcast v0, $0x8  }
0x8d: {  	v1 =	vbroadcast v0, $0x9;
	v63 =	vbroadcast v0, $0xD  }
0x8e: {  	v62 =	vbroadcast v0, $0xE;
	v25 =	vbroadcast v2, $0x0  }
0x8f: {  	v61 =	vbroadcast v0, $0xF;
	v26 =	vbroadcast v2, $0x1  }
0x90: {  	v30 =	vbroadcast v2, $0x2;
	v33 =	vbroadcast v2, $0x3  }
0x91: {  	v16 =	vld [tilespmem:s21+$0x4000];
	v41 =	vbroadcast v2, $0x4;
	v42 =	vbroadcast v2, $0x5  }
0x92: {  	v18 =	vld [tilespmem:s21+$0x1000];
	v43 =	vbroadcast v2, $0x6;
	v44 =	vbroadcast v2, $0x7  }
0x93: {  	v45 =	vbroadcast v2, $0x8;
	v46 =	vbroadcast v2, $0x9  }
0x94: {  	v47 =	vbroadcast v2, $0xA;
	v48 =	vbroadcast v2, $0xB  }
0x95: {  	v49 =	vbroadcast v2, $0xC;
	v4 =	vbroadcast v2, $0xD  }
0x96: {  	v5 =	vbroadcast v2, $0xE;
	v8 =	vbroadcast v16, $0x0  }
0x97: {  	v9 =	vbroadcast v2, $0xF;
	v12 =	vbroadcast v18, $0x0  }
0x98: {  	v27 =	vbroadcast v16, $0x1;
	v28 =	vbroadcast v18, $0x1  }
0x99: {  	v29 =	vbroadcast v16, $0x2;
	v31 =	vbroadcast v18, $0x2  }
0x9a: {  	v32 =	vbroadcast v16, $0x3;
	v34 =	vbroadcast v18, $0x3  }
0x9b: {  	v35 =	vbroadcast v16, $0x4;
	v36 =	vbroadcast v18, $0x4  }
0x9c: {  	v2 =	vld [tilespmem:$0x0];
	v37 =	vbroadcast v16, $0x5;
	v38 =	vbroadcast v18, $0x5  }
0x9d: {  	v3 =	vld [tilespmem:$0xC00];
	v39 =	vbroadcast v16, $0x6;
	v40 =	vbroadcast v18, $0x6  }
0x9e: {  	v50 =	vbroadcast v16, $0x7;
	v51 =	vbroadcast v18, $0x7  }
0x9f: {  	v52 =	vbroadcast v16, $0x8;
	[tilespmem:$0x1FFC0] =	vst v1;
	v1 =	vbroadcast v0, $0xA  }
0xa0: {  	v53 =	vbroadcast v18, $0x8;
	v54 =	vbroadcast v16, $0x9  }
0xa1: {  	[tilespmem:$0x1FFD0] =	vst v1;
	v1 =	vbroadcast v0, $0xB;
	v12 =	vmul.f32 v12, v2  }
0xa2: {  	v8 =	vadd.f32 v8, v3;
	v28 =	vmul.f32 v28, v2;
	v60 =	vmul.f32 v34, v2  }
0xa3: {  	v27 =	vadd.f32 v27, v3;
	v34 =	vbroadcast v16, $0xB;
	v40 =	vmul.f32 v40, v2  }
0xa4: {  	v51 =	vmul.f32 v51, v2;
	[tilespmem:$0x1FFE0] =	vst v1;
	v1 =	vbroadcast v0, $0xC;
	v55 =	vadd.f32 v8, v12  }
0xa5: {  	v8 =	vbroadcast v18, $0x9;
	v12 =	vadd.f32 v29, v3;
	v29 =	vmul.f32 v31, v2  }
0xa6: {  	v31 =	vadd.f32 v32, v3;
	v56 =	vadd.f32 v27, v28;
	v27 =	vbroadcast v16, $0xA  }
0xa7: {  	v28 =	vadd.f32 v35, v3;
	v35 =	vadd.f32 v39, v3;
	v39 =	vbroadcast v16, $0xD  }
0xa8: {  	v57 =	vadd.f32 v12, v29;
	v12 =	vbroadcast v18, $0xA;
	v29 =	vmul.f32 v36, v2  }
0xa9: {  	v58 =	vadd.f32 v31, v60;
	v31 =	vadd.f32 v37, v3;
	v60 =	vmul.f32 v38, v2  }
0xaa: {  	v37 =	vbroadcast v16, $0xC;
	v36 =	vadd.f32 v52, v3;
	v52 =	vadd.f32 v54, v3  }
0xab: {  	v38 =	vmul.f32 v53, v2;
	v27 =	vadd.f32 v27, v3;
	v54 =	vadd.f32 v34, v3  }
0xac: {  	v53 =	vmul.f32 v8, v2;
	v39 =	vadd.f32 v39, v3;
	v59 =	vadd.f32 v28, v29  }
0xad: {  	v8 =	vld [tilespmem:$0x800];
	v28 =	vbroadcast v18, $0xB;
	v60 =	vadd.f32 v31, v60;
	v31 =	vadd.f32 v50, v3  }
0xae: {  	v29 =	vadd.f32 v35, v40;
	v35 =	vbroadcast v18, $0xC;
	v12 =	vmul.f32 v12, v2  }
0xaf: {  	v34 =	vadd.f32 v52, v53;
	v50 =	vbroadcast v18, $0xD;
	v52 =	vbroadcast v18, $0xE  }
0xb0: {  	v53 =	vbroadcast v16, $0xF;
	v31 =	vadd.f32 v31, v51;
	v28 =	vmul.f32 v28, v2  }
0xb1: {  	v51 =	vmul.f32 v35, v2;
	v35 =	vadd.f32 v27, v12;
	v27 =	vbroadcast v16, $0xE  }
0xb2: {  	v32 =	vadd.f32 v36, v38;
	v12 =	vld [tilespmem:$0x400];
	v38 =	vmul.f32 v50, v2;
	v16 =	vmul.f32 v11, v8  }
0xb3: {  	v37 =	vadd.f32 v37, v3;
	v11 =	vbroadcast v18, $0xF;
	v18 =	vmul.f32 v17, v8  }
0xb4: {  	v17 =	vmul.f32 v19, v8;
	v19 =	vadd.f32 v53, v3;
	v20 =	vmul.f32 v20, v8  }
0xb5: {  	v22 =	vmul.f32 v22, v8;
	v36 =	vadd.f32 v54, v28;
	v11 =	vmul.f32 v11, v2  }
0xb6: {  	v28 =	vadd.f32 v37, v51;
	v37 =	vadd.f32 v39, v38;
	v54 =	vmul.f32 v52, v2  }
0xb7: {  	v25 =	vmul.f32 v25, v12;
	v38 =	vadd.f32 v19, v11;
	v19 =	vmul.f32 v21, v8  }
0xb8: {  	v27 =	vadd.f32 v27, v3;
	v11 =	vmul.f32 v26, v12;
	v21 =	vmul.f32 v23, v8  }
0xb9: {  	v23 =	vmul.f32 v24, v8;
	v24 =	vmul.f32 v41, v12;
	v39 =	vadd.f32 v55, v25  }
0xba: {  	v25 =	vmul.f32 v30, v12;
	v40 =	vadd.f32 v56, v11;
	v11 =	vmul.f32 v33, v12  }
0xbb: {  	v30 =	vmul.f32 v43, v12;
	v33 =	vmul.f32 v44, v12  }
0xbc: {  	v27 =	vadd.f32 v27, v54;
	v43 =	vmul.f32 v45, v12;
	v44 =	vmul.f32 v46, v12  }
0xbd: {  	v45 =	vmul.f32 v47, v12;
	v41 =	vadd.f32 v58, v11;
	v11 =	vmul.f32 v42, v12  }
0xbe: {  	v47 =	vimm.f32 $+Inf;
	v46 =	vmul.f32 v48, v12;
	v26 =	vadd.f32 v57, v25  }
0xbf: {  	s21 =	simm.s32 $0x40;
	[tilespmem:$0x1FFF0] =	vst v1;
	v25 =	vadd.f32 v59, v24;
	v24 =	vmul.f32 v49, v12;
	v42 =	vadd.f32 v60, v11  }
.LBB2_7:
0xc0: {  	v0 =	vld [tilespmem:$0x1FFC0];
	_ =	sdelay $0x4  }
0xc1: {  	v13 =	vmul.f32 v9, v12;
	v9 =	vmul.f32 v0, v8;
	v0 =	vld [tilespmem:$0x1FFD0]  }
0xc2: {  	v29 =	vadd.f32 v29, v30;
	v30 =	vadd.f32 v31, v33  }
0xc3: {  	v57 =	vadd.f32 v34, v44;
	v31 =	vadd.f32 v32, v43  }
0xc4: {  	v58 =	vadd.f32 v35, v45;
	v59 =	vadd.f32 v36, v46  }
0xc5: {  	v24 =	vadd.f32 v28, v24;
	v16 =	vadd.f32 v39, v16;
	v14 =	vmul.f32 v5, v12  }
0xc6: {  	s22 =	sshra.s32 s21, $0x2;
	v18 =	vadd.f32 v40, v18;
	v17 =	vadd.f32 v26, v17;
	v7 =	vmul.f32 v0, v8;
	v0 =	vld [tilespmem:$0x1FFE0]  }
0xc7: {  	v1 =	vmul.f32 v62, v8;
	v20 =	vadd.f32 v41, v20;
	v14 =	vadd.f32 v27, v14;
	v27 =	vld [tilespmem:s22+$0x3000]  }
0xc8: {  	v19 =	vadd.f32 v25, v19;
	v22 =	vadd.f32 v42, v22;
	v15 =	vmul.f32 v4, v12  }
0xc9: {  	v21 =	vadd.f32 v29, v21;
	v23 =	vadd.f32 v30, v23;
	v10 =	vmul.f32 v10, v8  }
0xca: {  	v4 =	vmul.f32 v63, v8;
	v15 =	vadd.f32 v37, v15;
	v13 =	vadd.f32 v38, v13  }
0xcb: {  	v10 =	vadd.f32 v31, v10;
	v9 =	vadd.f32 v57, v9;
	v6 =	vmul.f32 v0, v8;
	v0 =	vld [tilespmem:$0x1FFF0]  }
0xcc: {  	v4 =	vadd.f32 v15, v4;
	v1 =	vadd.f32 v14, v1;
	v29 =	vbroadcast v27, $0x0  }
0xcd: {  	v14 =	vmin.f32 v17, v20;
	v30 =	vbroadcast v27, $0x1;
	v17 =	vbroadcast v27, $0x2  }
0xce: {  	v15 =	vmin.f32 v19, v22;
	v19 =	vbroadcast v27, $0x3;
	v22 =	vbroadcast v27, $0x5  }
0xcf: {  	v31 =	vbroadcast v27, $0x7;
	v7 =	vadd.f32 v58, v7;
	v6 =	vadd.f32 v59, v6  }
0xd0: {  	v9 =	vmin.f32 v10, v9;
	v5 =	vmul.f32 v0, v8;
	v0 =	vmul.f32 v61, v8  }
0xd1: {  	v28 =	vbroadcast v27, $0xE;
	v20 =	vmul.f32 v19, v8;
	v6 =	vmin.f32 v7, v6  }
0xd2: {  	v6 =	vmin.f32 v9, v6;
	v5 =	vadd.f32 v24, v5;
	v0 =	vadd.f32 v13, v0  }
0xd3: {  	v13 =	vmin.f32 v16, v18;
	v16 =	vmin.f32 v21, v23;
	v21 =	vbroadcast v27, $0x4;
	v18 =	vld [tilespmem:s22+$0x1000]  }
0xd4: {  	v23 =	vbroadcast v27, $0x6;
	v4 =	vmin.f32 v5, v4;
	v0 =	vmin.f32 v1, v0  }
0xd5: {  	v1 =	vmin.f32 v13, v14;
	v5 =	vmin.f32 v15, v16;
	v0 =	vmin.f32 v4, v0  }
0xd6: {  	v19 =	vmul.f32 v21, v8;
	v1 =	vmin.f32 v1, v5;
	v0 =	vmin.f32 v6, v0  }
0xd7: {  	v21 =	vmul.f32 v23, v8;
	v23 =	vmul.f32 v31, v8;
	v0 =	vmin.f32 v1, v0  }
0xd8: {  	v41 =	vbroadcast v18, $0x0;
	v26 =	vmin.f32 v47, v0;
	v0 =	vbroadcast v27, $0x8  }
0xd9: {  	v43 =	vbroadcast v18, $0x1;
	v45 =	vbroadcast v18, $0x2  }
0xda: {  	v49 =	vbroadcast v18, $0x4;
	[tilespmem:$0x1FF80] =	vst v0;
	v0 =	vbroadcast v27, $0x9  }
0xdb: {  	v51 =	vbroadcast v18, $0x5;
	v53 =	vbroadcast v18, $0x6  }
0xdc: {  	v55 =	vbroadcast v18, $0x7;
	[tilespmem:$0x1FFC0] =	vst v0;
	v0 =	vbroadcast v27, $0xA  }
0xdd: {  	v57 =	vbroadcast v18, $0x8;
	v59 =	vbroadcast v18, $0x9  }
0xde: {  	v13 =	vld [tilespmem:s22+$0x2000];
	v61 =	vbroadcast v18, $0xA;
	[tilespmem:$0x1FFD0] =	vst v0;
	v0 =	vbroadcast v27, $0xB  }
0xdf: {  	v63 =	vbroadcast v18, $0xB;
	v1 =	vbroadcast v18, $0xC  }
0xe0: {  	v5 =	vbroadcast v18, $0xD;
	[tilespmem:$0x1FFE0] =	vst v0;
	v0 =	vbroadcast v27, $0xC  }
0xe1: {  	v25 =	vbroadcast v18, $0xE;
	v10 =	vbroadcast v18, $0xF  }
0xe2: {  	v47 =	vbroadcast v18, $0x3;
	[tilespmem:$0x1FFF0] =	vst v0;
	v0 =	vbroadcast v27, $0xD  }
0xe3: {  	v18 =	vmul.f32 v30, v8;
	v32 =	vbroadcast v13, $0x0  }
0xe4: {  	v16 =	vld [tilespmem:s22+$0x4000];
	v33 =	vbroadcast v13, $0x1;
	[tilespmem:$0x1FF20] =	vst v0;
	v0 =	vbroadcast v13, $0x8  }
0xe5: {  	v34 =	vbroadcast v13, $0x2;
	v35 =	vbroadcast v13, $0x3  }
0xe6: {  	v36 =	vbroadcast v13, $0x4;
	[tilespmem:$0x1FF30] =	vst v0;
	v0 =	vbroadcast v13, $0x9  }
0xe7: {  	v37 =	vbroadcast v13, $0x5;
	v38 =	vbroadcast v13, $0x6  }
0xe8: {  	v39 =	vbroadcast v13, $0x7;
	[tilespmem:$0x1FF60] =	vst v0;
	v0 =	vbroadcast v13, $0xA  }
0xe9: {  	v40 =	vbroadcast v16, $0x0;
	v42 =	vbroadcast v16, $0x1  }
0xea: {  	v44 =	vbroadcast v16, $0x2;
	[tilespmem:$0x1FF90] =	vst v0;
	v0 =	vbroadcast v13, $0xB  }
0xeb: {  	v46 =	vbroadcast v16, $0x3;
	v48 =	vbroadcast v16, $0x4  }
0xec: {  	v50 =	vbroadcast v16, $0x5;
	[tilespmem:$0x1FFA0] =	vst v0;
	v0 =	vbroadcast v13, $0xC  }
0xed: {  	v52 =	vbroadcast v16, $0x6;
	v54 =	vbroadcast v16, $0x7  }
0xee: {  	v56 =	vbroadcast v16, $0x8;
	[tilespmem:$0x1FFB0] =	vst v0;
	v0 =	vbroadcast v13, $0xD  }
0xef: {  	v58 =	vbroadcast v16, $0x9;
	v60 =	vbroadcast v16, $0xA  }
0xf0: {  	v62 =	vbroadcast v16, $0xB;
	[tilespmem:$0x1FF40] =	vst v0;
	v0 =	vbroadcast v13, $0xE  }
0xf1: {  	v4 =	vbroadcast v16, $0xD;
	v6 =	vbroadcast v16, $0xE  }
0xf2: {  	v9 =	vbroadcast v16, $0xF;
	[tilespmem:$0x1FF50] =	vst v0;
	v0 =	vbroadcast v13, $0xF  }
0xf3: {  	v31 =	vmul.f32 v41, v2;
	v1 =	vmul.f32 v1, v2  }
0xf4: {  	v5 =	vmul.f32 v5, v2;
	[tilespmem:$0x1FF70] =	vst v0;
	v0 =	vbroadcast v16, $0xC  }
0xf5: {  	v25 =	vmul.f32 v25, v2;
	v10 =	vmul.f32 v10, v2  }
0xf6: {  	v14 =	vmul.f32 v33, v12;
	v15 =	vmul.f32 v34, v12;
	v0 =	vadd.f32 v0, v3  }
0xf7: {  	v11 =	vmul.f32 v35, v12;
	v24 =	vmul.f32 v36, v12;
	v41 =	vadd.f32 v50, v3  }
0xf8: {  	v7 =	vmul.f32 v37, v12;
	v50 =	vadd.f32 v62, v3;
	v62 =	vmovc v28;
	v28 =	vadd.f32 v0, v1;
	v0 =	vld [tilespmem:$0x1FF60]  }
0xf9: {  	v30 =	vmul.f32 v38, v12;
	v33 =	vmul.f32 v39, v12;
	v35 =	vadd.f32 v44, v3  }
0xfa: {  	v34 =	vmul.f32 v43, v2;
	v39 =	vadd.f32 v48, v3;
	v44 =	vadd.f32 v54, v3  }
0xfb: {  	v48 =	vmul.f32 v55, v2;
	v16 =	vmul.f32 v29, v8;
	v29 =	vadd.f32 v40, v3  }
0xfc: {  	v36 =	vmul.f32 v45, v2;
	v37 =	vadd.f32 v46, v3;
	v45 =	vmul.f32 v53, v2  }
0xfd: {  	v53 =	vadd.f32 v29, v31;
	v31 =	vadd.f32 v44, v48;
	v44 =	vmul.f32 v0, v12;
	v0 =	vld [tilespmem:$0x1FF90]  }
0xfe: {  	v38 =	vmul.f32 v47, v2;
	v43 =	vadd.f32 v52, v3;
	v46 =	vadd.f32 v56, v3  }
0xff: {  	v47 =	vadd.f32 v58, v3;
	v4 =	vadd.f32 v4, v3;
	v52 =	vmul.f32 v59, v2  }
0x100: {  	v6 =	vadd.f32 v6, v3;
	v56 =	vadd.f32 v35, v36;
	v36 =	vmul.f32 v63, v2  }
0x101: {  	v9 =	vadd.f32 v9, v3;
	v55 =	vmul.f32 v61, v2;
	v27 =	vbroadcast v27, $0xF  }
0x102: {  	v36 =	vadd.f32 v50, v36;
	v29 =	vadd.f32 v43, v45;
	v45 =	vmul.f32 v0, v12;
	v0 =	vld [tilespmem:$0x1FFA0]  }
0x103: {  	v61 =	vmovc v27;
	v27 =	vadd.f32 v6, v25;
	v13 =	vmul.f32 v32, v12;
	v32 =	vadd.f32 v42, v3  }
0x104: {  	v42 =	vmul.f32 v51, v2;
	v51 =	vmul.f32 v57, v2;
	v57 =	vadd.f32 v37, v38  }
0x105: {  	v37 =	vadd.f32 v4, v5;
	v38 =	vadd.f32 v9, v10  }
0x106: {  	v40 =	vmul.f32 v49, v2;
	v54 =	vadd.f32 v32, v34;
	v34 =	vadd.f32 v47, v52;
	v47 =	vmovc v26;
	v26 =	vld [tilespmem:$0x1FF30]  }
0x107: {  	p1 =	sne.s32 s21, $0x3FC0;
	v49 =	vadd.f32 v60, v3;
	v32 =	vadd.f32 v46, v51;
	v46 =	vmul.f32 v0, v12;
	v0 =	vld [tilespmem:$0x1FFB0]  }
.Ltmp5:
0x108: {  	v63 =	vld [tilespmem:$0x1FF20];
	v42 =	vadd.f32 v41, v42;
	v41 =	vadd.f32 v57, v11;
	(pc) =	sbr.rel @p1 .LBB2_7-.Ltmp5, $4  }
0x109: {  	v4 =	vld [tilespmem:$0x1FF40];
	v60 =	vadd.f32 v39, v40;
	v35 =	vadd.f32 v49, v55  }
0x10a: {  	v17 =	vmul.f32 v17, v8;
	v10 =	vld [tilespmem:$0x1FF80];
	v40 =	vadd.f32 v54, v14;
	v42 =	vadd.f32 v42, v7  }
0x10b: {  	v22 =	vmul.f32 v22, v8;
	v5 =	vld [tilespmem:$0x1FF50];
	v39 =	vadd.f32 v53, v13;
	v25 =	vadd.f32 v60, v24  }
0x10c: {  	s21 =	sadd.s32 $0x40, s21;
	v9 =	vld [tilespmem:$0x1FF70];
	v43 =	vmul.f32 v26, v12;
	v26 =	vadd.f32 v56, v15;
	v24 =	vmul.f32 v0, v12  }
0x10d: {  	v0 =	vadd.f32 v29, v30  }
0x10e: {  	v1 =	vadd.f32 v31, v33;
	v44 =	vadd.f32 v34, v44  }
0x10f: {  	v6 =	vadd.f32 v35, v45;
	v7 =	vadd.f32 v36, v46  }
0x110: {  	v48 =	vld [tilespmem:$0x1FFC0];
	v13 =	vadd.f32 v39, v16;
	v14 =	vadd.f32 v40, v18  }
0x111: {  	v15 =	vld [tilespmem:$0x1FFD0];
	v50 =	vadd.f32 v41, v20;
	v19 =	vadd.f32 v25, v19;
	v54 =	vmul.f32 v63, v8  }
0x112: {  	v51 =	vld [tilespmem:$0x1FFE0];
	v52 =	vadd.f32 v42, v22;
	v55 =	vmul.f32 v62, v8;
	v56 =	vmul.f32 v61, v8  }
0x113: {  	v53 =	vld [tilespmem:$0x1FFF0];
	v2 =	vmul.f32 v4, v12;
	v3 =	vadd.f32 v32, v43;
	v11 =	vadd.f32 v28, v24  }
0x114: {  	v49 =	vadd.f32 v26, v17;
	v10 =	vmul.f32 v10, v8;
	v0 =	vadd.f32 v0, v21  }
0x115: {  	v1 =	vadd.f32 v1, v23;
	v5 =	vmul.f32 v5, v12;
	v2 =	vadd.f32 v37, v2  }
0x116: {  	v9 =	vmul.f32 v9, v12;
	v3 =	vadd.f32 v3, v10;
	v12 =	vmul.f32 v48, v8  }
0x117: {  	v5 =	vadd.f32 v27, v5;
	v15 =	vmul.f32 v15, v8;
	v18 =	vmul.f32 v51, v8  }
0x118: {  	v22 =	vmul.f32 v53, v8;
	v2 =	vadd.f32 v2, v54;
	v9 =	vadd.f32 v38, v9  }
0x119: {  	v57 =	vmin.f32 v13, v14;
	v4 =	vadd.f32 v44, v12;
	v6 =	vadd.f32 v6, v15  }
0x11a: {  	v59 =	vmin.f32 v19, v52;
	v7 =	vadd.f32 v7, v18;
	v11 =	vadd.f32 v11, v22  }
0x11b: {  	v58 =	vmin.f32 v49, v50;
	v5 =	vadd.f32 v5, v55;
	v8 =	vadd.f32 v9, v56  }
0x11c: {  	v0 =	vmin.f32 v0, v1;
	v63 =	vmin.f32 v57, v58;
	v60 =	vmin.f32 v3, v4  }
0x11d: {  	v61 =	vmin.f32 v6, v7;
	v2 =	vmin.f32 v11, v2;
	v62 =	vmin.f32 v5, v8  }
0x11e: {  	v0 =	vmin.f32 v59, v0;
	v1 =	vmin.f32 v60, v61;
	v2 =	vmin.f32 v2, v62  }
0x11f: {  	v0 =	vmin.f32 v63, v0;
	v1 =	vmin.f32 v1, v2  }
0x120: {  	v0 =	vmin.f32 v0, v1  }
0x121: {  	v0 =	vmin.f32 v47, v0  }
.Ltmp6:
0x122: {  	[tilespmem:$0x5000] =	vst v0;
	(pc) =	sbr.rel .LBB2_13-.Ltmp6, $4  }
0x123: {  	[hbm4b:s16+s2] =	stream.linear.scatter [tilespmem:s18], [sflag:$0x1], $0x10, $0x38;
	[tilespmem:$0x5400] =	vst v63  }
0x124: {  	_ =	swait.ge [sflag:s19], $0x10  }
0x125: {  	[sflag:s19] =	ssyncset.done $0x0  }
0x126: {  	[sflag:s19] =	ssyncadd.s32 $0xFFFFFFF0  }
.LBB2_9:
0x127: {  	s22 =	simm.s32 $0x0  }
0x128: {  	v0 =	vld [tilespmem:s22+$0x3000];
	_ =	sdelay $0x2  }
0x129: {  	v1 =	vld [tilespmem:s22+$0x2000]  }
0x12a: {  	v2 =	vld [tilespmem:s22+$0x4000]  }
0x12b: {  	v3 =	vld [tilespmem:s22+$0x1000];
	v49 =	vbroadcast v0, $0x0;
	v56 =	vbroadcast v0, $0x1  }
0x12c: {  	v61 =	vbroadcast v0, $0x2;
	v47 =	vbroadcast v0, $0x3  }
0x12d: {  	v59 =	vbroadcast v0, $0x4;
	v46 =	vbroadcast v0, $0x5  }
0x12e: {  	v60 =	vbroadcast v0, $0x6;
	v50 =	vbroadcast v0, $0x7  }
0x12f: {  	v52 =	vbroadcast v1, $0x0;
	v7 =	vbroadcast v1, $0x1  }
0x130: {  	v4 =	vbroadcast v2, $0x0;
	v8 =	vbroadcast v3, $0x0  }
0x131: {  	v10 =	vbroadcast v2, $0x1;
	v9 =	vbroadcast v3, $0x1  }
0x132: {  	v43 =	vbroadcast v2, $0x2;
	v5 =	vbroadcast v3, $0x2  }
0x133: {  	v44 =	vbroadcast v2, $0x3;
	v6 =	vbroadcast v3, $0x3  }
0x134: {  	v48 =	vbroadcast v2, $0x4;
	v30 =	vbroadcast v3, $0x4  }
0x135: {  	v11 =	vbroadcast v2, $0x5;
	v33 =	vbroadcast v3, $0x5  }
0x136: {  	v12 =	vbroadcast v2, $0x6;
	v36 =	vbroadcast v3, $0x6  }
0x137: {  	v13 =	vbroadcast v2, $0x7;
	v38 =	vbroadcast v3, $0x7  }
0x138: {  	v14 =	vbroadcast v2, $0x8;
	v40 =	vbroadcast v3, $0x8  }
0x139: {  	s22 =	sshll.u32 s21, $0x5;
	v15 =	vbroadcast v2, $0x9;
	v45 =	vbroadcast v3, $0x9  }
0x13a: {  	v19 =	vld [tilespmem:s22+$0xC10];
	v16 =	vbroadcast v2, $0xA;
	v42 =	vbroadcast v3, $0xA  }
0x13b: {  	v20 =	vld [tilespmem:s22+$0x10];
	v17 =	vbroadcast v2, $0xB;
	v51 =	vbroadcast v3, $0xB  }
0x13c: {  	v18 =	vbroadcast v2, $0xC;
	v54 =	vbroadcast v3, $0xC  }
0x13d: {  	v21 =	vbroadcast v2, $0xD;
	v53 =	vbroadcast v3, $0xD  }
0x13e: {  	v22 =	vbroadcast v2, $0xE;
	v55 =	vbroadcast v3, $0xE  }
0x13f: {  	v25 =	vbroadcast v2, $0xF;
	v57 =	vbroadcast v3, $0xF  }
0x140: {  	v2 =	vadd.f32 v4, v19;
	[tilespmem:$0x1FC00] =	vst v8;
	v3 =	vmul.f32 v8, v20;
	v8 =	vadd.f32 v10, v19  }
0x141: {  	[tilespmem:$0x1FC10] =	vst v9;
	v9 =	vmul.f32 v9, v20;
	v23 =	vadd.f32 v43, v19;
	v24 =	vmul.f32 v5, v20  }
0x142: {  	v26 =	vadd.f32 v44, v19;
	v27 =	vmul.f32 v6, v20;
	v28 =	vadd.f32 v48, v19  }
0x143: {  	v29 =	vadd.f32 v11, v19;
	[tilespmem:$0x1FC40] =	vst v30;
	v30 =	vmul.f32 v30, v20;
	v31 =	vadd.f32 v12, v19  }
0x144: {  	v32 =	vadd.f32 v13, v19;
	[tilespmem:$0x1FC50] =	vst v33;
	v33 =	vmul.f32 v33, v20;
	v34 =	vadd.f32 v14, v19  }
0x145: {  	v35 =	vadd.f32 v15, v19;
	[tilespmem:$0x1FC60] =	vst v36;
	v36 =	vmul.f32 v36, v20;
	v37 =	vadd.f32 v16, v19  }
0x146: {  	v39 =	vadd.f32 v17, v19;
	[tilespmem:$0x1FC80] =	vst v40;
	v40 =	vmul.f32 v40, v20;
	v62 =	vmul.f32 v42, v20  }
0x147: {  	[tilespmem:$0x1FC30] =	vst v6;
	v63 =	vadd.f32 v21, v19;
	v6 =	vbroadcast v0, $0xD;
	v2 =	vadd.f32 v2, v3  }
0x148: {  	[tilespmem:$0x1FC70] =	vst v38;
	v3 =	vmul.f32 v38, v20;
	v38 =	vadd.f32 v8, v9;
	v23 =	vadd.f32 v23, v24  }
0x149: {  	[tilespmem:$0x1FC20] =	vst v5;
	v5 =	vbroadcast v0, $0xE;
	v26 =	vadd.f32 v26, v27;
	v27 =	vadd.f32 v18, v19  }
0x14a: {  	[tilespmem:$0x1FC90] =	vst v45;
	v41 =	vadd.f32 v28, v30;
	v30 =	vmul.f32 v45, v20;
	v58 =	vadd.f32 v29, v33  }
0x14b: {  	[tilespmem:$0x1FCA0] =	vst v51;
	v8 =	vadd.f32 v31, v36;
	v24 =	vld [tilespmem:s22+$0x410];
	v28 =	vadd.f32 v34, v40;
	v36 =	vmul.f32 v54, v20  }
0x14c: {  	[tilespmem:$0x1FCB0] =	vst v53;
	v31 =	vadd.f32 v37, v62;
	v9 =	vadd.f32 v32, v3;
	v3 =	vmul.f32 v51, v20  }
0x14d: {  	[tilespmem:$0x1FCC0] =	vst v55;
	v37 =	vmul.f32 v53, v20;
	v29 =	vadd.f32 v35, v30;
	v32 =	vadd.f32 v27, v36  }
0x14e: {  	[tilespmem:$0x1FCD0] =	vst v57;
	v27 =	vmul.f32 v55, v20;
	v30 =	vadd.f32 v39, v3;
	v3 =	vadd.f32 v22, v19  }
0x14f: {  	[tilespmem:$0x1FCE0] =	vst v52;
	v40 =	vadd.f32 v25, v19;
	v45 =	vmul.f32 v57, v20;
	v53 =	vbroadcast v1, $0x3  }
0x150: {  	[tilespmem:$0x1FCF0] =	vst v7;
	v57 =	vbroadcast v0, $0x8;
	v34 =	vadd.f32 v3, v27;
	v3 =	vmul.f32 v52, v24  }
0x151: {  	[tilespmem:$0x1FE30] =	vst v49;
	v33 =	vadd.f32 v63, v37;
	v51 =	vbroadcast v1, $0x2;
	v27 =	vmul.f32 v7, v24  }
0x152: {  	[tilespmem:$0x1FE50] =	vst v56;
	v35 =	vadd.f32 v40, v45;
	v36 =	vadd.f32 v2, v3;
	v3 =	vmul.f32 v53, v24  }
0x153: {  	[tilespmem:$0x1FE60] =	vst v61;
	v7 =	vbroadcast v1, $0x4;
	v2 =	vmul.f32 v51, v24;
	v37 =	vadd.f32 v38, v27;
	v27 =	vld [tilespmem:s22+$0xC00]  }
0x154: {  	[tilespmem:$0x1FE80] =	vst v47;
	v55 =	vbroadcast v1, $0x5;
	v39 =	vadd.f32 v26, v3;
	v3 =	vbroadcast v0, $0x9  }
0x155: {  	v45 =	vbroadcast v0, $0xC;
	[tilespmem:$0x1FD20] =	vst v7;
	v38 =	vadd.f32 v23, v2;
	v2 =	vmul.f32 v7, v24  }
0x156: {  	v7 =	vbroadcast v0, $0xB;
	[tilespmem:$0x1FD30] =	vst v3;
	v3 =	vmul.f32 v55, v24  }
0x157: {  	[tilespmem:$0x1FD40] =	vst v55;
	v55 =	vbroadcast v0, $0xA;
	v0 =	vbroadcast v0, $0xF  }
0x158: {  	[tilespmem:$0x1FE90] =	vst v59;
	v40 =	vadd.f32 v41, v2;
	v2 =	vadd.f32 v48, v27  }
0x159: {  	v12 =	vadd.f32 v12, v27;
	[tilespmem:$0x1FD50] =	vst v0  }
0x15a: {  	v0 =	vadd.f32 v4, v27;
	[tilespmem:$0x1FD90] =	vst v2  }
0x15b: {  	v4 =	vadd.f32 v11, v27;
	[tilespmem:$0x1FDB0] =	vst v12  }
0x15c: {  	v62 =	vbroadcast v1, $0x6;
	v63 =	vbroadcast v1, $0x7;
	[tilespmem:$0x1FD60] =	vst v0;
	v0 =	vadd.f32 v10, v27  }
0x15d: {  	v41 =	vadd.f32 v58, v3;
	v3 =	vbroadcast v1, $0xA;
	v12 =	vbroadcast v1, $0xD;
	[tilespmem:$0x1FDA0] =	vst v4  }
0x15e: {  	v11 =	vbroadcast v1, $0xC;
	v2 =	vbroadcast v1, $0x9;
	[tilespmem:$0x1FD70] =	vst v0;
	v0 =	vadd.f32 v44, v27  }
0x15f: {  	v4 =	vbroadcast v1, $0xB;
	[tilespmem:$0x1FDC0] =	vst v12;
	v12 =	vbroadcast v1, $0xE  }
0x160: {  	[tilespmem:$0x1FD80] =	vst v0;
	v0 =	vbroadcast v1, $0x8;
	v1 =	vbroadcast v1, $0xF  }
0x161: {  	[tilespmem:$0x1FEB0] =	vst v46  }
0x162: {  	[tilespmem:$0x1FDE0] =	vst v1;
	v1 =	vadd.f32 v13, v27  }
0x163: {  	[tilespmem:$0x1FEC0] =	vst v60  }
0x164: {  	[tilespmem:$0x1FDF0] =	vst v1;
	v1 =	vadd.f32 v14, v27  }
0x165: {  	[tilespmem:$0x1FEE0] =	vst v50  }
0x166: {  	[tilespmem:$0x1FE00] =	vst v1;
	v1 =	vadd.f32 v15, v27  }
0x167: {  	[tilespmem:$0x1FD10] =	vst v53  }
0x168: {  	[tilespmem:$0x1FE10] =	vst v1;
	v1 =	vadd.f32 v16, v27  }
0x169: {  	[tilespmem:$0x1FEF0] =	vst v62;
	v26 =	vld [tilespmem:s22+$0x810]  }
0x16a: {  	[tilespmem:$0x1FE20] =	vst v1;
	v1 =	vadd.f32 v17, v27  }
0x16b: {  	[tilespmem:$0x1FD00] =	vst v51  }
0x16c: {  	[tilespmem:$0x1FE40] =	vst v1;
	v1 =	vadd.f32 v18, v27  }
0x16d: {  	[tilespmem:$0x1FF10] =	vst v63;
	v58 =	vmul.f32 v62, v24  }
0x16e: {  	v23 =	vmul.f32 v50, v26;
	v62 =	vmul.f32 v3, v24;
	[tilespmem:$0x1FE70] =	vst v1;
	v1 =	vadd.f32 v21, v27  }
0x16f: {  	v48 =	vimm.f32 $+Inf;
	[tilespmem:$0x1FDD0] =	vst v12;
	v12 =	vmul.f32 v49, v26;
	v13 =	vmul.f32 v61, v26  }
0x170: {  	v61 =	vmul.f32 v2, v24;
	v14 =	vmul.f32 v59, v26;
	[tilespmem:$0x1FEA0] =	vst v1;
	v1 =	vadd.f32 v22, v27  }
0x171: {  	v10 =	vmovc v42;
	v42 =	vadd.f32 v43, v27;
	v59 =	vmul.f32 v63, v24;
	v63 =	vmul.f32 v11, v24  }
0x172: {  	v15 =	vmul.f32 v60, v26;
	v60 =	vmul.f32 v0, v24;
	v18 =	vld [tilespmem:s22+$0x800];
	[tilespmem:$0x1FED0] =	vst v1;
	v1 =	vadd.f32 v25, v27  }
0x173: {  	v50 =	vmovc v11;
	v43 =	vmovc v4;
	v49 =	vmov v3;
	v16 =	vmul.f32 v56, v26;
	v17 =	vmul.f32 v47, v26;
	v22 =	vld [tilespmem:s22+$0x400]  }
0x174: {  	s24 =	simm.s32 $0x40;
	s23 =	sor.u32 $0x10, s22;
	v44 =	vimm.f32 $+Inf;
	v56 =	vmovc v2;
	v47 =	vmovc v0;
	v0 =	vmul.f32 v4, v24;
	v21 =	vmul.f32 v46, v26;
	v25 =	vld [tilespmem:s22+$0x0];
	[tilespmem:$0x1FF00] =	vst v1  }
.LBB2_10:
0x175: {  	v53 =	vld [tilespmem:$0x1FDD0]  }
0x176: {  	v1 =	vld [tilespmem:$0x1FC00]  }
0x177: {  	v28 =	vadd.f32 v28, v60  }
0x178: {  	v29 =	vadd.f32 v29, v61;
	v31 =	vadd.f32 v31, v62  }
0x179: {  	v16 =	vadd.f32 v37, v16;
	v0 =	vadd.f32 v30, v0;
	v62 =	vmul.f32 v7, v26  }
0x17a: {  	v46 =	vld [tilespmem:$0x1FDC0];
	v8 =	vadd.f32 v8, v58;
	v9 =	vadd.f32 v9, v59  }
0x17b: {  	v59 =	vmul.f32 v53, v24;
	v0 =	vadd.f32 v0, v62;
	v62 =	vmul.f32 v1, v25;
	v1 =	vld [tilespmem:$0x1FC10]  }
0x17c: {  	v51 =	vld [tilespmem:$0x1FDE0];
	v32 =	vadd.f32 v32, v63;
	v12 =	vadd.f32 v36, v12  }
0x17d: {  	v61 =	vld [tilespmem:$0x1FD30];
	v13 =	vadd.f32 v38, v13;
	v34 =	vadd.f32 v34, v59;
	v59 =	vmul.f32 v55, v26  }
0x17e: {  	v17 =	vadd.f32 v39, v17;
	v8 =	vadd.f32 v8, v15;
	v63 =	vmul.f32 v45, v26  }
0x17f: {  	v9 =	vadd.f32 v9, v23;
	v31 =	vadd.f32 v31, v59;
	v59 =	vld [tilespmem:$0x1FD50]  }
0x180: {  	v58 =	vmul.f32 v46, v24;
	v32 =	vadd.f32 v32, v63;
	v63 =	vmul.f32 v1, v25;
	v1 =	vld [tilespmem:$0x1FC20]  }
0x181: {  	v12 =	vmin.f32 v12, v16;
	v60 =	vmul.f32 v57, v26;
	v30 =	vmul.f32 v51, v24  }
0x182: {  	v13 =	vmin.f32 v13, v17;
	v33 =	vadd.f32 v33, v58;
	v58 =	vmul.f32 v61, v26  }
0x183: {  	v15 =	vmul.f32 v6, v26;
	v23 =	vadd.f32 v28, v60;
	v30 =	vadd.f32 v35, v30  }
0x184: {  	v28 =	vadd.f32 v29, v58;
	v29 =	vmul.f32 v5, v26;
	v60 =	vmul.f32 v59, v26  }
0x185: {  	v12 =	vmin.f32 v12, v13;
	v15 =	vadd.f32 v33, v15;
	v13 =	vmul.f32 v1, v25;
	v1 =	vld [tilespmem:$0x1FC30]  }
0x186: {  	v29 =	vadd.f32 v34, v29;
	v30 =	vadd.f32 v30, v60  }
0x187: {  	v8 =	vmin.f32 v8, v9;
	v9 =	vmin.f32 v23, v28  }
0x188: {  	v0 =	vmin.f32 v31, v0;
	v15 =	vmin.f32 v32, v15;
	v16 =	vmin.f32 v29, v30  }
0x189: {  	v0 =	vmin.f32 v9, v0;
	v9 =	vmin.f32 v15, v16  }
0x18a: {  	v0 =	vmin.f32 v0, v9;
	v9 =	vmul.f32 v1, v25;
	v1 =	vld [tilespmem:$0x1FC40]  }
0x18b: {  	v14 =	vadd.f32 v40, v14;
	v21 =	vadd.f32 v41, v21;
	_ =	sdelay $0x1  }
0x18c: {  	v14 =	vmin.f32 v14, v21  }
0x18d: {  	v8 =	vmin.f32 v14, v8  }
0x18e: {  	v8 =	vmin.f32 v12, v8;
	v12 =	vmul.f32 v1, v25;
	v1 =	vld [tilespmem:$0x1FC50];
	_ =	sdelay $0x4  }
0x18f: {  	v0 =	vmin.f32 v8, v0;
	v8 =	vmul.f32 v1, v25;
	v1 =	vld [tilespmem:$0x1FC60];
	_ =	sdelay $0x4  }
0x190: {  	v14 =	vmul.f32 v1, v25;
	v1 =	vld [tilespmem:$0x1FC70];
	_ =	sdelay $0x4  }
0x191: {  	v15 =	vmul.f32 v1, v25;
	v1 =	vld [tilespmem:$0x1FC80];
	_ =	sdelay $0x4  }
0x192: {  	v16 =	vmul.f32 v1, v25;
	v1 =	vld [tilespmem:$0x1FD70];
	_ =	sdelay $0x4  }
0x193: {  	v17 =	vadd.f32 v1, v63;
	v1 =	vld [tilespmem:$0x1FC90];
	_ =	sdelay $0x4  }
0x194: {  	v21 =	vmul.f32 v1, v25;
	v1 =	vld [tilespmem:$0x1FCA0];
	_ =	sdelay $0x4  }
0x195: {  	v28 =	vmul.f32 v1, v25;
	v1 =	vld [tilespmem:$0x1FD80];
	_ =	sdelay $0x4  }
0x196: {  	v9 =	vadd.f32 v1, v9;
	v1 =	vld [tilespmem:$0x1FCB0];
	_ =	sdelay $0x4  }
0x197: {  	v30 =	vmul.f32 v1, v25;
	v1 =	vld [tilespmem:$0x1FCC0];
	_ =	sdelay $0x4  }
0x198: {  	v31 =	vmul.f32 v1, v25;
	v1 =	vld [tilespmem:$0x1FD90];
	_ =	sdelay $0x4  }
0x199: {  	v12 =	vadd.f32 v1, v12;
	v1 =	vld [tilespmem:$0x1FDA0];
	_ =	sdelay $0x4  }
0x19a: {  	v8 =	vadd.f32 v1, v8;
	v1 =	vld [tilespmem:$0x1FCD0];
	_ =	sdelay $0x4  }
0x19b: {  	v37 =	vmul.f32 v1, v25;
	v1 =	vld [tilespmem:$0x1FCE0];
	_ =	sdelay $0x4  }
0x19c: {  	v39 =	vmul.f32 v1, v22;
	v1 =	vld [tilespmem:$0x1FDB0];
	_ =	sdelay $0x4  }
0x19d: {  	v14 =	vadd.f32 v1, v14;
	v1 =	vld [tilespmem:$0x1FDF0];
	_ =	sdelay $0x2  }
0x19e: {  	v2 =	vld [tilespmem:$0x1FE10]  }
0x19f: {  	v41 =	vmov v6;
	v6 =	vld [tilespmem:$0x1FD10]  }
0x1a0: {  	v3 =	vadd.f32 v1, v15;
	v1 =	vld [tilespmem:$0x1FCF0];
	_ =	sdelay $0x2  }
0x1a1: {  	v4 =	vld [tilespmem:$0x1FD00]  }
0x1a2: {  	v2 =	vadd.f32 v2, v21;
	v21 =	vmul.f32 v6, v22;
	v6 =	vld [tilespmem:$0x1FE70]  }
0x1a3: {  	v15 =	vmul.f32 v1, v22;
	v1 =	vld [tilespmem:$0x1FE00]  }
0x1a4: {  	v58 =	vmov v5;
	v5 =	vld [tilespmem:$0x1FE40]  }
0x1a5: {  	v23 =	vmul.f32 v10, v25;
	v10 =	vld [tilespmem:$0x1FD20];
	v29 =	vmul.f32 v54, v25  }
0x1a6: {  	v44 =	vmin.f32 v44, v0;
	v0 =	vld [tilespmem:$0x1FD60]  }
0x1a7: {  	v6 =	vadd.f32 v6, v29;
	v29 =	vld [tilespmem:$0x1FEF0]  }
0x1a8: {  	v1 =	vadd.f32 v1, v16;
	v16 =	vmul.f32 v4, v22;
	v4 =	vld [tilespmem:$0x1FE20]  }
0x1a9: {  	v15 =	vadd.f32 v17, v15;
	v17 =	vld [tilespmem:$0x1FF10]  }
0x1aa: {  	v52 =	vmovc v7;
	v7 =	vld [tilespmem:$0x1FEA0];
	v5 =	vadd.f32 v5, v28;
	v9 =	vadd.f32 v9, v21;
	v21 =	vmul.f32 v43, v22;
	_ =	sdelay $0x1  }
0x1ab: {  	v13 =	vadd.f32 v42, v13;
	v5 =	vadd.f32 v5, v21;
	v21 =	vld [tilespmem:$0x1FE80]  }
0x1ac: {  	v29 =	vmul.f32 v29, v22;
	v4 =	vadd.f32 v4, v23;
	v23 =	vmul.f32 v10, v22;
	v10 =	vld [tilespmem:$0x1FED0]  }
0x1ad: {  	v42 =	vmul.f32 v50, v22;
	v0 =	vadd.f32 v0, v62;
	v28 =	vld [tilespmem:$0x1FD40];
	v17 =	vmul.f32 v17, v22  }
0x1ae: {  	v54 =	vmul.f32 v41, v18;
	v7 =	vadd.f32 v7, v30;
	v14 =	vadd.f32 v14, v29;
	v29 =	vld [tilespmem:$0x1FE30]  }
0x1af: {  	v13 =	vadd.f32 v13, v16;
	v16 =	vmul.f32 v56, v22;
	v3 =	vadd.f32 v3, v17;
	v17 =	vld [tilespmem:$0x1FE50]  }
0x1b0: {  	v11 =	vld [tilespmem:$0x1FF00];
	v21 =	vmul.f32 v21, v18;
	v12 =	vadd.f32 v12, v23;
	v23 =	vmul.f32 v46, v22  }
0x1b1: {  	v2 =	vadd.f32 v2, v16;
	v16 =	vld [tilespmem:$0x1FE60];
	v10 =	vadd.f32 v10, v31;
	v31 =	vmul.f32 v49, v22  }
0x1b2: {  	s25 =	sshra.s32 s24, $0x2;
	v6 =	vadd.f32 v6, v42;
	v28 =	vmul.f32 v28, v22;
	v7 =	vadd.f32 v7, v23;
	v23 =	vld [tilespmem:$0x1FE90]  }
0x1b3: {  	v30 =	vmul.f32 v47, v22;
	v9 =	vadd.f32 v9, v21;
	v4 =	vadd.f32 v4, v31;
	v31 =	vld [tilespmem:s25+$0x3000]  }
0x1b4: {  	v0 =	vadd.f32 v0, v39;
	v29 =	vmul.f32 v29, v18;
	v17 =	vmul.f32 v17, v18  }
0x1b5: {  	v8 =	vadd.f32 v8, v28;
	v28 =	vmul.f32 v51, v22;
	v11 =	vadd.f32 v11, v37  }
0x1b6: {  	v0 =	vadd.f32 v0, v29;
	v16 =	vmul.f32 v16, v18;
	v15 =	vadd.f32 v15, v17  }
0x1b7: {  	v1 =	vadd.f32 v1, v30;
	v17 =	vmul.f32 v57, v18;
	v23 =	vmul.f32 v23, v18  }
0x1b8: {  	v13 =	vadd.f32 v13, v16;
	v0 =	vmin.f32 v0, v15;
	v15 =	vbroadcast v31, $0x0  }
0x1b9: {  	v12 =	vadd.f32 v12, v23;
	v23 =	vmul.f32 v58, v18;
	v58 =	vbroadcast v31, $0x1  }
0x1ba: {  	v1 =	vadd.f32 v1, v17;
	v9 =	vmin.f32 v13, v9;
	v13 =	vld [tilespmem:s25+$0x1000];
	v17 =	vbroadcast v31, $0x3;
	[tilespmem:$0x1FE30] =	vst v15  }
0x1bb: {  	v21 =	vmul.f32 v45, v18;
	v11 =	vadd.f32 v11, v28;
	v28 =	vld [tilespmem:$0x1FEC0];
	v62 =	vbroadcast v31, $0x4;
	[tilespmem:$0x1FE50] =	vst v58  }
0x1bc: {  	v29 =	vld [tilespmem:$0x1FEE0];
	v16 =	vmul.f32 v55, v18;
	v63 =	vbroadcast v31, $0x5;
	[tilespmem:$0x1FE80] =	vst v17  }
0x1bd: {  	v43 =	vmul.f32 v53, v22;
	v6 =	vadd.f32 v6, v21;
	v30 =	vld [tilespmem:$0x1FEB0];
	v51 =	vbroadcast v31, $0x6;
	[tilespmem:$0x1FE90] =	vst v62  }
0x1be: {  	v7 =	vadd.f32 v7, v54;
	v4 =	vadd.f32 v4, v16;
	v16 =	vbroadcast v31, $0x7;
	[tilespmem:$0x1FEB0] =	vst v63  }
0x1bf: {  	v47 =	vmul.f32 v52, v18;
	v52 =	vbroadcast v13, $0x1;
	[tilespmem:$0x1FEC0] =	vst v51  }
0x1c0: {  	v28 =	vmul.f32 v28, v18;
	v21 =	vmin.f32 v6, v7;
	v6 =	vbroadcast v13, $0x5;
	[tilespmem:$0x1FEE0] =	vst v16  }
0x1c1: {  	v29 =	vmul.f32 v29, v18;
	v7 =	vbroadcast v13, $0x6;
	[tilespmem:$0x1FC10] =	vst v52  }
0x1c2: {  	v14 =	vadd.f32 v14, v28;
	v30 =	vmul.f32 v30, v18;
	v50 =	vbroadcast v13, $0x7;
	[tilespmem:$0x1FC50] =	vst v6  }
0x1c3: {  	v3 =	vadd.f32 v3, v29;
	v55 =	vmul.f32 v59, v18;
	v15 =	vbroadcast v31, $0x2;
	[tilespmem:$0x1FC60] =	vst v7  }
0x1c4: {  	v46 =	vmul.f32 v61, v18;
	v8 =	vadd.f32 v8, v30;
	v16 =	vbroadcast v31, $0x8;
	[tilespmem:$0x1FC70] =	vst v50  }
0x1c5: {  	v10 =	vadd.f32 v10, v43;
	v11 =	vadd.f32 v11, v55;
	v55 =	vbroadcast v13, $0x8;
	[tilespmem:$0x1FE60] =	vst v15  }
0x1c6: {  	v3 =	vmin.f32 v14, v3;
	v8 =	vmin.f32 v12, v8;
	v15 =	vld [tilespmem:s25+$0x2000];
	[tilespmem:$0x1FB30] =	vst v16;
	v16 =	vbroadcast v31, $0x9  }
0x1c7: {  	v10 =	vadd.f32 v10, v23;
	v8 =	vmin.f32 v8, v3;
	v3 =	vbroadcast v13, $0x2;
	[tilespmem:$0x1FC80] =	vst v55  }
0x1c8: {  	[tilespmem:$0x1FD30] =	vst v16;
	v16 =	vbroadcast v31, $0xA  }
0x1c9: {  	v2 =	vadd.f32 v2, v46;
	v23 =	vmin.f32 v10, v11;
	v11 =	vbroadcast v13, $0x0;
	[tilespmem:$0x1FC20] =	vst v3  }
0x1ca: {  	[tilespmem:$0x1FB40] =	vst v16;
	v16 =	vbroadcast v31, $0xB  }
0x1cb: {  	v1 =	vmin.f32 v1, v2;
	[tilespmem:$0x1FC00] =	vst v11;
	v2 =	vbroadcast v15, $0x8  }
0x1cc: {  	v12 =	vld [tilespmem:s25+$0x4000];
	v43 =	vbroadcast v15, $0x0;
	[tilespmem:$0x1FB80] =	vst v16  }
0x1cd: {  	v42 =	vbroadcast v15, $0x1;
	[tilespmem:$0x1FB60] =	vst v2  }
0x1ce: {  	v46 =	vbroadcast v15, $0x2;
	[tilespmem:$0x1FCE0] =	vst v43  }
0x1cf: {  	v5 =	vadd.f32 v5, v47;
	v47 =	vbroadcast v15, $0x3;
	[tilespmem:$0x1FCF0] =	vst v42  }
0x1d0: {  	v16 =	vbroadcast v31, $0xC;
	[tilespmem:$0x1FD00] =	vst v46  }
0x1d1: {  	v0 =	vmin.f32 v0, v9;
	v9 =	vbroadcast v12, $0x0;
	v49 =	vbroadcast v15, $0x5;
	[tilespmem:$0x1FD10] =	vst v47  }
0x1d2: {  	v2 =	vmin.f32 v4, v5;
	[tilespmem:$0x1FB50] =	vst v16;
	v16 =	vbroadcast v31, $0xD  }
0x1d3: {  	v28 =	vbroadcast v12, $0x1;
	[tilespmem:$0x1FD40] =	vst v49;
	v29 =	vmin.f32 v1, v2;
	v1 =	vadd.f32 v9, v27  }
0x1d4: {  	[tilespmem:$0x1FBB0] =	vst v16;
	v16 =	vbroadcast v31, $0xE  }
0x1d5: {  	v56 =	vbroadcast v13, $0xA;
	v30 =	vbroadcast v12, $0x2;
	[tilespmem:$0x1FD60] =	vst v1;
	v1 =	vadd.f32 v28, v27  }
0x1d6: {  	v54 =	vbroadcast v13, $0xB;
	v59 =	vbroadcast v15, $0x6;
	[tilespmem:$0x1FBC0] =	vst v16  }
0x1d7: {  	v16 =	vbroadcast v31, $0xF;
	[tilespmem:$0x1FD70] =	vst v1;
	v31 =	vbroadcast v12, $0x3;
	v1 =	vadd.f32 v30, v27  }
0x1d8: {  	v60 =	vbroadcast v12, $0xE;
	v4 =	vbroadcast v15, $0x9;
	[tilespmem:$0x1FEF0] =	vst v59  }
0x1d9: {  	v53 =	vbroadcast v13, $0xD;
	v32 =	vbroadcast v12, $0x4;
	[tilespmem:$0x1FBE0] =	vst v1;
	v1 =	vadd.f32 v31, v27  }
0x1da: {  	v17 =	vmul.f32 v17, v26;
	v14 =	vmul.f32 v62, v26;
	v2 =	vadd.f32 v60, v27;
	[tilespmem:$0x1FB70] =	vst v4  }
0x1db: {  	v10 =	vbroadcast v13, $0x9;
	v33 =	vbroadcast v12, $0x5;
	[tilespmem:$0x1FD80] =	vst v1;
	v1 =	vadd.f32 v32, v27  }
0x1dc: {  	v34 =	vbroadcast v12, $0x6;
	v4 =	vbroadcast v15, $0xA;
	[tilespmem:$0x1FED0] =	vst v2  }
0x1dd: {  	v35 =	vbroadcast v12, $0x7;
	v36 =	vbroadcast v12, $0x8;
	[tilespmem:$0x1FD90] =	vst v1;
	v1 =	vadd.f32 v33, v27  }
0x1de: {  	v37 =	vbroadcast v12, $0x9;
	[tilespmem:$0x1FB90] =	vst v4;
	v4 =	vbroadcast v15, $0xB  }
0x1df: {  	v38 =	vbroadcast v12, $0xA;
	v39 =	vbroadcast v12, $0xB;
	[tilespmem:$0x1FDA0] =	vst v1;
	v1 =	vadd.f32 v34, v27  }
0x1e0: {  	v0 =	vmin.f32 v0, v8;
	v40 =	vbroadcast v12, $0xC;
	v41 =	vbroadcast v12, $0xD;
	[tilespmem:$0x1FBD0] =	vst v4  }
0x1e1: {  	v8 =	vld [tilespmem:$0x1FEE0];
	v61 =	vbroadcast v12, $0xF;
	v45 =	vbroadcast v15, $0x4;
	[tilespmem:$0x1FDB0] =	vst v1;
	v1 =	vadd.f32 v35, v27  }
0x1e2: {  	v57 =	vbroadcast v15, $0x7;
	v4 =	vbroadcast v15, $0xC;
	[tilespmem:$0x1FD50] =	vst v16  }
0x1e3: {  	v5 =	vbroadcast v13, $0x4;
	v62 =	vmul.f32 v43, v24;
	[tilespmem:$0x1FDF0] =	vst v1;
	v1 =	vadd.f32 v36, v27  }
0x1e4: {  	v43 =	vmul.f32 v47, v24;
	[tilespmem:$0x1FBF0] =	vst v4;
	v4 =	vbroadcast v15, $0xD  }
0x1e5: {  	v16 =	vmul.f32 v58, v26;
	v58 =	vmin.f32 v21, v23;
	[tilespmem:$0x1FE00] =	vst v1;
	v1 =	vadd.f32 v37, v27  }
0x1e6: {  	v23 =	vmul.f32 v8, v26;
	v8 =	vmin.f32 v29, v58;
	v29 =	vmul.f32 v46, v24;
	[tilespmem:$0x1FDC0] =	vst v4  }
0x1e7: {  	v47 =	vmul.f32 v55, v20;
	v2 =	vbroadcast v13, $0xF;
	[tilespmem:$0x1FE10] =	vst v1;
	v1 =	vadd.f32 v38, v27  }
0x1e8: {  	v21 =	vmul.f32 v63, v26;
	v4 =	vbroadcast v15, $0xE;
	[tilespmem:$0x1FBA0] =	vst v29  }
0x1e9: {  	v63 =	vmul.f32 v42, v24;
	v42 =	vmul.f32 v49, v24;
	[tilespmem:$0x1FE20] =	vst v1;
	v1 =	vadd.f32 v39, v27  }
0x1ea: {  	v58 =	vmul.f32 v59, v24;
	v0 =	vmin.f32 v0, v8;
	[tilespmem:$0x1FDD0] =	vst v4;
	v4 =	vbroadcast v15, $0xF  }
0x1eb: {  	v8 =	vmul.f32 v11, v20;
	v48 =	vmin.f32 v48, v0;
	[tilespmem:$0x1FE40] =	vst v1;
	v1 =	vbroadcast v13, $0xC  }
0x1ec: {  	v0 =	vadd.f32 v9, v19;
	v9 =	vadd.f32 v28, v19;
	v28 =	vmul.f32 v52, v20;
	[tilespmem:$0x1FDE0] =	vst v4  }
0x1ed: {  	v29 =	vadd.f32 v30, v19;
	v4 =	vbroadcast v13, $0x3;
	[tilespmem:$0x1FB20] =	vst v1;
	v1 =	vadd.f32 v40, v27  }
0x1ee: {  	[tilespmem:$0x1FC40] =	vst v5;
	v30 =	vmul.f32 v3, v20;
	v0 =	vadd.f32 v0, v8;
	v49 =	vadd.f32 v9, v28  }
0x1ef: {  	v3 =	vmul.f32 v4, v20;
	v36 =	vadd.f32 v36, v19;
	[tilespmem:$0x1FE70] =	vst v1;
	v1 =	vadd.f32 v41, v27  }
0x1f0: {  	[tilespmem:$0x1FC30] =	vst v4;
	v4 =	vmul.f32 v5, v20;
	v5 =	vmul.f32 v10, v20;
	v37 =	vadd.f32 v37, v19  }
0x1f1: {  	v28 =	vadd.f32 v36, v47;
	v36 =	vadd.f32 v0, v62;
	v0 =	vld [tilespmem:$0x1FB90];
	[tilespmem:$0x1FEA0] =	vst v1;
	v1 =	vbroadcast v13, $0xE  }
0x1f2: {  	[tilespmem:$0x1FF10] =	vst v57;
	v31 =	vadd.f32 v31, v19;
	v59 =	vmul.f32 v57, v24;
	v46 =	vmul.f32 v50, v20  }
0x1f3: {  	v50 =	vadd.f32 v29, v30;
	v29 =	vadd.f32 v37, v5;
	[tilespmem:$0x1FCC0] =	vst v1;
	v5 =	vmul.f32 v1, v20;
	v1 =	vld [tilespmem:$0x1FB60]  }
0x1f4: {  	v57 =	vmul.f32 v7, v20;
	v32 =	vadd.f32 v32, v19;
	v11 =	vmovc v44;
	v44 =	vmul.f32 v6, v20  }
0x1f5: {  	v55 =	vld [tilespmem:$0x1FB40];
	v6 =	vadd.f32 v61, v19;
	v7 =	vmovc v48;
	v48 =	vadd.f32 v60, v19;
	v60 =	vmul.f32 v56, v20  }
0x1f6: {  	v38 =	vadd.f32 v38, v19;
	v37 =	vadd.f32 v49, v63;
	v49 =	vmovc v0;
	v62 =	vmul.f32 v0, v24;
	v0 =	vld [tilespmem:$0x1FBA0]  }
0x1f7: {  	[tilespmem:$0x1FCA0] =	vst v54;
	v12 =	vld [tilespmem:$0x1FE30];
	v52 =	vmul.f32 v53, v20;
	v33 =	vadd.f32 v33, v19;
	v15 =	vmul.f32 v51, v26  }
0x1f8: {  	v3 =	vadd.f32 v31, v3;
	v31 =	vadd.f32 v38, v60;
	v47 =	vmovc v1;
	v60 =	vmul.f32 v1, v24;
	v1 =	vld [tilespmem:$0x1FB70]  }
0x1f9: {  	[tilespmem:$0x1FD20] =	vst v45;
	v51 =	vmul.f32 v45, v24;
	v45 =	vld [tilespmem:$0x1FB50];
	v34 =	vadd.f32 v34, v19;
	v44 =	vadd.f32 v33, v44  }
0x1fa: {  	[tilespmem:$0x1FCB0] =	vst v53;
	v30 =	vmul.f32 v54, v20;
	v35 =	vadd.f32 v35, v19;
	v54 =	vld [tilespmem:$0x1FB20];
	v13 =	vadd.f32 v61, v27  }
0x1fb: {  	[tilespmem:$0x1FC90] =	vst v10;
	v53 =	vmul.f32 v2, v20;
	v8 =	vadd.f32 v34, v57;
	v38 =	vadd.f32 v50, v0;
	v0 =	vld [tilespmem:$0x1FBD0]  }
0x1fc: {  	v10 =	vmov v56;
	v9 =	vadd.f32 v35, v46;
	v39 =	vadd.f32 v39, v19;
	[tilespmem:$0x1FF00] =	vst v13;
	v13 =	vld [tilespmem:$0x1FE60]  }
0x1fd: {  	p1 =	sne.s32 s24, $0xC0;
	v35 =	vadd.f32 v6, v53;
	v4 =	vadd.f32 v32, v4;
	v56 =	vmovc v1;
	v61 =	vmul.f32 v1, v24;
	v1 =	vld [tilespmem:$0x1FBF0]  }
.Ltmp7:
0x1fe: {  	v12 =	vmul.f32 v12, v26;
	v57 =	vld [tilespmem:$0x1FB30];
	v30 =	vadd.f32 v39, v30;
	v41 =	vadd.f32 v41, v19;
	(pc) =	sbr.rel @p1 .LBB2_10-.Ltmp7, $4  }
0x1ff: {  	v6 =	vld [tilespmem:$0x1FBB0];
	v39 =	vadd.f32 v3, v43;
	v40 =	vadd.f32 v40, v19;
	v32 =	vmul.f32 v54, v20  }
0x200: {  	[tilespmem:$0x1FCD0] =	vst v2;
	v33 =	vadd.f32 v41, v52;
	v41 =	vadd.f32 v44, v42;
	v42 =	vld [tilespmem:$0x1FBE0];
	v44 =	vmovc v11;
	v43 =	vmov v0  }
0x201: {  	v0 =	vmul.f32 v0, v24;
	v32 =	vadd.f32 v40, v32;
	v34 =	vadd.f32 v48, v5;
	v48 =	vmovc v7;
	v7 =	vld [tilespmem:$0x1FB80]  }
0x202: {  	s24 =	sadd.s32 $0x40, s24;
	v5 =	vld [tilespmem:$0x1FBC0];
	v40 =	vadd.f32 v4, v51;
	v13 =	vmul.f32 v13, v26;
	v50 =	vmovc v1;
	v63 =	vmul.f32 v1, v24  }
0x203: {  	v27 =	vld [tilespmem:$0x1FDC0]  }
0x204: {  	v53 =	vld [tilespmem:$0x1FDD0]  }
0x205: {  	v51 =	vld [tilespmem:$0x1FDE0]  }
0x206: {  	v3 =	vadd.f32 v28, v60;
	v28 =	vld [tilespmem:$0x1FD30]  }
0x207: {  	v21 =	vadd.f32 v41, v21;
	v41 =	vld [tilespmem:$0x1FC10]  }
0x208: {  	v1 =	vadd.f32 v8, v58;
	v11 =	vadd.f32 v31, v62;
	v60 =	vmul.f32 v55, v26;
	v52 =	vld [tilespmem:$0x1FC20]  }
0x209: {  	v2 =	vadd.f32 v9, v59;
	v20 =	vmul.f32 v57, v26;
	v14 =	vadd.f32 v40, v14;
	v40 =	vld [tilespmem:$0x1FC00]  }
0x20a: {  	v58 =	vadd.f32 v32, v63;
	v63 =	vadd.f32 v11, v60;
	v60 =	vld [tilespmem:$0x1FC30]  }
0x20b: {  	v3 =	vadd.f32 v3, v20;
	v20 =	vld [tilespmem:$0x1FC60]  }
0x20c: {  	v17 =	vadd.f32 v39, v17;
	v62 =	vmul.f32 v45, v26;
	v2 =	vadd.f32 v2, v23;
	v23 =	vld [tilespmem:$0x1FDA0]  }
0x20d: {  	v13 =	vadd.f32 v38, v13;
	v1 =	vadd.f32 v1, v15;
	v11 =	vld [tilespmem:$0x1FE70]  }
0x20e: {  	v9 =	vadd.f32 v58, v62;
	v62 =	vld [tilespmem:$0x1FC40]  }
0x20f: {  	v13 =	vmin.f32 v13, v17;
	v14 =	vmin.f32 v14, v21;
	v17 =	vld [tilespmem:$0x1FD80];
	v1 =	vmin.f32 v1, v2  }
0x210: {  	v4 =	vadd.f32 v29, v61;
	v29 =	vmul.f32 v27, v24;
	v1 =	vmin.f32 v14, v1;
	v14 =	vld [tilespmem:$0x1FD70]  }
0x211: {  	v31 =	vmul.f32 v53, v24;
	v19 =	vmul.f32 v51, v24;
	v24 =	vld [tilespmem:$0x1FC70]  }
0x212: {  	v59 =	vmul.f32 v28, v26;
	v58 =	vmul.f32 v52, v25;
	v52 =	vld [tilespmem:$0x1FCB0]  }
0x213: {  	v46 =	vmov v10;
	v10 =	vadd.f32 v33, v29;
	v29 =	vld [tilespmem:$0x1FD50]  }
0x214: {  	v0 =	vadd.f32 v30, v0;
	v61 =	vmul.f32 v7, v26;
	v4 =	vadd.f32 v4, v59;
	v59 =	vld [tilespmem:$0x1FD60]  }
0x215: {  	v33 =	vld [tilespmem:$0x1FC80]  }
0x216: {  	v0 =	vadd.f32 v0, v61;
	v19 =	vadd.f32 v35, v19;
	v35 =	vld [tilespmem:$0x1FDB0]  }
0x217: {  	v12 =	vadd.f32 v36, v12;
	v36 =	vmul.f32 v6, v26;
	v61 =	vmul.f32 v60, v25;
	v60 =	vld [tilespmem:$0x1FCD0]  }
0x218: {  	v0 =	vmin.f32 v63, v0;
	v63 =	vmul.f32 v62, v25;
	v62 =	vld [tilespmem:$0x1FE10]  }
0x219: {  	v32 =	vmov v6;
	v6 =	vadd.f32 v10, v36;
	v36 =	vld [tilespmem:$0x1FC90]  }
0x21a: {  	v16 =	vadd.f32 v37, v16;
	v2 =	vmul.f32 v41, v25;
	v39 =	vmin.f32 v3, v4;
	v10 =	vld [tilespmem:$0x1FE40]  }
0x21b: {  	v8 =	vadd.f32 v34, v31;
	v21 =	vmul.f32 v20, v25;
	v0 =	vmin.f32 v39, v0;
	v39 =	vld [tilespmem:$0x1FDF0]  }
0x21c: {  	v3 =	vmin.f32 v9, v6;
	v6 =	vmul.f32 v40, v25;
	v40 =	vld [tilespmem:$0x1FCA0];
	v38 =	vmul.f32 v29, v26  }
0x21d: {  	v37 =	vmul.f32 v5, v26;
	v2 =	vadd.f32 v14, v2;
	v14 =	vadd.f32 v35, v21;
	v35 =	vld [tilespmem:$0x1FED0]  }
0x21e: {  	v15 =	vadd.f32 v19, v38;
	v19 =	vld [tilespmem:$0x1FD90]  }
0x21f: {  	v8 =	vadd.f32 v8, v37;
	v38 =	vmul.f32 v46, v25;
	v46 =	vld [tilespmem:$0x1FE00]  }
0x220: {  	v37 =	vmul.f32 v36, v25;
	v36 =	vld [tilespmem:$0x1FCF0]  }
0x221: {  	v12 =	vmin.f32 v12, v16;
	v4 =	vmin.f32 v8, v15;
	v15 =	vld [tilespmem:$0x1FC50]  }
0x222: {  	v26 =	vmul.f32 v24, v25;
	v34 =	vmul.f32 v33, v25;
	v8 =	vadd.f32 v42, v58;
	v58 =	vld [tilespmem:$0x1FCC0]  }
0x223: {  	v9 =	vadd.f32 v17, v61;
	v61 =	vmul.f32 v60, v25;
	v41 =	vmul.f32 v40, v25;
	v40 =	vld [tilespmem:$0x1FD10]  }
0x224: {  	v31 =	vmovc v5;
	v5 =	vmin.f32 v12, v13;
	v42 =	vmul.f32 v54, v25;
	v54 =	vmul.f32 v52, v25;
	v52 =	vld [tilespmem:$0x1FF10]  }
0x225: {  	v60 =	vmul.f32 v43, v22;
	v6 =	vadd.f32 v59, v6;
	v20 =	vadd.f32 v10, v41;
	v41 =	vld [tilespmem:$0x1FD20]  }
0x226: {  	v43 =	vmul.f32 v28, v18;
	v17 =	vadd.f32 v62, v37;
	v21 =	vadd.f32 v11, v42;
	v42 =	vld [tilespmem:$0x1FD40]  }
0x227: {  	v62 =	vmul.f32 v27, v22;
	v12 =	vadd.f32 v19, v63;
	v63 =	vld [tilespmem:$0x1FE20];
	v37 =	vmul.f32 v36, v22  }
0x228: {  	v36 =	vld [tilespmem:$0x1FE60];
	v20 =	vadd.f32 v20, v60;
	v16 =	vmul.f32 v15, v25;
	v15 =	vadd.f32 v39, v26  }
0x229: {  	v59 =	vmul.f32 v58, v25;
	v26 =	vld [tilespmem:$0x1FCE0];
	v2 =	vadd.f32 v2, v37;
	v58 =	vmul.f32 v56, v22  }
0x22a: {  	v39 =	vld [tilespmem:$0x1FD00];
	v13 =	vadd.f32 v23, v16;
	v16 =	vadd.f32 v46, v34;
	v23 =	vmul.f32 v40, v22  }
0x22b: {  	v34 =	vld [tilespmem:$0x1FEA0];
	v10 =	vadd.f32 v35, v59;
	v25 =	vmul.f32 v41, v22;
	v59 =	vmul.f32 v49, v22  }
0x22c: {  	v46 =	vld [tilespmem:$0x1FEF0];
	v17 =	vadd.f32 v17, v58;
	v49 =	vmul.f32 v45, v18;
	v19 =	vadd.f32 v63, v38  }
0x22d: {  	v63 =	vmul.f32 v53, v22;
	v9 =	vadd.f32 v9, v23;
	v12 =	vadd.f32 v12, v25  }
0x22e: {  	v23 =	vmul.f32 v52, v22;
	v25 =	vmul.f32 v36, v18;
	v17 =	vadd.f32 v17, v43  }
0x22f: {  	v38 =	vld [tilespmem:$0x1FF00];
	v52 =	vmul.f32 v29, v18;
	v24 =	vmul.f32 v39, v22;
	v19 =	vadd.f32 v19, v59  }
0x230: {  	v30 =	vmovc v7;
	v33 =	vmul.f32 v26, v22;
	v10 =	vadd.f32 v10, v63;
	v7 =	vadd.f32 v34, v54  }
0x231: {  	v37 =	vld [tilespmem:$0x1FE80];
	v8 =	vadd.f32 v8, v24;
	v24 =	vmul.f32 v42, v22;
	v26 =	vmul.f32 v46, v22  }
0x232: {  	v35 =	vld [tilespmem:$0x1FE50];
	v6 =	vadd.f32 v6, v33;
	v54 =	vmul.f32 v47, v22;
	v33 =	vmul.f32 v51, v22  }
0x233: {  	v40 =	vld [tilespmem:$0x1FEC0];
	v15 =	vadd.f32 v15, v23;
	v42 =	vmul.f32 v57, v18;
	v46 =	vmul.f32 v55, v18  }
0x234: {  	v34 =	vld [tilespmem:$0x1FE30];
	v47 =	vmul.f32 v30, v18;
	v51 =	vmul.f32 v31, v18;
	v11 =	vadd.f32 v38, v61  }
0x235: {  	v39 =	vld [tilespmem:$0x1FEB0];
	v61 =	vmul.f32 v50, v22;
	v13 =	vadd.f32 v13, v24;
	v14 =	vadd.f32 v14, v26  }
0x236: {  	v22 =	vmul.f32 v37, v18;
	v38 =	vld [tilespmem:$0x1FE90];
	v16 =	vadd.f32 v16, v54;
	v7 =	vadd.f32 v7, v62  }
0x237: {  	v50 =	vmul.f32 v32, v18;
	v8 =	vadd.f32 v8, v25;
	v19 =	vadd.f32 v19, v46  }
0x238: {  	v41 =	vld [tilespmem:$0x1FEE0];
	v24 =	vmul.f32 v35, v18;
	v20 =	vadd.f32 v20, v47;
	v54 =	vadd.f32 v10, v51  }
0x239: {  	v21 =	vadd.f32 v21, v61;
	v11 =	vadd.f32 v11, v33;
	v23 =	vmul.f32 v34, v18  }
0x23a: {  	v9 =	vadd.f32 v9, v22;
	v22 =	vmul.f32 v39, v18;
	v2 =	vadd.f32 v2, v24  }
0x23b: {  	v24 =	vmul.f32 v40, v18;
	v6 =	vadd.f32 v6, v23;
	v23 =	vmul.f32 v38, v18  }
0x23c: {  	v16 =	vadd.f32 v16, v42;
	v53 =	vadd.f32 v7, v50;
	v59 =	vmin.f32 v19, v20  }
0x23d: {  	v13 =	vadd.f32 v13, v22;
	v12 =	vadd.f32 v12, v23;
	v23 =	vmul.f32 v41, v18  }
0x23e: {  	v21 =	vadd.f32 v21, v49;
	v55 =	vadd.f32 v11, v52;
	v8 =	vmin.f32 v8, v9  }
0x23f: {  	v14 =	vadd.f32 v14, v24;
	v58 =	vmin.f32 v16, v17;
	v15 =	vadd.f32 v15, v23  }
0x240: {  	v7 =	vmin.f32 v54, v55;
	v61 =	vmin.f32 v58, v59;
	v2 =	vmin.f32 v6, v2  }
0x241: {  	s21 =	sadd.s32 $0x1, s21;
	v6 =	vmin.f32 v21, v53;
	v56 =	vmin.f32 v12, v13;
	v57 =	vmin.f32 v14, v15  }
0x242: {  	p1 =	sne.s32 s21, $0x20;
	v2 =	vmin.f32 v2, v8;
	v6 =	vmin.f32 v6, v7;
	v60 =	vmin.f32 v56, v57  }
.Ltmp8:
0x243: {  	v3 =	vmin.f32 v3, v4;
	v62 =	vmin.f32 v61, v6;
	v2 =	vmin.f32 v2, v60;
	(pc) =	sbr.rel @p1 .LBB2_9-.Ltmp8, $4  }
0x244: {  	v1 =	vmin.f32 v5, v1;
	v0 =	vmin.f32 v0, v3;
	v2 =	vmin.f32 v2, v62  }
0x245: {  	v0 =	vmin.f32 v1, v0;
	v63 =	vmin.f32 v48, v2  }
0x246: {  	v0 =	vmin.f32 v44, v0;
	[tilespmem:s22+$0x5000] =	vst v63  }
0x247: {  	[tilespmem:s23+$0x5000] =	vst v0  }
.Ltmp9:
0x248: {  	(pc) =	sbr.rel .LBB2_13-.Ltmp9, $4  }
0x249: {  	[hbm4b:s15+s2] =	stream.linear.scatter [tilespmem:s18], [sflag:$0x1], $0x400, $0x38;
	[tilespmem:$0x5400] =	vst v63  }
0x24a: {  	_ =	swait.ge [sflag:s19], $0x400  }
0x24b: {  	[sflag:s19] =	ssyncset.done $0x0  }
0x24c: {  	[sflag:s19] =	ssyncadd.s32 $0xFFFFFC00  }
.LBB2_14:
0x24d: {  	_ =	sfence.sel $0x180000  }
0x24e: {  	[bflag:$0x0] =	sbarrier.arrive $0xFFFF  }
0x24f: {  	p0 =	sne.s32 s1, $0x0;
	_ =	strace $0x90000047  }
0x250: {  	s0 =	sadd.s32 @!p0 $0x100000, s0;
	[bflag:$0x2] =	sbarrier.arrive $0xFFFF  }
0x251: {  	[sflag:s0] =	ssyncadd.tile.s32 @!p0 $0x1;
	_ =	shalt  }
.Lfunc_end2:
_tile_overlayer_lowered:
.L_overlay_start_2:
0x252: {  	(tag) =	ssettag $0x2  }
0x253: {  	s0 =	rddreg [dreg:$0x0];
	s2 =	stileid.u32  }
0x254: {  	s1 =	rddreg [dreg:$0x1];
	p0 =	sne.s32 s2, $0x0  }
0x255: {  	s3 =	rddreg [dreg:$0x2];
	[bflag:$0x3] =	sbarrier.arrive $0xFFFF;
	s2 =	simm.s32 @!p0 $0x1C01  }
0x256: {  	[timem:s3], [sflag:s2] =	dma.local @!p0 [hbm:s0], s1  }
0x257: {  	s0 =	simm.s32 @!p0 $0x1  }
0x258: {  	_ =	swait.ge @!p0 [sflag:s0], s1  }
0x259: {  	s1 =	ssub.s32 @!p0 $0x0, s1;
	[sflag:s0] =	ssyncset.done @!p0 $0x0  }
0x25a: {  	[sflag:s0] =	ssyncadd.s32 @!p0 s1  }
0x25b: {  	[bflag:$0x3] =	sbarrier.arrive $0xFFFF  }
0x25c: {  	_ =	shalt  }

</sc_bundles>
